<compile_context>
chip_gen: v7x
topology: tpu7x:2x2x1
jax: 0.10.2.dev20260603
libtpu: 0.0.44.dev20260713+nightly
codegen_flags: <defaults>
</compile_context>

<pallas_src>
import functools

import jax
import jax.numpy as jnp
from jax import lax
from jax.experimental import pallas as pl
from jax.experimental.pallas import tpu as pltpu
from jax.experimental.pallas import tpu_sc as plsc

N = 10000
E = 320000
F = 128
G = 64
ITERS = 10

NC = 2
NS = 16
NW = NC * NS
CHUNK = 128
NBUF = 2
NCHUNKS = E // CHUNK
CH80 = 80
CH72 = 72
W72 = 8
NEXTRA = NCHUNKS - W72 * CH72 - (NW - W72) * CH80
STAGE = 40
ACC_ROWS = 10240
ROWS_PER_TILE = ACC_ROWS // NS


def _sc_aggregate(edges3, x, zeros_blk):
    mesh = plsc.VectorSubcoreMesh(core_axis_name="c", subcore_axis_name="s")

    @functools.partial(
        pl.kernel,
        out_type=jax.ShapeDtypeStruct((NC, ACC_ROWS, F), jnp.float32),
        mesh=mesh,
        scratch_types=[
            pltpu.VMEM((STAGE, 2, CHUNK), jnp.int32),
            pltpu.VMEM((NBUF, CHUNK, F), jnp.float32),
            pltpu.VMEM_SHARED((ACC_ROWS, F), jnp.float32),
        ] + [pltpu.SemaphoreType.DMA] * (2 * NBUF),
    )
    def agg_kernel(edges_hbm, x_hbm, zeros_hbm, out_hbm,
                   eidx_v, bufs, acc, *sems):
        gsems = sems[:NBUF]
        ssems = sems[NBUF:]
        cid = lax.axis_index("c")
        sid = lax.axis_index("s")
        wid = cid * NS + sid
        base = sid * ROWS_PER_TILE

        pltpu.sync_copy(zeros_hbm, bufs.at[0])
        for t in range(ROWS_PER_TILE // CHUNK):
            pltpu.sync_copy(bufs.at[0], acc.at[pl.ds(base + t * CHUNK, CHUNK)])
        REM = ROWS_PER_TILE % CHUNK
        if REM:
            pltpu.sync_copy(
                bufs.at[0, pl.ds(0, REM)],
                acc.at[pl.ds(base + ROWS_PER_TILE - REM, REM)])
        plsc.subcore_barrier()

        c0 = jnp.where(wid < W72, CH72 * wid,
                       W72 * CH72 + CH80 * (wid - W72))
        nch2 = jnp.where(wid < W72, CH72 - STAGE, CH80 - STAGE)

        def run_stage(row0, ngroups, last_idx):
            row0 = pl.multiple_of(row0, 8)
            pltpu.sync_copy(edges_hbm.at[pl.ds(row0, STAGE)], eidx_v)

            for b in range(NBUF):
                pltpu.async_copy(x_hbm.at[eidx_v.at[b, 0]], bufs.at[b],
                                 gsems[b])

            def group(g, carry):
                j0 = g * NBUF
                for b in range(NBUF):
                    pltpu.make_async_copy(
                        x_hbm.at[eidx_v.at[j0 + b, 0]], bufs.at[b],
                        gsems[b]).wait()
                    pltpu.sync_copy(bufs.at[b], acc.at[eidx_v.at[j0 + b, 1]],
                                    add=True)
                    nj = jnp.minimum(j0 + NBUF + b, last_idx)
                    pltpu.async_copy(
                        x_hbm.at[eidx_v.at[nj, 0]], bufs.at[b], gsems[b])
                return carry

            lax.fori_loop(0, ngroups, group, 0)
            for b in range(NBUF):
                pltpu.make_async_copy(
                    x_hbm.at[eidx_v.at[last_idx, 0]], bufs.at[b],
                    gsems[b]).wait()

        run_stage(c0, STAGE // NBUF, STAGE - 1)
        run_stage(c0 + STAGE, nch2 // NBUF, nch2 - 1)

        @pl.when(wid < NEXTRA)
        def _extra():
            r0 = W72 * CH72 + (NW - W72) * CH80
            pltpu.sync_copy(edges_hbm.at[pl.ds(r0, NEXTRA)],
                            eidx_v.at[pl.ds(0, NEXTRA)])
            pltpu.async_copy(
                x_hbm.at[eidx_v.at[wid, 0]], bufs.at[0], gsems[0]).wait()
            pltpu.sync_copy(bufs.at[0], acc.at[eidx_v.at[wid, 1]], add=True)

        plsc.subcore_barrier()

        for t in range(ROWS_PER_TILE // CHUNK):
            r0 = base + t * CHUNK
            pltpu.sync_copy(acc.at[pl.ds(r0, CHUNK)], bufs.at[0])
            pltpu.sync_copy(bufs.at[0], out_hbm.at[cid, pl.ds(r0, CHUNK)])
        if REM:
            r0 = base + ROWS_PER_TILE - REM
            pltpu.sync_copy(acc.at[pl.ds(r0, REM)], bufs.at[0, pl.ds(0, REM)])
            pltpu.sync_copy(bufs.at[0, pl.ds(0, REM)],
                            out_hbm.at[cid, pl.ds(r0, REM)])

    return agg_kernel(edges3, x, zeros_blk)


BN = 2000
NBLK = N // BN


def _dense_kernel(x_ref, p_ref, b_ref, w1a_ref, b1a_ref, w1b_ref, b1b_ref,
                  gamma_ref, beta_ref, wl1_ref, bl1_ref, wl2_ref, bl2_ref,
                  wm1_ref, bm1_ref, wm2_ref, bm2_ref, out_ref,
                  sum_s, sq_s, seg_s, cnt_s):
    i = pl.program_id(0)

    @pl.when(i == 0)
    def _init():
        sum_s[...] = jnp.zeros_like(sum_s)
        sq_s[...] = jnp.zeros_like(sq_s)
        seg_s[...] = jnp.zeros_like(seg_s)
        cnt_s[...] = jnp.zeros_like(cnt_s)

    h = x_ref[...] + p_ref[0] + p_ref[1]
    h = lax.dot_general(h, w1a_ref[...], (((1,), (0,)), ((), ())),
                        preferred_element_type=jnp.float32) + b1a_ref[...]
    h = jnp.maximum(h, 0.0)
    h = lax.dot_general(h, w1b_ref[...], (((1,), (0,)), ((), ())),
                        preferred_element_type=jnp.float32) + b1b_ref[...]
    x1 = jnp.maximum(h, 0.0)

    sum_s[...] += jnp.sum(x1, axis=0, keepdims=True)
    sq_s[...] += jnp.sum(x1 * x1, axis=0, keepdims=True)

    bb = b_ref[0]
    onehot = (bb.reshape(BN, 1) ==
              lax.broadcasted_iota(jnp.int32, (1, G), 1)).astype(jnp.float32)
    seg_s[...] += lax.dot_general(onehot, x1, (((0,), (0,)), ((), ())),
                                  preferred_element_type=jnp.float32)
    cnt_s[...] += jnp.sum(onehot, axis=0, keepdims=True)

    @pl.when(i == NBLK - 1)
    def _finish():
        mean = sum_s[...] / float(N)
        var = sq_s[...] / float(N) - mean * mean
        scale = gamma_ref[...] * lax.rsqrt(var + 1e-5)
        counts = cnt_s[...]
        counts_col = counts.reshape(G, 1)
        seg = seg_s[...]
        pooled = scale * (seg - counts_col * mean) + counts_col * beta_ref[...]
        x_new = pooled / jnp.maximum(counts_col, 1.0)

        def mm(a, b):
            return lax.dot_general(a, b, (((1,), (0,)), ((), ())),
                                   preferred_element_type=jnp.float32)

        wl1 = wl1_ref[...]
        wl2 = wl2_ref[...]
        base_p = mm(x_new, wl1[:F]) + bl1_ref[...]
        base_q = mm(x_new, wl2[:F]) + bl2_ref[...]
        hh = x_new
        for _ in range(ITERS):
            p = base_p + mm(hh, wl1[F:])
            q = base_q + mm(hh, wl2[F:])
            hh = jnp.concatenate(
                [jnp.tanh(q), 1.0 / (1.0 + jnp.exp(-p))], axis=1)

        o = jnp.maximum(mm(hh, wm1_ref[...]) + bm1_ref[...], 0.0)
        o = mm(o, wm2_ref[...]) + bm2_ref[...]
        out_ref[...] = o


def kernel(x, edge_index, batch, W1a, b1a, W1b, b1b, gamma, beta,
           Wl1, bl1, Wl2, bl2, Wm1, bm1, Wm2, bm2):
    edges3 = edge_index.reshape(2, NCHUNKS, CHUNK).transpose(1, 0, 2)
    zeros_blk = jnp.zeros((CHUNK, F), jnp.float32)

    partials = _sc_aggregate(edges3, x, zeros_blk)

    DIM = Wm1.shape[1]
    OUT = Wm2.shape[1]
    batch3 = batch.reshape(NBLK, 1, BN)

    row_spec = pl.BlockSpec((BN, F), lambda i: (i, 0))
    full = lambda shape: pl.BlockSpec(shape, lambda i: tuple(0 for _ in shape))

    out = pl.pallas_call(
        _dense_kernel,
        grid=(NBLK,),
        in_specs=[
            row_spec,
            pl.BlockSpec((NC, BN, F), lambda i: (0, i, 0)),
            pl.BlockSpec((1, 1, BN), lambda i: (i, 0, 0)),
            full((F, F)), full((1, F)), full((F, F)), full((1, F)),
            full((1, F)), full((1, F)),
            full((2 * F, G)), full((1, G)), full((2 * F, G)), full((1, G)),
            full((F, DIM)), full((1, DIM)), full((DIM, OUT)), full((1, OUT)),
        ],
        out_specs=pl.BlockSpec((G, OUT), lambda i: (0, 0)),
        out_shape=jax.ShapeDtypeStruct((G, OUT), jnp.float32),
        scratch_shapes=[
            pltpu.VMEM((1, F), jnp.float32),
            pltpu.VMEM((1, F), jnp.float32),
            pltpu.VMEM((G, F), jnp.float32),
            pltpu.VMEM((1, G), jnp.float32),
        ],
    )(x, partials, batch3, W1a, b1a.reshape(1, F), W1b, b1b.reshape(1, F),
      gamma.reshape(1, F), beta.reshape(1, F),
      Wl1, bl1.reshape(1, G), Wl2, bl2.reshape(1, G),
      Wm1, bm1.reshape(1, DIM), Wm2, bm2.reshape(1, OUT))

    return out

# --- scband reference (transcript-rebuilt; emitter-appended) ---
"""Pipeline reference for scband-ggrnet-55439437856836 (READ-ONLY COPY).

The authoritative reference and input builder live on the scoring server;
editing this copy changes nothing except your own understanding.
"""

import jax, jax.numpy as jnp
import numpy as np

N = 10000
E = 320000
F_ = 128
G = 64
DIM = 95
OUT = 10
ITERS = 10


def setup_inputs(seed: int = 0) -> dict:
    key = jax.random.key(seed)
    ks = jax.random.split(key, 20)
    x = jax.random.normal(ks[0], (N, F_), dtype=jnp.float32)
    edge_index = jax.random.randint(ks[1], (2, E), 0, N, dtype=jnp.int32)
    batch = jnp.sort(jax.random.randint(ks[2], (N,), 0, G, dtype=jnp.int32))
    s = 0.05
    W1a = jax.random.normal(ks[3], (F_, F_), jnp.float32) * s
    b1a = jnp.zeros((F_,), jnp.float32)
    W1b = jax.random.normal(ks[4], (F_, F_), jnp.float32) * s
    b1b = jnp.zeros((F_,), jnp.float32)
    gamma = jnp.ones((F_,), jnp.float32)
    beta = jnp.zeros((F_,), jnp.float32)
    Wl1 = jax.random.normal(ks[5], (2 * F_, F_ // 2), jnp.float32) * s
    bl1 = jnp.zeros((F_ // 2,), jnp.float32)
    Wl2 = jax.random.normal(ks[6], (2 * F_, F_ // 2), jnp.float32) * s
    bl2 = jnp.zeros((F_ // 2,), jnp.float32)
    Wm1 = jax.random.normal(ks[7], (F_, DIM), jnp.float32) * s
    bm1 = jnp.zeros((DIM,), jnp.float32)
    Wm2 = jax.random.normal(ks[8], (DIM, OUT), jnp.float32) * s
    bm2 = jnp.zeros((OUT,), jnp.float32)
    return {"x": x, "edge_index": edge_index, "batch": batch,
            "W1a": W1a, "b1a": b1a, "W1b": W1b, "b1b": b1b,
            "gamma": gamma, "beta": beta,
            "Wl1": Wl1, "bl1": bl1, "Wl2": Wl2, "bl2": bl2,
            "Wm1": Wm1, "bm1": bm1, "Wm2": Wm2, "bm2": bm2}


def reference(x, edge_index, batch, W1a, b1a, W1b, b1b, gamma, beta,
              Wl1, bl1, Wl2, bl2, Wm1, bm1, Wm2, bm2):
    src = edge_index[0]
    dst = edge_index[1]
    # GINConv with eps=0: nn1((1+eps)*x + sum_{j in N(i)} x_j)
    agg = jax.ops.segment_sum(x[src], dst, num_segments=N)
    h = x + agg
    h = jnp.maximum(h @ W1a + b1a, 0.0) @ W1b + b1b  # Seq(Linear, ReLU, Linear)
    x1 = jnp.maximum(h, 0.0)  # F.relu
    # BatchNorm1d (training-mode batch stats, biased variance)
    mean = jnp.mean(x1, axis=0)
    var = jnp.mean((x1 - mean) ** 2, axis=0)
    x1 = (x1 - mean) / jnp.sqrt(var + 1e-5) * gamma + beta
    # global_mean_pool over graphs
    sums = jax.ops.segment_sum(x1, batch, num_segments=G)
    counts = jax.ops.segment_sum(jnp.ones((N,), jnp.float32), batch, num_segments=G)
    x_new = sums / jnp.maximum(counts, 1.0)[:, None]
    hh = x_new
    for _ in range(ITERS):
        cat = jnp.concatenate([x_new, hh], axis=1)
        p = cat @ Wl1 + bl1
        q = cat @ Wl2 + bl2
        hh = jnp.concatenate([jnp.tanh(q), jax.nn.sigmoid(p)], axis=1)
    out = jnp.maximum(hh @ Wm1 + bm1, 0.0) @ Wm2 + bm2
    return out

if __name__ == "__main__":
    import jax
    _d = setup_inputs()
    print(jax.jit(kernel)(*tuple(_d.values())))

</pallas_src>

<mosaic_0001>
#map = affine_map<(d0, d1) -> (0, 0, 0)>
#map1 = affine_map<(d0, d1) -> (0, 0)>
module attributes {stable_mosaic.version = 14 : i64} {
  func.func @agg_kernel(%arg0: i32, %arg1: i32, %arg2: memref<2500x2x128xi32, #tpu.memory_space<hbm>>, %arg3: memref<10000x128xf32, #tpu.memory_space<hbm>>, %arg4: memref<128x128xf32, #tpu.memory_space<hbm>>, %arg5: memref<2x10240x128xf32, #tpu.memory_space<hbm>>, %arg6: memref<40x2x128xi32, #tpu.memory_space<vmem>>, %arg7: memref<2x128x128xf32, #tpu.memory_space<vmem>>, %arg8: memref<10240x128xf32, #tpu.memory_space<vmem_shared>>, %arg9: memref<!tpu.dma_semaphore, #tpu.memory_space<semaphore_mem>>, %arg10: memref<!tpu.dma_semaphore, #tpu.memory_space<semaphore_mem>>, %arg11: memref<!tpu.dma_semaphore, #tpu.memory_space<semaphore_mem>>, %arg12: memref<!tpu.dma_semaphore, #tpu.memory_space<semaphore_mem>>) attributes {dimension_semantics = [#tpu.dimension_semantics<core_parallel>, #tpu.dimension_semantics<subcore_parallel>], iteration_bounds = array<i64: 2, 16>, scalar_prefetch = 0 : i64, scratch_operands = 7 : i64, tpu.core_type = #tpu.core_type<sc_vector_subcore>, window_params = [{transform_indices = #map}, {transform_indices = #map1}, {transform_indices = #map1}, {transform_indices = #map}]} {
    %mul3A = arith.constant 16 : i32
    %mul3A_0 = arith.muli %arg0, %mul3A : i32
    %add3A = arith.addi %mul3A_0, %arg1 : i32
    %mul3A_1 = arith.constant 640 : i32
    %mul3A_2 = arith.muli %arg1, %mul3A_1 : i32
    %run_scoped3A = arith.constant 0 : i32
    "tpu.region"() ({
      %run_scoped3A_192 = tpu.sem_alloc : memref<!tpu.dma_semaphore, #tpu.memory_space<semaphore_mem>>
      %dma_start3A_193 = arith.constant 0 : i32
      %dma_start3A_194 = arith.constant 0 : i32
      %dma_start3A_195 = tpu.memref_slice %arg7[%run_scoped3A, %dma_start3A_193, %dma_start3A_194] : memref<2x128x128xf32, #tpu.memory_space<vmem>> -> memref<1x128x128xf32, #tpu.memory_space<vmem>>
      %dma_start3A_196 = tpu.memref_squeeze %dma_start3A_195 : memref<1x128x128xf32, #tpu.memory_space<vmem>> -> memref<128x128xf32, #tpu.memory_space<vmem>>
      %dma_start3A_197 = arith.constant 0 : i32
      %dma_start3A_198 = arith.constant 0 : i32
      %dma_start3A_199 = tpu.memref_slice %arg7[%run_scoped3A, %dma_start3A_197, %dma_start3A_198] : memref<2x128x128xf32, #tpu.memory_space<vmem>> -> memref<1x128x128xf32, #tpu.memory_space<vmem>>
      %dma_start3A_200 = tpu.memref_squeeze %dma_start3A_199 : memref<1x128x128xf32, #tpu.memory_space<vmem>> -> memref<128x128xf32, #tpu.memory_space<vmem>>
      tpu.enqueue_dma source(%arg4 : memref<128x128xf32, #tpu.memory_space<hbm>>) target(%dma_start3A_200 : memref<128x128xf32, #tpu.memory_space<vmem>>) target_semaphore(%run_scoped3A_192 : memref<!tpu.dma_semaphore, #tpu.memory_space<semaphore_mem>>)
      %dma_wait3A_201 = arith.constant 0 : i32
      %dma_wait3A_202 = arith.constant 0 : i32
      %dma_wait3A_203 = tpu.memref_slice %arg7[%run_scoped3A, %dma_wait3A_201, %dma_wait3A_202] : memref<2x128x128xf32, #tpu.memory_space<vmem>> -> memref<1x128x128xf32, #tpu.memory_space<vmem>>
      %dma_wait3A_204 = tpu.memref_squeeze %dma_wait3A_203 : memref<1x128x128xf32, #tpu.memory_space<vmem>> -> memref<128x128xf32, #tpu.memory_space<vmem>>
      %dma_wait3A_205 = arith.constant 0 : i32
      %dma_wait3A_206 = arith.constant 0 : i32
      %dma_wait3A_207 = tpu.memref_slice %arg7[%run_scoped3A, %dma_wait3A_205, %dma_wait3A_206] : memref<2x128x128xf32, #tpu.memory_space<vmem>> -> memref<1x128x128xf32, #tpu.memory_space<vmem>>
      %dma_wait3A_208 = tpu.memref_squeeze %dma_wait3A_207 : memref<1x128x128xf32, #tpu.memory_space<vmem>> -> memref<128x128xf32, #tpu.memory_space<vmem>>
      tpu.wait_dma2 semaphore(%run_scoped3A_192 : memref<!tpu.dma_semaphore, #tpu.memory_space<semaphore_mem>>) src(%arg4 : memref<128x128xf32, #tpu.memory_space<hbm>>) dst(%dma_wait3A_208 : memref<128x128xf32, #tpu.memory_space<vmem>>)
      tpu.yield
    }) : () -> ()
    %add3A_3 = arith.constant 0 : i32
    %add3A_4 = arith.addi %mul3A_2, %add3A_3 : i32
    %run_scoped3A_5 = arith.constant 0 : i32
    "tpu.region"() ({
      %run_scoped3A_192 = tpu.sem_alloc : memref<!tpu.dma_semaphore, #tpu.memory_space<semaphore_mem>>
      %dma_start3A_193 = arith.constant 0 : i32
      %dma_start3A_194 = arith.constant 0 : i32
      %dma_start3A_195 = tpu.memref_slice %arg7[%run_scoped3A_5, %dma_start3A_193, %dma_start3A_194] : memref<2x128x128xf32, #tpu.memory_space<vmem>> -> memref<1x128x128xf32, #tpu.memory_space<vmem>>
      %dma_start3A_196 = tpu.memref_squeeze %dma_start3A_195 : memref<1x128x128xf32, #tpu.memory_space<vmem>> -> memref<128x128xf32, #tpu.memory_space<vmem>>
      %dma_start3A_197 = arith.constant 0 : i32
      %dma_start3A_198 = tpu.memref_slice %arg8[%add3A_4, %dma_start3A_197] : memref<10240x128xf32, #tpu.memory_space<vmem_shared>> -> memref<128x128xf32, #tpu.memory_space<vmem_shared>>
      %dma_start3A_199 = arith.constant 0 : i32
      %dma_start3A_200 = tpu.memref_slice %arg8[%add3A_4, %dma_start3A_199] : memref<10240x128xf32, #tpu.memory_space<vmem_shared>> -> memref<128x128xf32, #tpu.memory_space<vmem_shared>>
      %dma_start3A_201 = arith.constant 0 : i32
      %dma_start3A_202 = arith.constant 0 : i32
      %dma_start3A_203 = tpu.memref_slice %arg7[%run_scoped3A_5, %dma_start3A_201, %dma_start3A_202] : memref<2x128x128xf32, #tpu.memory_space<vmem>> -> memref<1x128x128xf32, #tpu.memory_space<vmem>>
      %dma_start3A_204 = tpu.memref_squeeze %dma_start3A_203 : memref<1x128x128xf32, #tpu.memory_space<vmem>> -> memref<128x128xf32, #tpu.memory_space<vmem>>
      tpu.enqueue_dma source(%dma_start3A_204 : memref<128x128xf32, #tpu.memory_space<vmem>>) target(%dma_start3A_200 : memref<128x128xf32, #tpu.memory_space<vmem_shared>>) target_semaphore(%run_scoped3A_192 : memref<!tpu.dma_semaphore, #tpu.memory_space<semaphore_mem>>)
      %dma_wait3A_205 = arith.constant 0 : i32
      %dma_wait3A_206 = arith.constant 0 : i32
      %dma_wait3A_207 = tpu.memref_slice %arg7[%run_scoped3A_5, %dma_wait3A_205, %dma_wait3A_206] : memref<2x128x128xf32, #tpu.memory_space<vmem>> -> memref<1x128x128xf32, #tpu.memory_space<vmem>>
      %dma_wait3A_208 = tpu.memref_squeeze %dma_wait3A_207 : memref<1x128x128xf32, #tpu.memory_space<vmem>> -> memref<128x128xf32, #tpu.memory_space<vmem>>
      %dma_wait3A_209 = arith.constant 0 : i32
      %dma_wait3A_210 = tpu.memref_slice %arg8[%add3A_4, %dma_wait3A_209] : memref<10240x128xf32, #tpu.memory_space<vmem_shared>> -> memref<128x128xf32, #tpu.memory_space<vmem_shared>>
      %dma_wait3A_211 = arith.constant 0 : i32
      %dma_wait3A_212 = tpu.memref_slice %arg8[%add3A_4, %dma_wait3A_211] : memref<10240x128xf32, #tpu.memory_space<vmem_shared>> -> memref<128x128xf32, #tpu.memory_space<vmem_shared>>
      %dma_wait3A_213 = arith.constant 0 : i32
      %dma_wait3A_214 = arith.constant 0 : i32
      %dma_wait3A_215 = tpu.memref_slice %arg7[%run_scoped3A_5, %dma_wait3A_213, %dma_wait3A_214] : memref<2x128x128xf32, #tpu.memory_space<vmem>> -> memref<1x128x128xf32, #tpu.memory_space<vmem>>
      %dma_wait3A_216 = tpu.memref_squeeze %dma_wait3A_215 : memref<1x128x128xf32, #tpu.memory_space<vmem>> -> memref<128x128xf32, #tpu.memory_space<vmem>>
      tpu.wait_dma2 semaphore(%run_scoped3A_192 : memref<!tpu.dma_semaphore, #tpu.memory_space<semaphore_mem>>) src(%dma_wait3A_216 : memref<128x128xf32, #tpu.memory_space<vmem>>) dst(%dma_wait3A_212 : memref<128x128xf32, #tpu.memory_space<vmem_shared>>)
      tpu.yield
    }) : () -> ()
    %add3A_6 = arith.constant 128 : i32
    %add3A_7 = arith.addi %mul3A_2, %add3A_6 : i32
    %run_scoped3A_8 = arith.constant 0 : i32
    "tpu.region"() ({
      %run_scoped3A_192 = tpu.sem_alloc : memref<!tpu.dma_semaphore, #tpu.memory_space<semaphore_mem>>
      %dma_start3A_193 = arith.constant 0 : i32
      %dma_start3A_194 = arith.constant 0 : i32
      %dma_start3A_195 = tpu.memref_slice %arg7[%run_scoped3A_8, %dma_start3A_193, %dma_start3A_194] : memref<2x128x128xf32, #tpu.memory_space<vmem>> -> memref<1x128x128xf32, #tpu.memory_space<vmem>>
      %dma_start3A_196 = tpu.memref_squeeze %dma_start3A_195 : memref<1x128x128xf32, #tpu.memory_space<vmem>> -> memref<128x128xf32, #tpu.memory_space<vmem>>
      %dma_start3A_197 = arith.constant 0 : i32
      %dma_start3A_198 = tpu.memref_slice %arg8[%add3A_7, %dma_start3A_197] : memref<10240x128xf32, #tpu.memory_space<vmem_shared>> -> memref<128x128xf32, #tpu.memory_space<vmem_shared>>
      %dma_start3A_199 = arith.constant 0 : i32
      %dma_start3A_200 = tpu.memref_slice %arg8[%add3A_7, %dma_start3A_199] : memref<10240x128xf32, #tpu.memory_space<vmem_shared>> -> memref<128x128xf32, #tpu.memory_space<vmem_shared>>
      %dma_start3A_201 = arith.constant 0 : i32
      %dma_start3A_202 = arith.constant 0 : i32
      %dma_start3A_203 = tpu.memref_slice %arg7[%run_scoped3A_8, %dma_start3A_201, %dma_start3A_202] : memref<2x128x128xf32, #tpu.memory_space<vmem>> -> memref<1x128x128xf32, #tpu.memory_space<vmem>>
      %dma_start3A_204 = tpu.memref_squeeze %dma_start3A_203 : memref<1x128x128xf32, #tpu.memory_space<vmem>> -> memref<128x128xf32, #tpu.memory_space<vmem>>
      tpu.enqueue_dma source(%dma_start3A_204 : memref<128x128xf32, #tpu.memory_space<vmem>>) target(%dma_start3A_200 : memref<128x128xf32, #tpu.memory_space<vmem_shared>>) target_semaphore(%run_scoped3A_192 : memref<!tpu.dma_semaphore, #tpu.memory_space<semaphore_mem>>)
      %dma_wait3A_205 = arith.constant 0 : i32
      %dma_wait3A_206 = arith.constant 0 : i32
      %dma_wait3A_207 = tpu.memref_slice %arg7[%run_scoped3A_8, %dma_wait3A_205, %dma_wait3A_206] : memref<2x128x128xf32, #tpu.memory_space<vmem>> -> memref<1x128x128xf32, #tpu.memory_space<vmem>>
      %dma_wait3A_208 = tpu.memref_squeeze %dma_wait3A_207 : memref<1x128x128xf32, #tpu.memory_space<vmem>> -> memref<128x128xf32, #tpu.memory_space<vmem>>
      %dma_wait3A_209 = arith.constant 0 : i32
      %dma_wait3A_210 = tpu.memref_slice %arg8[%add3A_7, %dma_wait3A_209] : memref<10240x128xf32, #tpu.memory_space<vmem_shared>> -> memref<128x128xf32, #tpu.memory_space<vmem_shared>>
      %dma_wait3A_211 = arith.constant 0 : i32
      %dma_wait3A_212 = tpu.memref_slice %arg8[%add3A_7, %dma_wait3A_211] : memref<10240x128xf32, #tpu.memory_space<vmem_shared>> -> memref<128x128xf32, #tpu.memory_space<vmem_shared>>
      %dma_wait3A_213 = arith.constant 0 : i32
      %dma_wait3A_214 = arith.constant 0 : i32
      %dma_wait3A_215 = tpu.memref_slice %arg7[%run_scoped3A_8, %dma_wait3A_213, %dma_wait3A_214] : memref<2x128x128xf32, #tpu.memory_space<vmem>> -> memref<1x128x128xf32, #tpu.memory_space<vmem>>
      %dma_wait3A_216 = tpu.memref_squeeze %dma_wait3A_215 : memref<1x128x128xf32, #tpu.memory_space<vmem>> -> memref<128x128xf32, #tpu.memory_space<vmem>>
      tpu.wait_dma2 semaphore(%run_scoped3A_192 : memref<!tpu.dma_semaphore, #tpu.memory_space<semaphore_mem>>) src(%dma_wait3A_216 : memref<128x128xf32, #tpu.memory_space<vmem>>) dst(%dma_wait3A_212 : memref<128x128xf32, #tpu.memory_space<vmem_shared>>)
      tpu.yield
    }) : () -> ()
    %add3A_9 = arith.constant 256 : i32
    %add3A_10 = arith.addi %mul3A_2, %add3A_9 : i32
    %run_scoped3A_11 = arith.constant 0 : i32
    "tpu.region"() ({
      %run_scoped3A_192 = tpu.sem_alloc : memref<!tpu.dma_semaphore, #tpu.memory_space<semaphore_mem>>
      %dma_start3A_193 = arith.constant 0 : i32
      %dma_start3A_194 = arith.constant 0 : i32
      %dma_start3A_195 = tpu.memref_slice %arg7[%run_scoped3A_11, %dma_start3A_193, %dma_start3A_194] : memref<2x128x128xf32, #tpu.memory_space<vmem>> -> memref<1x128x128xf32, #tpu.memory_space<vmem>>
      %dma_start3A_196 = tpu.memref_squeeze %dma_start3A_195 : memref<1x128x128xf32, #tpu.memory_space<vmem>> -> memref<128x128xf32, #tpu.memory_space<vmem>>
      %dma_start3A_197 = arith.constant 0 : i32
      %dma_start3A_198 = tpu.memref_slice %arg8[%add3A_10, %dma_start3A_197] : memref<10240x128xf32, #tpu.memory_space<vmem_shared>> -> memref<128x128xf32, #tpu.memory_space<vmem_shared>>
      %dma_start3A_199 = arith.constant 0 : i32
      %dma_start3A_200 = tpu.memref_slice %arg8[%add3A_10, %dma_start3A_199] : memref<10240x128xf32, #tpu.memory_space<vmem_shared>> -> memref<128x128xf32, #tpu.memory_space<vmem_shared>>
      %dma_start3A_201 = arith.constant 0 : i32
      %dma_start3A_202 = arith.constant 0 : i32
      %dma_start3A_203 = tpu.memref_slice %arg7[%run_scoped3A_11, %dma_start3A_201, %dma_start3A_202] : memref<2x128x128xf32, #tpu.memory_space<vmem>> -> memref<1x128x128xf32, #tpu.memory_space<vmem>>
      %dma_start3A_204 = tpu.memref_squeeze %dma_start3A_203 : memref<1x128x128xf32, #tpu.memory_space<vmem>> -> memref<128x128xf32, #tpu.memory_space<vmem>>
      tpu.enqueue_dma source(%dma_start3A_204 : memref<128x128xf32, #tpu.memory_space<vmem>>) target(%dma_start3A_200 : memref<128x128xf32, #tpu.memory_space<vmem_shared>>) target_semaphore(%run_scoped3A_192 : memref<!tpu.dma_semaphore, #tpu.memory_space<semaphore_mem>>)
      %dma_wait3A_205 = arith.constant 0 : i32
      %dma_wait3A_206 = arith.constant 0 : i32
      %dma_wait3A_207 = tpu.memref_slice %arg7[%run_scoped3A_11, %dma_wait3A_205, %dma_wait3A_206] : memref<2x128x128xf32, #tpu.memory_space<vmem>> -> memref<1x128x128xf32, #tpu.memory_space<vmem>>
      %dma_wait3A_208 = tpu.memref_squeeze %dma_wait3A_207 : memref<1x128x128xf32, #tpu.memory_space<vmem>> -> memref<128x128xf32, #tpu.memory_space<vmem>>
      %dma_wait3A_209 = arith.constant 0 : i32
      %dma_wait3A_210 = tpu.memref_slice %arg8[%add3A_10, %dma_wait3A_209] : memref<10240x128xf32, #tpu.memory_space<vmem_shared>> -> memref<128x128xf32, #tpu.memory_space<vmem_shared>>
      %dma_wait3A_211 = arith.constant 0 : i32
      %dma_wait3A_212 = tpu.memref_slice %arg8[%add3A_10, %dma_wait3A_211] : memref<10240x128xf32, #tpu.memory_space<vmem_shared>> -> memref<128x128xf32, #tpu.memory_space<vmem_shared>>
      %dma_wait3A_213 = arith.constant 0 : i32
      %dma_wait3A_214 = arith.constant 0 : i32
      %dma_wait3A_215 = tpu.memref_slice %arg7[%run_scoped3A_11, %dma_wait3A_213, %dma_wait3A_214] : memref<2x128x128xf32, #tpu.memory_space<vmem>> -> memref<1x128x128xf32, #tpu.memory_space<vmem>>
      %dma_wait3A_216 = tpu.memref_squeeze %dma_wait3A_215 : memref<1x128x128xf32, #tpu.memory_space<vmem>> -> memref<128x128xf32, #tpu.memory_space<vmem>>
      tpu.wait_dma2 semaphore(%run_scoped3A_192 : memref<!tpu.dma_semaphore, #tpu.memory_space<semaphore_mem>>) src(%dma_wait3A_216 : memref<128x128xf32, #tpu.memory_space<vmem>>) dst(%dma_wait3A_212 : memref<128x128xf32, #tpu.memory_space<vmem_shared>>)
      tpu.yield
    }) : () -> ()
    %add3A_12 = arith.constant 384 : i32
    %add3A_13 = arith.addi %mul3A_2, %add3A_12 : i32
    %run_scoped3A_14 = arith.constant 0 : i32
    "tpu.region"() ({
      %run_scoped3A_192 = tpu.sem_alloc : memref<!tpu.dma_semaphore, #tpu.memory_space<semaphore_mem>>
      %dma_start3A_193 = arith.constant 0 : i32
      %dma_start3A_194 = arith.constant 0 : i32
      %dma_start3A_195 = tpu.memref_slice %arg7[%run_scoped3A_14, %dma_start3A_193, %dma_start3A_194] : memref<2x128x128xf32, #tpu.memory_space<vmem>> -> memref<1x128x128xf32, #tpu.memory_space<vmem>>
      %dma_start3A_196 = tpu.memref_squeeze %dma_start3A_195 : memref<1x128x128xf32, #tpu.memory_space<vmem>> -> memref<128x128xf32, #tpu.memory_space<vmem>>
      %dma_start3A_197 = arith.constant 0 : i32
      %dma_start3A_198 = tpu.memref_slice %arg8[%add3A_13, %dma_start3A_197] : memref<10240x128xf32, #tpu.memory_space<vmem_shared>> -> memref<128x128xf32, #tpu.memory_space<vmem_shared>>
      %dma_start3A_199 = arith.constant 0 : i32
      %dma_start3A_200 = tpu.memref_slice %arg8[%add3A_13, %dma_start3A_199] : memref<10240x128xf32, #tpu.memory_space<vmem_shared>> -> memref<128x128xf32, #tpu.memory_space<vmem_shared>>
      %dma_start3A_201 = arith.constant 0 : i32
      %dma_start3A_202 = arith.constant 0 : i32
      %dma_start3A_203 = tpu.memref_slice %arg7[%run_scoped3A_14, %dma_start3A_201, %dma_start3A_202] : memref<2x128x128xf32, #tpu.memory_space<vmem>> -> memref<1x128x128xf32, #tpu.memory_space<vmem>>
      %dma_start3A_204 = tpu.memref_squeeze %dma_start3A_203 : memref<1x128x128xf32, #tpu.memory_space<vmem>> -> memref<128x128xf32, #tpu.memory_space<vmem>>
      tpu.enqueue_dma source(%dma_start3A_204 : memref<128x128xf32, #tpu.memory_space<vmem>>) target(%dma_start3A_200 : memref<128x128xf32, #tpu.memory_space<vmem_shared>>) target_semaphore(%run_scoped3A_192 : memref<!tpu.dma_semaphore, #tpu.memory_space<semaphore_mem>>)
      %dma_wait3A_205 = arith.constant 0 : i32
      %dma_wait3A_206 = arith.constant 0 : i32
      %dma_wait3A_207 = tpu.memref_slice %arg7[%run_scoped3A_14, %dma_wait3A_205, %dma_wait3A_206] : memref<2x128x128xf32, #tpu.memory_space<vmem>> -> memref<1x128x128xf32, #tpu.memory_space<vmem>>
      %dma_wait3A_208 = tpu.memref_squeeze %dma_wait3A_207 : memref<1x128x128xf32, #tpu.memory_space<vmem>> -> memref<128x128xf32, #tpu.memory_space<vmem>>
      %dma_wait3A_209 = arith.constant 0 : i32
      %dma_wait3A_210 = tpu.memref_slice %arg8[%add3A_13, %dma_wait3A_209] : memref<10240x128xf32, #tpu.memory_space<vmem_shared>> -> memref<128x128xf32, #tpu.memory_space<vmem_shared>>
      %dma_wait3A_211 = arith.constant 0 : i32
      %dma_wait3A_212 = tpu.memref_slice %arg8[%add3A_13, %dma_wait3A_211] : memref<10240x128xf32, #tpu.memory_space<vmem_shared>> -> memref<128x128xf32, #tpu.memory_space<vmem_shared>>
      %dma_wait3A_213 = arith.constant 0 : i32
      %dma_wait3A_214 = arith.constant 0 : i32
      %dma_wait3A_215 = tpu.memref_slice %arg7[%run_scoped3A_14, %dma_wait3A_213, %dma_wait3A_214] : memref<2x128x128xf32, #tpu.memory_space<vmem>> -> memref<1x128x128xf32, #tpu.memory_space<vmem>>
      %dma_wait3A_216 = tpu.memref_squeeze %dma_wait3A_215 : memref<1x128x128xf32, #tpu.memory_space<vmem>> -> memref<128x128xf32, #tpu.memory_space<vmem>>
      tpu.wait_dma2 semaphore(%run_scoped3A_192 : memref<!tpu.dma_semaphore, #tpu.memory_space<semaphore_mem>>) src(%dma_wait3A_216 : memref<128x128xf32, #tpu.memory_space<vmem>>) dst(%dma_wait3A_212 : memref<128x128xf32, #tpu.memory_space<vmem_shared>>)
      tpu.yield
    }) : () -> ()
    %add3A_15 = arith.constant 512 : i32
    %add3A_16 = arith.addi %mul3A_2, %add3A_15 : i32
    %run_scoped3A_17 = arith.constant 0 : i32
    "tpu.region"() ({
      %run_scoped3A_192 = tpu.sem_alloc : memref<!tpu.dma_semaphore, #tpu.memory_space<semaphore_mem>>
      %dma_start3A_193 = arith.constant 0 : i32
      %dma_start3A_194 = arith.constant 0 : i32
      %dma_start3A_195 = tpu.memref_slice %arg7[%run_scoped3A_17, %dma_start3A_193, %dma_start3A_194] : memref<2x128x128xf32, #tpu.memory_space<vmem>> -> memref<1x128x128xf32, #tpu.memory_space<vmem>>
      %dma_start3A_196 = tpu.memref_squeeze %dma_start3A_195 : memref<1x128x128xf32, #tpu.memory_space<vmem>> -> memref<128x128xf32, #tpu.memory_space<vmem>>
      %dma_start3A_197 = arith.constant 0 : i32
      %dma_start3A_198 = tpu.memref_slice %arg8[%add3A_16, %dma_start3A_197] : memref<10240x128xf32, #tpu.memory_space<vmem_shared>> -> memref<128x128xf32, #tpu.memory_space<vmem_shared>>
      %dma_start3A_199 = arith.constant 0 : i32
      %dma_start3A_200 = tpu.memref_slice %arg8[%add3A_16, %dma_start3A_199] : memref<10240x128xf32, #tpu.memory_space<vmem_shared>> -> memref<128x128xf32, #tpu.memory_space<vmem_shared>>
      %dma_start3A_201 = arith.constant 0 : i32
      %dma_start3A_202 = arith.constant 0 : i32
      %dma_start3A_203 = tpu.memref_slice %arg7[%run_scoped3A_17, %dma_start3A_201, %dma_start3A_202] : memref<2x128x128xf32, #tpu.memory_space<vmem>> -> memref<1x128x128xf32, #tpu.memory_space<vmem>>
      %dma_start3A_204 = tpu.memref_squeeze %dma_start3A_203 : memref<1x128x128xf32, #tpu.memory_space<vmem>> -> memref<128x128xf32, #tpu.memory_space<vmem>>
      tpu.enqueue_dma source(%dma_start3A_204 : memref<128x128xf32, #tpu.memory_space<vmem>>) target(%dma_start3A_200 : memref<128x128xf32, #tpu.memory_space<vmem_shared>>) target_semaphore(%run_scoped3A_192 : memref<!tpu.dma_semaphore, #tpu.memory_space<semaphore_mem>>)
      %dma_wait3A_205 = arith.constant 0 : i32
      %dma_wait3A_206 = arith.constant 0 : i32
      %dma_wait3A_207 = tpu.memref_slice %arg7[%run_scoped3A_17, %dma_wait3A_205, %dma_wait3A_206] : memref<2x128x128xf32, #tpu.memory_space<vmem>> -> memref<1x128x128xf32, #tpu.memory_space<vmem>>
      %dma_wait3A_208 = tpu.memref_squeeze %dma_wait3A_207 : memref<1x128x128xf32, #tpu.memory_space<vmem>> -> memref<128x128xf32, #tpu.memory_space<vmem>>
      %dma_wait3A_209 = arith.constant 0 : i32
      %dma_wait3A_210 = tpu.memref_slice %arg8[%add3A_16, %dma_wait3A_209] : memref<10240x128xf32, #tpu.memory_space<vmem_shared>> -> memref<128x128xf32, #tpu.memory_space<vmem_shared>>
      %dma_wait3A_211 = arith.constant 0 : i32
      %dma_wait3A_212 = tpu.memref_slice %arg8[%add3A_16, %dma_wait3A_211] : memref<10240x128xf32, #tpu.memory_space<vmem_shared>> -> memref<128x128xf32, #tpu.memory_space<vmem_shared>>
      %dma_wait3A_213 = arith.constant 0 : i32
      %dma_wait3A_214 = arith.constant 0 : i32
      %dma_wait3A_215 = tpu.memref_slice %arg7[%run_scoped3A_17, %dma_wait3A_213, %dma_wait3A_214] : memref<2x128x128xf32, #tpu.memory_space<vmem>> -> memref<1x128x128xf32, #tpu.memory_space<vmem>>
      %dma_wait3A_216 = tpu.memref_squeeze %dma_wait3A_215 : memref<1x128x128xf32, #tpu.memory_space<vmem>> -> memref<128x128xf32, #tpu.memory_space<vmem>>
      tpu.wait_dma2 semaphore(%run_scoped3A_192 : memref<!tpu.dma_semaphore, #tpu.memory_space<semaphore_mem>>) src(%dma_wait3A_216 : memref<128x128xf32, #tpu.memory_space<vmem>>) dst(%dma_wait3A_212 : memref<128x128xf32, #tpu.memory_space<vmem_shared>>)
      tpu.yield
    }) : () -> ()
    %barrier3A = arith.constant 0 : index
    tpu.barrier barrier_id(%barrier3A)
    %lt3A = arith.constant 8 : i32
    %lt3A_18 = arith.cmpi slt, %add3A, %lt3A : i32
    %mul3A_19 = arith.constant 72 : i32
    %mul3A_20 = arith.muli %mul3A_19, %add3A : i32
    %sub3A = arith.constant 8 : i32
    %sub3A_21 = arith.subi %add3A, %sub3A : i32
    %mul3A_22 = arith.constant 80 : i32
    %mul3A_23 = arith.muli %mul3A_22, %sub3A_21 : i32
    %add3A_24 = arith.constant 576 : i32
    %add3A_25 = arith.addi %add3A_24, %mul3A_23 : i32
    %select_n3A = arith.select %lt3A_18, %mul3A_20, %add3A_25 : i32
    %lt3A_26 = arith.constant 8 : i32
    %lt3A_27 = arith.cmpi slt, %add3A, %lt3A_26 : i32
    %jit3A = arith.constant 32 : i32
    %jit3A_28 = arith.constant 40 : i32
    %select_n3A_29 = arith.select %lt3A_27, %jit3A, %jit3A_28 : i32
    %multiple_of3A = tpu.assume_multiple %select_n3A, 8 : i32
    "tpu.region"() ({
      %run_scoped3A_192 = tpu.sem_alloc : memref<!tpu.dma_semaphore, #tpu.memory_space<semaphore_mem>>
      %dma_start3A_193 = arith.constant 0 : i32
      %dma_start3A_194 = arith.constant 0 : i32
      %dma_start3A_195 = tpu.memref_slice %arg2[%multiple_of3A, %dma_start3A_193, %dma_start3A_194] : memref<2500x2x128xi32, #tpu.memory_space<hbm>> -> memref<40x2x128xi32, #tpu.memory_space<hbm>>
      %dma_start3A_196 = arith.constant 0 : i32
      %dma_start3A_197 = arith.constant 0 : i32
      %dma_start3A_198 = tpu.memref_slice %arg2[%multiple_of3A, %dma_start3A_196, %dma_start3A_197] : memref<2500x2x128xi32, #tpu.memory_space<hbm>> -> memref<40x2x128xi32, #tpu.memory_space<hbm>>
      tpu.enqueue_dma source(%dma_start3A_198 : memref<40x2x128xi32, #tpu.memory_space<hbm>>) target(%arg6 : memref<40x2x128xi32, #tpu.memory_space<vmem>>) target_semaphore(%run_scoped3A_192 : memref<!tpu.dma_semaphore, #tpu.memory_space<semaphore_mem>>)
      %dma_wait3A_199 = arith.constant 0 : i32
      %dma_wait3A_200 = arith.constant 0 : i32
      %dma_wait3A_201 = tpu.memref_slice %arg2[%multiple_of3A, %dma_wait3A_199, %dma_wait3A_200] : memref<2500x2x128xi32, #tpu.memory_space<hbm>> -> memref<40x2x128xi32, #tpu.memory_space<hbm>>
      %dma_wait3A_202 = arith.constant 0 : i32
      %dma_wait3A_203 = arith.constant 0 : i32
      %dma_wait3A_204 = tpu.memref_slice %arg2[%multiple_of3A, %dma_wait3A_202, %dma_wait3A_203] : memref<2500x2x128xi32, #tpu.memory_space<hbm>> -> memref<40x2x128xi32, #tpu.memory_space<hbm>>
      tpu.wait_dma2 semaphore(%run_scoped3A_192 : memref<!tpu.dma_semaphore, #tpu.memory_space<semaphore_mem>>) src(%dma_wait3A_204 : memref<40x2x128xi32, #tpu.memory_space<hbm>>) dst(%arg6 : memref<40x2x128xi32, #tpu.memory_space<vmem>>)
      tpu.yield
    }) : () -> ()
    %dma_start3A = arith.constant 0 : i32
    %dma_start3A_30 = arith.constant 0 : i32
    %dma_start3A_31 = arith.constant 0 : i32
    %dma_start3A_32 = arith.constant 0 : i32
    %dma_start3A_33 = arith.constant 0 : i32
    %dma_start3A_34 = tpu.memref_slice %arg7[%dma_start3A_31, %dma_start3A_32, %dma_start3A_33] : memref<2x128x128xf32, #tpu.memory_space<vmem>> -> memref<1x128x128xf32, #tpu.memory_space<vmem>>
    %dma_start3A_35 = tpu.memref_squeeze %dma_start3A_34 : memref<1x128x128xf32, #tpu.memory_space<vmem>> -> memref<128x128xf32, #tpu.memory_space<vmem>>
    %dma_start3A_36 = arith.constant 0 : i32
    %dma_start3A_37 = tpu.memref_slice %arg6[%dma_start3A, %dma_start3A_30, %dma_start3A_36] : memref<40x2x128xi32, #tpu.memory_space<vmem>> -> memref<1x1x128xi32, #tpu.memory_space<vmem>>
    %dma_start3A_38 = tpu.memref_squeeze %dma_start3A_37 : memref<1x1x128xi32, #tpu.memory_space<vmem>> -> memref<128xi32, #tpu.memory_space<vmem>>
    %dma_start3A_39 = arith.constant 0 : i32
    %dma_start3A_40 = arith.constant 0 : i32
    %dma_start3A_41 = tpu.memref_slice %arg3[%dma_start3A_39, %dma_start3A_40] : memref<10000x128xf32, #tpu.memory_space<hbm>> -> memref<10000x128xf32, #tpu.memory_space<hbm>>
    tpu.enqueue_indirect_dma source(%dma_start3A_41 : memref<10000x128xf32, #tpu.memory_space<hbm>>) target(%dma_start3A_35 : memref<128x128xf32, #tpu.memory_space<vmem>>) offsets(%dma_start3A_38 : memref<128xi32, #tpu.memory_space<vmem>>) semaphore(%arg9 : memref<!tpu.dma_semaphore, #tpu.memory_space<semaphore_mem>>)
    %dma_start3A_42 = arith.constant 1 : i32
    %dma_start3A_43 = arith.constant 0 : i32
    %dma_start3A_44 = arith.constant 1 : i32
    %dma_start3A_45 = arith.constant 0 : i32
    %dma_start3A_46 = arith.constant 0 : i32
    %dma_start3A_47 = tpu.memref_slice %arg7[%dma_start3A_44, %dma_start3A_45, %dma_start3A_46] : memref<2x128x128xf32, #tpu.memory_space<vmem>> -> memref<1x128x128xf32, #tpu.memory_space<vmem>>
    %dma_start3A_48 = tpu.memref_squeeze %dma_start3A_47 : memref<1x128x128xf32, #tpu.memory_space<vmem>> -> memref<128x128xf32, #tpu.memory_space<vmem>>
    %dma_start3A_49 = arith.constant 0 : i32
    %dma_start3A_50 = tpu.memref_slice %arg6[%dma_start3A_42, %dma_start3A_43, %dma_start3A_49] : memref<40x2x128xi32, #tpu.memory_space<vmem>> -> memref<1x1x128xi32, #tpu.memory_space<vmem>>
    %dma_start3A_51 = tpu.memref_squeeze %dma_start3A_50 : memref<1x1x128xi32, #tpu.memory_space<vmem>> -> memref<128xi32, #tpu.memory_space<vmem>>
    %dma_start3A_52 = arith.constant 0 : i32
    %dma_start3A_53 = arith.constant 0 : i32
    %dma_start3A_54 = tpu.memref_slice %arg3[%dma_start3A_52, %dma_start3A_53] : memref<10000x128xf32, #tpu.memory_space<hbm>> -> memref<10000x128xf32, #tpu.memory_space<hbm>>
    tpu.enqueue_indirect_dma source(%dma_start3A_54 : memref<10000x128xf32, #tpu.memory_space<hbm>>) target(%dma_start3A_48 : memref<128x128xf32, #tpu.memory_space<vmem>>) offsets(%dma_start3A_51 : memref<128xi32, #tpu.memory_space<vmem>>) semaphore(%arg10 : memref<!tpu.dma_semaphore, #tpu.memory_space<semaphore_mem>>)
    %scan3A = arith.constant 0 : i32
    %scan3A_55 = arith.constant 0 : i32
    %scan3A_56 = arith.constant 20 : i32
    %scan3A_57 = arith.addi %scan3A_55, %scan3A_56 : i32
    %scan3A_58 = arith.constant 1 : i32
    scf.for %scan3A_192 = %scan3A_55 to %scan3A_57 step %scan3A_58  : i32 {
      %mul3A_193 = arith.constant 2 : i32
      %mul3A_194 = arith.muli %scan3A_192, %mul3A_193 : i32
      %add3A_195 = arith.constant 0 : i32
      %add3A_196 = arith.addi %mul3A_194, %add3A_195 : i32
      %dma_wait3A_197 = arith.constant 0 : i32
      %dma_wait3A_198 = arith.constant 0 : i32
      %dma_wait3A_199 = arith.constant 0 : i32
      %dma_wait3A_200 = arith.constant 0 : i32
      %dma_wait3A_201 = tpu.memref_slice %arg7[%dma_wait3A_198, %dma_wait3A_199, %dma_wait3A_200] : memref<2x128x128xf32, #tpu.memory_space<vmem>> -> memref<1x128x128xf32, #tpu.memory_space<vmem>>
      %dma_wait3A_202 = tpu.memref_squeeze %dma_wait3A_201 : memref<1x128x128xf32, #tpu.memory_space<vmem>> -> memref<128x128xf32, #tpu.memory_space<vmem>>
      %dma_wait3A_203 = arith.constant 0 : i32
      %dma_wait3A_204 = tpu.memref_slice %arg6[%add3A_196, %dma_wait3A_197, %dma_wait3A_203] : memref<40x2x128xi32, #tpu.memory_space<vmem>> -> memref<1x1x128xi32, #tpu.memory_space<vmem>>
      %dma_wait3A_205 = tpu.memref_squeeze %dma_wait3A_204 : memref<1x1x128xi32, #tpu.memory_space<vmem>> -> memref<128xi32, #tpu.memory_space<vmem>>
      %dma_wait3A_206 = arith.constant 0 : i32
      %dma_wait3A_207 = arith.constant 0 : i32
      %dma_wait3A_208 = tpu.memref_slice %arg3[%dma_wait3A_206, %dma_wait3A_207] : memref<10000x128xf32, #tpu.memory_space<hbm>> -> memref<10000x128xf32, #tpu.memory_space<hbm>>
      tpu.wait_indirect_dma semaphore(%arg9 : memref<!tpu.dma_semaphore, #tpu.memory_space<semaphore_mem>>) src(%dma_wait3A_208 : memref<10000x128xf32, #tpu.memory_space<hbm>>) dst(%dma_wait3A_202 : memref<128x128xf32, #tpu.memory_space<vmem>>)
      %add3A_209 = arith.constant 0 : i32
      %add3A_210 = arith.addi %mul3A_194, %add3A_209 : i32
      %run_scoped3A_211 = arith.constant 0 : i32
      %run_scoped3A_212 = arith.constant 1 : i32
      "tpu.region"() ({
        %run_scoped3A_266 = tpu.sem_alloc : memref<!tpu.dma_semaphore, #tpu.memory_space<semaphore_mem>>
        %dma_start3A_267 = arith.constant 0 : i32
        %dma_start3A_268 = arith.constant 0 : i32
        %dma_start3A_269 = tpu.memref_slice %arg7[%run_scoped3A_211, %dma_start3A_267, %dma_start3A_268] : memref<2x128x128xf32, #tpu.memory_space<vmem>> -> memref<1x128x128xf32, #tpu.memory_space<vmem>>
        %dma_start3A_270 = tpu.memref_squeeze %dma_start3A_269 : memref<1x128x128xf32, #tpu.memory_space<vmem>> -> memref<128x128xf32, #tpu.memory_space<vmem>>
        %dma_start3A_271 = arith.constant 0 : i32
        %dma_start3A_272 = tpu.memref_slice %arg6[%add3A_210, %run_scoped3A_212, %dma_start3A_271] : memref<40x2x128xi32, #tpu.memory_space<vmem>> -> memref<1x1x128xi32, #tpu.memory_space<vmem>>
        %dma_start3A_273 = tpu.memref_squeeze %dma_start3A_272 : memref<1x1x128xi32, #tpu.memory_space<vmem>> -> memref<128xi32, #tpu.memory_space<vmem>>
        %dma_start3A_274 = arith.constant 0 : i32
        %dma_start3A_275 = arith.constant 0 : i32
        %dma_start3A_276 = tpu.memref_slice %arg8[%dma_start3A_274, %dma_start3A_275] : memref<10240x128xf32, #tpu.memory_space<vmem_shared>> -> memref<10240x128xf32, #tpu.memory_space<vmem_shared>>
        tpu.enqueue_indirect_dma source(%dma_start3A_270 : memref<128x128xf32, #tpu.memory_space<vmem>>) target(%dma_start3A_276 : memref<10240x128xf32, #tpu.memory_space<vmem_shared>>) offsets(%dma_start3A_273 : memref<128xi32, #tpu.memory_space<vmem>>) semaphore(%run_scoped3A_266 : memref<!tpu.dma_semaphore, #tpu.memory_space<semaphore_mem>>) {add = true}
        %dma_wait3A_277 = arith.constant 0 : i32
        %dma_wait3A_278 = arith.constant 0 : i32
        %dma_wait3A_279 = tpu.memref_slice %arg7[%run_scoped3A_211, %dma_wait3A_277, %dma_wait3A_278] : memref<2x128x128xf32, #tpu.memory_space<vmem>> -> memref<1x128x128xf32, #tpu.memory_space<vmem>>
        %dma_wait3A_280 = tpu.memref_squeeze %dma_wait3A_279 : memref<1x128x128xf32, #tpu.memory_space<vmem>> -> memref<128x128xf32, #tpu.memory_space<vmem>>
        %dma_wait3A_281 = arith.constant 0 : i32
        %dma_wait3A_282 = tpu.memref_slice %arg6[%add3A_210, %run_scoped3A_212, %dma_wait3A_281] : memref<40x2x128xi32, #tpu.memory_space<vmem>> -> memref<1x1x128xi32, #tpu.memory_space<vmem>>
        %dma_wait3A_283 = tpu.memref_squeeze %dma_wait3A_282 : memref<1x1x128xi32, #tpu.memory_space<vmem>> -> memref<128xi32, #tpu.memory_space<vmem>>
        %dma_wait3A_284 = arith.constant 0 : i32
        %dma_wait3A_285 = arith.constant 0 : i32
        %dma_wait3A_286 = tpu.memref_slice %arg8[%dma_wait3A_284, %dma_wait3A_285] : memref<10240x128xf32, #tpu.memory_space<vmem_shared>> -> memref<10240x128xf32, #tpu.memory_space<vmem_shared>>
        tpu.wait_indirect_dma semaphore(%run_scoped3A_266 : memref<!tpu.dma_semaphore, #tpu.memory_space<semaphore_mem>>) src(%dma_wait3A_280 : memref<128x128xf32, #tpu.memory_space<vmem>>) dst(%dma_wait3A_286 : memref<10240x128xf32, #tpu.memory_space<vmem_shared>>)
        tpu.yield
      }) : () -> ()
      %add3A_213 = arith.constant 2 : i32
      %add3A_214 = arith.addi %mul3A_194, %add3A_213 : i32
      %add3A_215 = arith.constant 0 : i32
      %add3A_216 = arith.addi %add3A_214, %add3A_215 : i32
      %min3A = arith.constant 39 : i32
      %min3A_217 = arith.minsi %add3A_216, %min3A : i32
      %dma_start3A_218 = arith.constant 0 : i32
      %dma_start3A_219 = arith.constant 0 : i32
      %dma_start3A_220 = arith.constant 0 : i32
      %dma_start3A_221 = arith.constant 0 : i32
      %dma_start3A_222 = tpu.memref_slice %arg7[%dma_start3A_219, %dma_start3A_220, %dma_start3A_221] : memref<2x128x128xf32, #tpu.memory_space<vmem>> -> memref<1x128x128xf32, #tpu.memory_space<vmem>>
      %dma_start3A_223 = tpu.memref_squeeze %dma_start3A_222 : memref<1x128x128xf32, #tpu.memory_space<vmem>> -> memref<128x128xf32, #tpu.memory_space<vmem>>
      %dma_start3A_224 = arith.constant 0 : i32
      %dma_start3A_225 = tpu.memref_slice %arg6[%min3A_217, %dma_start3A_218, %dma_start3A_224] : memref<40x2x128xi32, #tpu.memory_space<vmem>> -> memref<1x1x128xi32, #tpu.memory_space<vmem>>
      %dma_start3A_226 = tpu.memref_squeeze %dma_start3A_225 : memref<1x1x128xi32, #tpu.memory_space<vmem>> -> memref<128xi32, #tpu.memory_space<vmem>>
      %dma_start3A_227 = arith.constant 0 : i32
      %dma_start3A_228 = arith.constant 0 : i32
      %dma_start3A_229 = tpu.memref_slice %arg3[%dma_start3A_227, %dma_start3A_228] : memref<10000x128xf32, #tpu.memory_space<hbm>> -> memref<10000x128xf32, #tpu.memory_space<hbm>>
      tpu.enqueue_indirect_dma source(%dma_start3A_229 : memref<10000x128xf32, #tpu.memory_space<hbm>>) target(%dma_start3A_223 : memref<128x128xf32, #tpu.memory_space<vmem>>) offsets(%dma_start3A_226 : memref<128xi32, #tpu.memory_space<vmem>>) semaphore(%arg9 : memref<!tpu.dma_semaphore, #tpu.memory_space<semaphore_mem>>)
      %add3A_230 = arith.constant 1 : i32
      %add3A_231 = arith.addi %mul3A_194, %add3A_230 : i32
      %dma_wait3A_232 = arith.constant 0 : i32
      %dma_wait3A_233 = arith.constant 1 : i32
      %dma_wait3A_234 = arith.constant 0 : i32
      %dma_wait3A_235 = arith.constant 0 : i32
      %dma_wait3A_236 = tpu.memref_slice %arg7[%dma_wait3A_233, %dma_wait3A_234, %dma_wait3A_235] : memref<2x128x128xf32, #tpu.memory_space<vmem>> -> memref<1x128x128xf32, #tpu.memory_space<vmem>>
      %dma_wait3A_237 = tpu.memref_squeeze %dma_wait3A_236 : memref<1x128x128xf32, #tpu.memory_space<vmem>> -> memref<128x128xf32, #tpu.memory_space<vmem>>
      %dma_wait3A_238 = arith.constant 0 : i32
      %dma_wait3A_239 = tpu.memref_slice %arg6[%add3A_231, %dma_wait3A_232, %dma_wait3A_238] : memref<40x2x128xi32, #tpu.memory_space<vmem>> -> memref<1x1x128xi32, #tpu.memory_space<vmem>>
      %dma_wait3A_240 = tpu.memref_squeeze %dma_wait3A_239 : memref<1x1x128xi32, #tpu.memory_space<vmem>> -> memref<128xi32, #tpu.memory_space<vmem>>
      %dma_wait3A_241 = arith.constant 0 : i32
      %dma_wait3A_242 = arith.constant 0 : i32
      %dma_wait3A_243 = tpu.memref_slice %arg3[%dma_wait3A_241, %dma_wait3A_242] : memref<10000x128xf32, #tpu.memory_space<hbm>> -> memref<10000x128xf32, #tpu.memory_space<hbm>>
      tpu.wait_indirect_dma semaphore(%arg10 : memref<!tpu.dma_semaphore, #tpu.memory_space<semaphore_mem>>) src(%dma_wait3A_243 : memref<10000x128xf32, #tpu.memory_space<hbm>>) dst(%dma_wait3A_237 : memref<128x128xf32, #tpu.memory_space<vmem>>)
      %add3A_244 = arith.constant 1 : i32
      %add3A_245 = arith.addi %mul3A_194, %add3A_244 : i32
      %run_scoped3A_246 = arith.constant 1 : i32
      %run_scoped3A_247 = arith.constant 1 : i32
      "tpu.region"() ({
        %run_scoped3A_266 = tpu.sem_alloc : memref<!tpu.dma_semaphore, #tpu.memory_space<semaphore_mem>>
        %dma_start3A_267 = arith.constant 0 : i32
        %dma_start3A_268 = arith.constant 0 : i32
        %dma_start3A_269 = tpu.memref_slice %arg7[%run_scoped3A_246, %dma_start3A_267, %dma_start3A_268] : memref<2x128x128xf32, #tpu.memory_space<vmem>> -> memref<1x128x128xf32, #tpu.memory_space<vmem>>
        %dma_start3A_270 = tpu.memref_squeeze %dma_start3A_269 : memref<1x128x128xf32, #tpu.memory_space<vmem>> -> memref<128x128xf32, #tpu.memory_space<vmem>>
        %dma_start3A_271 = arith.constant 0 : i32
        %dma_start3A_272 = tpu.memref_slice %arg6[%add3A_245, %run_scoped3A_247, %dma_start3A_271] : memref<40x2x128xi32, #tpu.memory_space<vmem>> -> memref<1x1x128xi32, #tpu.memory_space<vmem>>
        %dma_start3A_273 = tpu.memref_squeeze %dma_start3A_272 : memref<1x1x128xi32, #tpu.memory_space<vmem>> -> memref<128xi32, #tpu.memory_space<vmem>>
        %dma_start3A_274 = arith.constant 0 : i32
        %dma_start3A_275 = arith.constant 0 : i32
        %dma_start3A_276 = tpu.memref_slice %arg8[%dma_start3A_274, %dma_start3A_275] : memref<10240x128xf32, #tpu.memory_space<vmem_shared>> -> memref<10240x128xf32, #tpu.memory_space<vmem_shared>>
        tpu.enqueue_indirect_dma source(%dma_start3A_270 : memref<128x128xf32, #tpu.memory_space<vmem>>) target(%dma_start3A_276 : memref<10240x128xf32, #tpu.memory_space<vmem_shared>>) offsets(%dma_start3A_273 : memref<128xi32, #tpu.memory_space<vmem>>) semaphore(%run_scoped3A_266 : memref<!tpu.dma_semaphore, #tpu.memory_space<semaphore_mem>>) {add = true}
        %dma_wait3A_277 = arith.constant 0 : i32
        %dma_wait3A_278 = arith.constant 0 : i32
        %dma_wait3A_279 = tpu.memref_slice %arg7[%run_scoped3A_246, %dma_wait3A_277, %dma_wait3A_278] : memref<2x128x128xf32, #tpu.memory_space<vmem>> -> memref<1x128x128xf32, #tpu.memory_space<vmem>>
        %dma_wait3A_280 = tpu.memref_squeeze %dma_wait3A_279 : memref<1x128x128xf32, #tpu.memory_space<vmem>> -> memref<128x128xf32, #tpu.memory_space<vmem>>
        %dma_wait3A_281 = arith.constant 0 : i32
        %dma_wait3A_282 = tpu.memref_slice %arg6[%add3A_245, %run_scoped3A_247, %dma_wait3A_281] : memref<40x2x128xi32, #tpu.memory_space<vmem>> -> memref<1x1x128xi32, #tpu.memory_space<vmem>>
        %dma_wait3A_283 = tpu.memref_squeeze %dma_wait3A_282 : memref<1x1x128xi32, #tpu.memory_space<vmem>> -> memref<128xi32, #tpu.memory_space<vmem>>
        %dma_wait3A_284 = arith.constant 0 : i32
        %dma_wait3A_285 = arith.constant 0 : i32
        %dma_wait3A_286 = tpu.memref_slice %arg8[%dma_wait3A_284, %dma_wait3A_285] : memref<10240x128xf32, #tpu.memory_space<vmem_shared>> -> memref<10240x128xf32, #tpu.memory_space<vmem_shared>>
        tpu.wait_indirect_dma semaphore(%run_scoped3A_266 : memref<!tpu.dma_semaphore, #tpu.memory_space<semaphore_mem>>) src(%dma_wait3A_280 : memref<128x128xf32, #tpu.memory_space<vmem>>) dst(%dma_wait3A_286 : memref<10240x128xf32, #tpu.memory_space<vmem_shared>>)
        tpu.yield
      }) : () -> ()
      %add3A_248 = arith.constant 2 : i32
      %add3A_249 = arith.addi %mul3A_194, %add3A_248 : i32
      %add3A_250 = arith.constant 1 : i32
      %add3A_251 = arith.addi %add3A_249, %add3A_250 : i32
      %min3A_252 = arith.constant 39 : i32
      %min3A_253 = arith.minsi %add3A_251, %min3A_252 : i32
      %dma_start3A_254 = arith.constant 0 : i32
      %dma_start3A_255 = arith.constant 1 : i32
      %dma_start3A_256 = arith.constant 0 : i32
      %dma_start3A_257 = arith.constant 0 : i32
      %dma_start3A_258 = tpu.memref_slice %arg7[%dma_start3A_255, %dma_start3A_256, %dma_start3A_257] : memref<2x128x128xf32, #tpu.memory_space<vmem>> -> memref<1x128x128xf32, #tpu.memory_space<vmem>>
      %dma_start3A_259 = tpu.memref_squeeze %dma_start3A_258 : memref<1x128x128xf32, #tpu.memory_space<vmem>> -> memref<128x128xf32, #tpu.memory_space<vmem>>
      %dma_start3A_260 = arith.constant 0 : i32
      %dma_start3A_261 = tpu.memref_slice %arg6[%min3A_253, %dma_start3A_254, %dma_start3A_260] : memref<40x2x128xi32, #tpu.memory_space<vmem>> -> memref<1x1x128xi32, #tpu.memory_space<vmem>>
      %dma_start3A_262 = tpu.memref_squeeze %dma_start3A_261 : memref<1x1x128xi32, #tpu.memory_space<vmem>> -> memref<128xi32, #tpu.memory_space<vmem>>
      %dma_start3A_263 = arith.constant 0 : i32
      %dma_start3A_264 = arith.constant 0 : i32
      %dma_start3A_265 = tpu.memref_slice %arg3[%dma_start3A_263, %dma_start3A_264] : memref<10000x128xf32, #tpu.memory_space<hbm>> -> memref<10000x128xf32, #tpu.memory_space<hbm>>
      tpu.enqueue_indirect_dma source(%dma_start3A_265 : memref<10000x128xf32, #tpu.memory_space<hbm>>) target(%dma_start3A_259 : memref<128x128xf32, #tpu.memory_space<vmem>>) offsets(%dma_start3A_262 : memref<128xi32, #tpu.memory_space<vmem>>) semaphore(%arg10 : memref<!tpu.dma_semaphore, #tpu.memory_space<semaphore_mem>>)
    }
    %scan3A_59 = arith.constant 20 : i32
    %dma_wait3A = arith.constant 39 : i32
    %dma_wait3A_60 = arith.constant 0 : i32
    %dma_wait3A_61 = arith.constant 0 : i32
    %dma_wait3A_62 = arith.constant 0 : i32
    %dma_wait3A_63 = arith.constant 0 : i32
    %dma_wait3A_64 = tpu.memref_slice %arg7[%dma_wait3A_61, %dma_wait3A_62, %dma_wait3A_63] : memref<2x128x128xf32, #tpu.memory_space<vmem>> -> memref<1x128x128xf32, #tpu.memory_space<vmem>>
    %dma_wait3A_65 = tpu.memref_squeeze %dma_wait3A_64 : memref<1x128x128xf32, #tpu.memory_space<vmem>> -> memref<128x128xf32, #tpu.memory_space<vmem>>
    %dma_wait3A_66 = arith.constant 0 : i32
    %dma_wait3A_67 = tpu.memref_slice %arg6[%dma_wait3A, %dma_wait3A_60, %dma_wait3A_66] : memref<40x2x128xi32, #tpu.memory_space<vmem>> -> memref<1x1x128xi32, #tpu.memory_space<vmem>>
    %dma_wait3A_68 = tpu.memref_squeeze %dma_wait3A_67 : memref<1x1x128xi32, #tpu.memory_space<vmem>> -> memref<128xi32, #tpu.memory_space<vmem>>
    %dma_wait3A_69 = arith.constant 0 : i32
    %dma_wait3A_70 = arith.constant 0 : i32
    %dma_wait3A_71 = tpu.memref_slice %arg3[%dma_wait3A_69, %dma_wait3A_70] : memref<10000x128xf32, #tpu.memory_space<hbm>> -> memref<10000x128xf32, #tpu.memory_space<hbm>>
    tpu.wait_indirect_dma semaphore(%arg9 : memref<!tpu.dma_semaphore, #tpu.memory_space<semaphore_mem>>) src(%dma_wait3A_71 : memref<10000x128xf32, #tpu.memory_space<hbm>>) dst(%dma_wait3A_65 : memref<128x128xf32, #tpu.memory_space<vmem>>)
    %dma_wait3A_72 = arith.constant 39 : i32
    %dma_wait3A_73 = arith.constant 0 : i32
    %dma_wait3A_74 = arith.constant 1 : i32
    %dma_wait3A_75 = arith.constant 0 : i32
    %dma_wait3A_76 = arith.constant 0 : i32
    %dma_wait3A_77 = tpu.memref_slice %arg7[%dma_wait3A_74, %dma_wait3A_75, %dma_wait3A_76] : memref<2x128x128xf32, #tpu.memory_space<vmem>> -> memref<1x128x128xf32, #tpu.memory_space<vmem>>
    %dma_wait3A_78 = tpu.memref_squeeze %dma_wait3A_77 : memref<1x128x128xf32, #tpu.memory_space<vmem>> -> memref<128x128xf32, #tpu.memory_space<vmem>>
    %dma_wait3A_79 = arith.constant 0 : i32
    %dma_wait3A_80 = tpu.memref_slice %arg6[%dma_wait3A_72, %dma_wait3A_73, %dma_wait3A_79] : memref<40x2x128xi32, #tpu.memory_space<vmem>> -> memref<1x1x128xi32, #tpu.memory_space<vmem>>
    %dma_wait3A_81 = tpu.memref_squeeze %dma_wait3A_80 : memref<1x1x128xi32, #tpu.memory_space<vmem>> -> memref<128xi32, #tpu.memory_space<vmem>>
    %dma_wait3A_82 = arith.constant 0 : i32
    %dma_wait3A_83 = arith.constant 0 : i32
    %dma_wait3A_84 = tpu.memref_slice %arg3[%dma_wait3A_82, %dma_wait3A_83] : memref<10000x128xf32, #tpu.memory_space<hbm>> -> memref<10000x128xf32, #tpu.memory_space<hbm>>
    tpu.wait_indirect_dma semaphore(%arg10 : memref<!tpu.dma_semaphore, #tpu.memory_space<semaphore_mem>>) src(%dma_wait3A_84 : memref<10000x128xf32, #tpu.memory_space<hbm>>) dst(%dma_wait3A_78 : memref<128x128xf32, #tpu.memory_space<vmem>>)
    %add3A_85 = arith.constant 40 : i32
    %add3A_86 = arith.addi %select_n3A, %add3A_85 : i32
    %jit3A_87 = arith.constant 2 : i32
    %div3A = arith.divsi %select_n3A_29, %jit3A_87 : i32
    %sign3A = arith.constant 0 : i32
    %sign3A_88 = arith.cmpi sgt, %select_n3A_29, %sign3A : i32
    %sign3A_89 = arith.extui %sign3A_88 : i1 to i32
    %sign3A_90 = arith.constant 0 : i32
    %sign3A_91 = arith.cmpi slt, %select_n3A_29, %sign3A_90 : i32
    %sign3A_92 = arith.extui %sign3A_91 : i1 to i32
    %sign3A_93 = arith.subi %sign3A_89, %sign3A_92 : i32
    %sign3A_94 = arith.constant 0 : i32
    %sign3A_95 = arith.cmpi sgt, %jit3A_87, %sign3A_94 : i32
    %sign3A_96 = arith.extui %sign3A_95 : i1 to i32
    %sign3A_97 = arith.constant 0 : i32
    %sign3A_98 = arith.cmpi slt, %jit3A_87, %sign3A_97 : i32
    %sign3A_99 = arith.extui %sign3A_98 : i1 to i32
    %sign3A_100 = arith.subi %sign3A_96, %sign3A_99 : i32
    %ne3A = arith.cmpi ne, %sign3A_93, %sign3A_100 : i32
    %rem3A = arith.remsi %select_n3A_29, %jit3A_87 : i32
    %ne3A_101 = arith.constant 0 : i32
    %ne3A_102 = arith.cmpi ne, %rem3A, %ne3A_101 : i32
    %and3A = arith.andi %ne3A, %ne3A_102 : i1
    %sub3A_103 = arith.constant 1 : i32
    %sub3A_104 = arith.subi %div3A, %sub3A_103 : i32
    %select_n3A_105 = arith.select %and3A, %sub3A_104, %div3A : i32
    %sub3A_106 = arith.constant 1 : i32
    %sub3A_107 = arith.subi %select_n3A_29, %sub3A_106 : i32
    %multiple_of3A_108 = tpu.assume_multiple %add3A_86, 8 : i32
    "tpu.region"() ({
      %run_scoped3A_192 = tpu.sem_alloc : memref<!tpu.dma_semaphore, #tpu.memory_space<semaphore_mem>>
      %dma_start3A_193 = arith.constant 0 : i32
      %dma_start3A_194 = arith.constant 0 : i32
      %dma_start3A_195 = tpu.memref_slice %arg2[%multiple_of3A_108, %dma_start3A_193, %dma_start3A_194] : memref<2500x2x128xi32, #tpu.memory_space<hbm>> -> memref<40x2x128xi32, #tpu.memory_space<hbm>>
      %dma_start3A_196 = arith.constant 0 : i32
      %dma_start3A_197 = arith.constant 0 : i32
      %dma_start3A_198 = tpu.memref_slice %arg2[%multiple_of3A_108, %dma_start3A_196, %dma_start3A_197] : memref<2500x2x128xi32, #tpu.memory_space<hbm>> -> memref<40x2x128xi32, #tpu.memory_space<hbm>>
      tpu.enqueue_dma source(%dma_start3A_198 : memref<40x2x128xi32, #tpu.memory_space<hbm>>) target(%arg6 : memref<40x2x128xi32, #tpu.memory_space<vmem>>) target_semaphore(%run_scoped3A_192 : memref<!tpu.dma_semaphore, #tpu.memory_space<semaphore_mem>>)
      %dma_wait3A_199 = arith.constant 0 : i32
      %dma_wait3A_200 = arith.constant 0 : i32
      %dma_wait3A_201 = tpu.memref_slice %arg2[%multiple_of3A_108, %dma_wait3A_199, %dma_wait3A_200] : memref<2500x2x128xi32, #tpu.memory_space<hbm>> -> memref<40x2x128xi32, #tpu.memory_space<hbm>>
      %dma_wait3A_202 = arith.constant 0 : i32
      %dma_wait3A_203 = arith.constant 0 : i32
      %dma_wait3A_204 = tpu.memref_slice %arg2[%multiple_of3A_108, %dma_wait3A_202, %dma_wait3A_203] : memref<2500x2x128xi32, #tpu.memory_space<hbm>> -> memref<40x2x128xi32, #tpu.memory_space<hbm>>
      tpu.wait_dma2 semaphore(%run_scoped3A_192 : memref<!tpu.dma_semaphore, #tpu.memory_space<semaphore_mem>>) src(%dma_wait3A_204 : memref<40x2x128xi32, #tpu.memory_space<hbm>>) dst(%arg6 : memref<40x2x128xi32, #tpu.memory_space<vmem>>)
      tpu.yield
    }) : () -> ()
    %dma_start3A_109 = arith.constant 0 : i32
    %dma_start3A_110 = arith.constant 0 : i32
    %dma_start3A_111 = arith.constant 0 : i32
    %dma_start3A_112 = arith.constant 0 : i32
    %dma_start3A_113 = arith.constant 0 : i32
    %dma_start3A_114 = tpu.memref_slice %arg7[%dma_start3A_111, %dma_start3A_112, %dma_start3A_113] : memref<2x128x128xf32, #tpu.memory_space<vmem>> -> memref<1x128x128xf32, #tpu.memory_space<vmem>>
    %dma_start3A_115 = tpu.memref_squeeze %dma_start3A_114 : memref<1x128x128xf32, #tpu.memory_space<vmem>> -> memref<128x128xf32, #tpu.memory_space<vmem>>
    %dma_start3A_116 = arith.constant 0 : i32
    %dma_start3A_117 = tpu.memref_slice %arg6[%dma_start3A_109, %dma_start3A_110, %dma_start3A_116] : memref<40x2x128xi32, #tpu.memory_space<vmem>> -> memref<1x1x128xi32, #tpu.memory_space<vmem>>
    %dma_start3A_118 = tpu.memref_squeeze %dma_start3A_117 : memref<1x1x128xi32, #tpu.memory_space<vmem>> -> memref<128xi32, #tpu.memory_space<vmem>>
    %dma_start3A_119 = arith.constant 0 : i32
    %dma_start3A_120 = arith.constant 0 : i32
    %dma_start3A_121 = tpu.memref_slice %arg3[%dma_start3A_119, %dma_start3A_120] : memref<10000x128xf32, #tpu.memory_space<hbm>> -> memref<10000x128xf32, #tpu.memory_space<hbm>>
    tpu.enqueue_indirect_dma source(%dma_start3A_121 : memref<10000x128xf32, #tpu.memory_space<hbm>>) target(%dma_start3A_115 : memref<128x128xf32, #tpu.memory_space<vmem>>) offsets(%dma_start3A_118 : memref<128xi32, #tpu.memory_space<vmem>>) semaphore(%arg9 : memref<!tpu.dma_semaphore, #tpu.memory_space<semaphore_mem>>)
    %dma_start3A_122 = arith.constant 1 : i32
    %dma_start3A_123 = arith.constant 0 : i32
    %dma_start3A_124 = arith.constant 1 : i32
    %dma_start3A_125 = arith.constant 0 : i32
    %dma_start3A_126 = arith.constant 0 : i32
    %dma_start3A_127 = tpu.memref_slice %arg7[%dma_start3A_124, %dma_start3A_125, %dma_start3A_126] : memref<2x128x128xf32, #tpu.memory_space<vmem>> -> memref<1x128x128xf32, #tpu.memory_space<vmem>>
    %dma_start3A_128 = tpu.memref_squeeze %dma_start3A_127 : memref<1x128x128xf32, #tpu.memory_space<vmem>> -> memref<128x128xf32, #tpu.memory_space<vmem>>
    %dma_start3A_129 = arith.constant 0 : i32
    %dma_start3A_130 = tpu.memref_slice %arg6[%dma_start3A_122, %dma_start3A_123, %dma_start3A_129] : memref<40x2x128xi32, #tpu.memory_space<vmem>> -> memref<1x1x128xi32, #tpu.memory_space<vmem>>
    %dma_start3A_131 = tpu.memref_squeeze %dma_start3A_130 : memref<1x1x128xi32, #tpu.memory_space<vmem>> -> memref<128xi32, #tpu.memory_space<vmem>>
    %dma_start3A_132 = arith.constant 0 : i32
    %dma_start3A_133 = arith.constant 0 : i32
    %dma_start3A_134 = tpu.memref_slice %arg3[%dma_start3A_132, %dma_start3A_133] : memref<10000x128xf32, #tpu.memory_space<hbm>> -> memref<10000x128xf32, #tpu.memory_space<hbm>>
    tpu.enqueue_indirect_dma source(%dma_start3A_134 : memref<10000x128xf32, #tpu.memory_space<hbm>>) target(%dma_start3A_128 : memref<128x128xf32, #tpu.memory_space<vmem>>) offsets(%dma_start3A_131 : memref<128xi32, #tpu.memory_space<vmem>>) semaphore(%arg10 : memref<!tpu.dma_semaphore, #tpu.memory_space<semaphore_mem>>)
    %while3A = arith.constant 0 : i32
    %while3A_135 = arith.constant 0 : i32
    %while3A_136 = arith.subi %select_n3A_105, %while3A_135 : i32
    %while3A_137 = arith.addi %while3A_135, %while3A_136 : i32
    %while3A_138 = arith.constant 1 : i32
    %while3A_139 = arith.divsi %while3A_136, %while3A_138 : i32
    %while3A_140 = arith.muli %while3A_139, %while3A_138 : i32
    %while3A_141 = arith.addi %while3A_135, %while3A_140 : i32
    %while3A_142 = arith.constant 1 : i32
    scf.for %while3A_192 = %while3A_135 to %while3A_141 step %while3A_142  : i32 {
      %mul3A_193 = arith.constant 2 : i32
      %mul3A_194 = arith.muli %while3A_192, %mul3A_193 : i32
      %add3A_195 = arith.constant 0 : i32
      %add3A_196 = arith.addi %mul3A_194, %add3A_195 : i32
      %dma_wait3A_197 = arith.constant 0 : i32
      %dma_wait3A_198 = arith.constant 0 : i32
      %dma_wait3A_199 = arith.constant 0 : i32
      %dma_wait3A_200 = arith.constant 0 : i32
      %dma_wait3A_201 = tpu.memref_slice %arg7[%dma_wait3A_198, %dma_wait3A_199, %dma_wait3A_200] : memref<2x128x128xf32, #tpu.memory_space<vmem>> -> memref<1x128x128xf32, #tpu.memory_space<vmem>>
      %dma_wait3A_202 = tpu.memref_squeeze %dma_wait3A_201 : memref<1x128x128xf32, #tpu.memory_space<vmem>> -> memref<128x128xf32, #tpu.memory_space<vmem>>
      %dma_wait3A_203 = arith.constant 0 : i32
      %dma_wait3A_204 = tpu.memref_slice %arg6[%add3A_196, %dma_wait3A_197, %dma_wait3A_203] : memref<40x2x128xi32, #tpu.memory_space<vmem>> -> memref<1x1x128xi32, #tpu.memory_space<vmem>>
      %dma_wait3A_205 = tpu.memref_squeeze %dma_wait3A_204 : memref<1x1x128xi32, #tpu.memory_space<vmem>> -> memref<128xi32, #tpu.memory_space<vmem>>
      %dma_wait3A_206 = arith.constant 0 : i32
      %dma_wait3A_207 = arith.constant 0 : i32
      %dma_wait3A_208 = tpu.memref_slice %arg3[%dma_wait3A_206, %dma_wait3A_207] : memref<10000x128xf32, #tpu.memory_space<hbm>> -> memref<10000x128xf32, #tpu.memory_space<hbm>>
      tpu.wait_indirect_dma semaphore(%arg9 : memref<!tpu.dma_semaphore, #tpu.memory_space<semaphore_mem>>) src(%dma_wait3A_208 : memref<10000x128xf32, #tpu.memory_space<hbm>>) dst(%dma_wait3A_202 : memref<128x128xf32, #tpu.memory_space<vmem>>)
      %add3A_209 = arith.constant 0 : i32
      %add3A_210 = arith.addi %mul3A_194, %add3A_209 : i32
      %run_scoped3A_211 = arith.constant 0 : i32
      %run_scoped3A_212 = arith.constant 1 : i32
      "tpu.region"() ({
        %run_scoped3A_264 = tpu.sem_alloc : memref<!tpu.dma_semaphore, #tpu.memory_space<semaphore_mem>>
        %dma_start3A_265 = arith.constant 0 : i32
        %dma_start3A_266 = arith.constant 0 : i32
        %dma_start3A_267 = tpu.memref_slice %arg7[%run_scoped3A_211, %dma_start3A_265, %dma_start3A_266] : memref<2x128x128xf32, #tpu.memory_space<vmem>> -> memref<1x128x128xf32, #tpu.memory_space<vmem>>
        %dma_start3A_268 = tpu.memref_squeeze %dma_start3A_267 : memref<1x128x128xf32, #tpu.memory_space<vmem>> -> memref<128x128xf32, #tpu.memory_space<vmem>>
        %dma_start3A_269 = arith.constant 0 : i32
        %dma_start3A_270 = tpu.memref_slice %arg6[%add3A_210, %run_scoped3A_212, %dma_start3A_269] : memref<40x2x128xi32, #tpu.memory_space<vmem>> -> memref<1x1x128xi32, #tpu.memory_space<vmem>>
        %dma_start3A_271 = tpu.memref_squeeze %dma_start3A_270 : memref<1x1x128xi32, #tpu.memory_space<vmem>> -> memref<128xi32, #tpu.memory_space<vmem>>
        %dma_start3A_272 = arith.constant 0 : i32
        %dma_start3A_273 = arith.constant 0 : i32
        %dma_start3A_274 = tpu.memref_slice %arg8[%dma_start3A_272, %dma_start3A_273] : memref<10240x128xf32, #tpu.memory_space<vmem_shared>> -> memref<10240x128xf32, #tpu.memory_space<vmem_shared>>
        tpu.enqueue_indirect_dma source(%dma_start3A_268 : memref<128x128xf32, #tpu.memory_space<vmem>>) target(%dma_start3A_274 : memref<10240x128xf32, #tpu.memory_space<vmem_shared>>) offsets(%dma_start3A_271 : memref<128xi32, #tpu.memory_space<vmem>>) semaphore(%run_scoped3A_264 : memref<!tpu.dma_semaphore, #tpu.memory_space<semaphore_mem>>) {add = true}
        %dma_wait3A_275 = arith.constant 0 : i32
        %dma_wait3A_276 = arith.constant 0 : i32
        %dma_wait3A_277 = tpu.memref_slice %arg7[%run_scoped3A_211, %dma_wait3A_275, %dma_wait3A_276] : memref<2x128x128xf32, #tpu.memory_space<vmem>> -> memref<1x128x128xf32, #tpu.memory_space<vmem>>
        %dma_wait3A_278 = tpu.memref_squeeze %dma_wait3A_277 : memref<1x128x128xf32, #tpu.memory_space<vmem>> -> memref<128x128xf32, #tpu.memory_space<vmem>>
        %dma_wait3A_279 = arith.constant 0 : i32
        %dma_wait3A_280 = tpu.memref_slice %arg6[%add3A_210, %run_scoped3A_212, %dma_wait3A_279] : memref<40x2x128xi32, #tpu.memory_space<vmem>> -> memref<1x1x128xi32, #tpu.memory_space<vmem>>
        %dma_wait3A_281 = tpu.memref_squeeze %dma_wait3A_280 : memref<1x1x128xi32, #tpu.memory_space<vmem>> -> memref<128xi32, #tpu.memory_space<vmem>>
        %dma_wait3A_282 = arith.constant 0 : i32
        %dma_wait3A_283 = arith.constant 0 : i32
        %dma_wait3A_284 = tpu.memref_slice %arg8[%dma_wait3A_282, %dma_wait3A_283] : memref<10240x128xf32, #tpu.memory_space<vmem_shared>> -> memref<10240x128xf32, #tpu.memory_space<vmem_shared>>
        tpu.wait_indirect_dma semaphore(%run_scoped3A_264 : memref<!tpu.dma_semaphore, #tpu.memory_space<semaphore_mem>>) src(%dma_wait3A_278 : memref<128x128xf32, #tpu.memory_space<vmem>>) dst(%dma_wait3A_284 : memref<10240x128xf32, #tpu.memory_space<vmem_shared>>)
        tpu.yield
      }) : () -> ()
      %add3A_213 = arith.constant 2 : i32
      %add3A_214 = arith.addi %mul3A_194, %add3A_213 : i32
      %add3A_215 = arith.constant 0 : i32
      %add3A_216 = arith.addi %add3A_214, %add3A_215 : i32
      %min3A = arith.minsi %add3A_216, %sub3A_107 : i32
      %dma_start3A_217 = arith.constant 0 : i32
      %dma_start3A_218 = arith.constant 0 : i32
      %dma_start3A_219 = arith.constant 0 : i32
      %dma_start3A_220 = arith.constant 0 : i32
      %dma_start3A_221 = tpu.memref_slice %arg7[%dma_start3A_218, %dma_start3A_219, %dma_start3A_220] : memref<2x128x128xf32, #tpu.memory_space<vmem>> -> memref<1x128x128xf32, #tpu.memory_space<vmem>>
      %dma_start3A_222 = tpu.memref_squeeze %dma_start3A_221 : memref<1x128x128xf32, #tpu.memory_space<vmem>> -> memref<128x128xf32, #tpu.memory_space<vmem>>
      %dma_start3A_223 = arith.constant 0 : i32
      %dma_start3A_224 = tpu.memref_slice %arg6[%min3A, %dma_start3A_217, %dma_start3A_223] : memref<40x2x128xi32, #tpu.memory_space<vmem>> -> memref<1x1x128xi32, #tpu.memory_space<vmem>>
      %dma_start3A_225 = tpu.memref_squeeze %dma_start3A_224 : memref<1x1x128xi32, #tpu.memory_space<vmem>> -> memref<128xi32, #tpu.memory_space<vmem>>
      %dma_start3A_226 = arith.constant 0 : i32
      %dma_start3A_227 = arith.constant 0 : i32
      %dma_start3A_228 = tpu.memref_slice %arg3[%dma_start3A_226, %dma_start3A_227] : memref<10000x128xf32, #tpu.memory_space<hbm>> -> memref<10000x128xf32, #tpu.memory_space<hbm>>
      tpu.enqueue_indirect_dma source(%dma_start3A_228 : memref<10000x128xf32, #tpu.memory_space<hbm>>) target(%dma_start3A_222 : memref<128x128xf32, #tpu.memory_space<vmem>>) offsets(%dma_start3A_225 : memref<128xi32, #tpu.memory_space<vmem>>) semaphore(%arg9 : memref<!tpu.dma_semaphore, #tpu.memory_space<semaphore_mem>>)
      %add3A_229 = arith.constant 1 : i32
      %add3A_230 = arith.addi %mul3A_194, %add3A_229 : i32
      %dma_wait3A_231 = arith.constant 0 : i32
      %dma_wait3A_232 = arith.constant 1 : i32
      %dma_wait3A_233 = arith.constant 0 : i32
      %dma_wait3A_234 = arith.constant 0 : i32
      %dma_wait3A_235 = tpu.memref_slice %arg7[%dma_wait3A_232, %dma_wait3A_233, %dma_wait3A_234] : memref<2x128x128xf32, #tpu.memory_space<vmem>> -> memref<1x128x128xf32, #tpu.memory_space<vmem>>
      %dma_wait3A_236 = tpu.memref_squeeze %dma_wait3A_235 : memref<1x128x128xf32, #tpu.memory_space<vmem>> -> memref<128x128xf32, #tpu.memory_space<vmem>>
      %dma_wait3A_237 = arith.constant 0 : i32
      %dma_wait3A_238 = tpu.memref_slice %arg6[%add3A_230, %dma_wait3A_231, %dma_wait3A_237] : memref<40x2x128xi32, #tpu.memory_space<vmem>> -> memref<1x1x128xi32, #tpu.memory_space<vmem>>
      %dma_wait3A_239 = tpu.memref_squeeze %dma_wait3A_238 : memref<1x1x128xi32, #tpu.memory_space<vmem>> -> memref<128xi32, #tpu.memory_space<vmem>>
      %dma_wait3A_240 = arith.constant 0 : i32
      %dma_wait3A_241 = arith.constant 0 : i32
      %dma_wait3A_242 = tpu.memref_slice %arg3[%dma_wait3A_240, %dma_wait3A_241] : memref<10000x128xf32, #tpu.memory_space<hbm>> -> memref<10000x128xf32, #tpu.memory_space<hbm>>
      tpu.wait_indirect_dma semaphore(%arg10 : memref<!tpu.dma_semaphore, #tpu.memory_space<semaphore_mem>>) src(%dma_wait3A_242 : memref<10000x128xf32, #tpu.memory_space<hbm>>) dst(%dma_wait3A_236 : memref<128x128xf32, #tpu.memory_space<vmem>>)
      %add3A_243 = arith.constant 1 : i32
      %add3A_244 = arith.addi %mul3A_194, %add3A_243 : i32
      %run_scoped3A_245 = arith.constant 1 : i32
      %run_scoped3A_246 = arith.constant 1 : i32
      "tpu.region"() ({
        %run_scoped3A_264 = tpu.sem_alloc : memref<!tpu.dma_semaphore, #tpu.memory_space<semaphore_mem>>
        %dma_start3A_265 = arith.constant 0 : i32
        %dma_start3A_266 = arith.constant 0 : i32
        %dma_start3A_267 = tpu.memref_slice %arg7[%run_scoped3A_245, %dma_start3A_265, %dma_start3A_266] : memref<2x128x128xf32, #tpu.memory_space<vmem>> -> memref<1x128x128xf32, #tpu.memory_space<vmem>>
        %dma_start3A_268 = tpu.memref_squeeze %dma_start3A_267 : memref<1x128x128xf32, #tpu.memory_space<vmem>> -> memref<128x128xf32, #tpu.memory_space<vmem>>
        %dma_start3A_269 = arith.constant 0 : i32
        %dma_start3A_270 = tpu.memref_slice %arg6[%add3A_244, %run_scoped3A_246, %dma_start3A_269] : memref<40x2x128xi32, #tpu.memory_space<vmem>> -> memref<1x1x128xi32, #tpu.memory_space<vmem>>
        %dma_start3A_271 = tpu.memref_squeeze %dma_start3A_270 : memref<1x1x128xi32, #tpu.memory_space<vmem>> -> memref<128xi32, #tpu.memory_space<vmem>>
        %dma_start3A_272 = arith.constant 0 : i32
        %dma_start3A_273 = arith.constant 0 : i32
        %dma_start3A_274 = tpu.memref_slice %arg8[%dma_start3A_272, %dma_start3A_273] : memref<10240x128xf32, #tpu.memory_space<vmem_shared>> -> memref<10240x128xf32, #tpu.memory_space<vmem_shared>>
        tpu.enqueue_indirect_dma source(%dma_start3A_268 : memref<128x128xf32, #tpu.memory_space<vmem>>) target(%dma_start3A_274 : memref<10240x128xf32, #tpu.memory_space<vmem_shared>>) offsets(%dma_start3A_271 : memref<128xi32, #tpu.memory_space<vmem>>) semaphore(%run_scoped3A_264 : memref<!tpu.dma_semaphore, #tpu.memory_space<semaphore_mem>>) {add = true}
        %dma_wait3A_275 = arith.constant 0 : i32
        %dma_wait3A_276 = arith.constant 0 : i32
        %dma_wait3A_277 = tpu.memref_slice %arg7[%run_scoped3A_245, %dma_wait3A_275, %dma_wait3A_276] : memref<2x128x128xf32, #tpu.memory_space<vmem>> -> memref<1x128x128xf32, #tpu.memory_space<vmem>>
        %dma_wait3A_278 = tpu.memref_squeeze %dma_wait3A_277 : memref<1x128x128xf32, #tpu.memory_space<vmem>> -> memref<128x128xf32, #tpu.memory_space<vmem>>
        %dma_wait3A_279 = arith.constant 0 : i32
        %dma_wait3A_280 = tpu.memref_slice %arg6[%add3A_244, %run_scoped3A_246, %dma_wait3A_279] : memref<40x2x128xi32, #tpu.memory_space<vmem>> -> memref<1x1x128xi32, #tpu.memory_space<vmem>>
        %dma_wait3A_281 = tpu.memref_squeeze %dma_wait3A_280 : memref<1x1x128xi32, #tpu.memory_space<vmem>> -> memref<128xi32, #tpu.memory_space<vmem>>
        %dma_wait3A_282 = arith.constant 0 : i32
        %dma_wait3A_283 = arith.constant 0 : i32
        %dma_wait3A_284 = tpu.memref_slice %arg8[%dma_wait3A_282, %dma_wait3A_283] : memref<10240x128xf32, #tpu.memory_space<vmem_shared>> -> memref<10240x128xf32, #tpu.memory_space<vmem_shared>>
        tpu.wait_indirect_dma semaphore(%run_scoped3A_264 : memref<!tpu.dma_semaphore, #tpu.memory_space<semaphore_mem>>) src(%dma_wait3A_278 : memref<128x128xf32, #tpu.memory_space<vmem>>) dst(%dma_wait3A_284 : memref<10240x128xf32, #tpu.memory_space<vmem_shared>>)
        tpu.yield
      }) : () -> ()
      %add3A_247 = arith.constant 2 : i32
      %add3A_248 = arith.addi %mul3A_194, %add3A_247 : i32
      %add3A_249 = arith.constant 1 : i32
      %add3A_250 = arith.addi %add3A_248, %add3A_249 : i32
      %min3A_251 = arith.minsi %add3A_250, %sub3A_107 : i32
      %dma_start3A_252 = arith.constant 0 : i32
      %dma_start3A_253 = arith.constant 1 : i32
      %dma_start3A_254 = arith.constant 0 : i32
      %dma_start3A_255 = arith.constant 0 : i32
      %dma_start3A_256 = tpu.memref_slice %arg7[%dma_start3A_253, %dma_start3A_254, %dma_start3A_255] : memref<2x128x128xf32, #tpu.memory_space<vmem>> -> memref<1x128x128xf32, #tpu.memory_space<vmem>>
      %dma_start3A_257 = tpu.memref_squeeze %dma_start3A_256 : memref<1x128x128xf32, #tpu.memory_space<vmem>> -> memref<128x128xf32, #tpu.memory_space<vmem>>
      %dma_start3A_258 = arith.constant 0 : i32
      %dma_start3A_259 = tpu.memref_slice %arg6[%min3A_251, %dma_start3A_252, %dma_start3A_258] : memref<40x2x128xi32, #tpu.memory_space<vmem>> -> memref<1x1x128xi32, #tpu.memory_space<vmem>>
      %dma_start3A_260 = tpu.memref_squeeze %dma_start3A_259 : memref<1x1x128xi32, #tpu.memory_space<vmem>> -> memref<128xi32, #tpu.memory_space<vmem>>
      %dma_start3A_261 = arith.constant 0 : i32
      %dma_start3A_262 = arith.constant 0 : i32
      %dma_start3A_263 = tpu.memref_slice %arg3[%dma_start3A_261, %dma_start3A_262] : memref<10000x128xf32, #tpu.memory_space<hbm>> -> memref<10000x128xf32, #tpu.memory_space<hbm>>
      tpu.enqueue_indirect_dma source(%dma_start3A_263 : memref<10000x128xf32, #tpu.memory_space<hbm>>) target(%dma_start3A_257 : memref<128x128xf32, #tpu.memory_space<vmem>>) offsets(%dma_start3A_260 : memref<128xi32, #tpu.memory_space<vmem>>) semaphore(%arg10 : memref<!tpu.dma_semaphore, #tpu.memory_space<semaphore_mem>>)
    }
    %while3A_143 = arith.constant 1 : i32
    scf.for %while3A_192 = %while3A_141 to %while3A_137 step %while3A_143  : i32 {
      %mul3A_193 = arith.constant 2 : i32
      %mul3A_194 = arith.muli %while3A_192, %mul3A_193 : i32
      %add3A_195 = arith.constant 0 : i32
      %add3A_196 = arith.addi %mul3A_194, %add3A_195 : i32
      %dma_wait3A_197 = arith.constant 0 : i32
      %dma_wait3A_198 = arith.constant 0 : i32
      %dma_wait3A_199 = arith.constant 0 : i32
      %dma_wait3A_200 = arith.constant 0 : i32
      %dma_wait3A_201 = tpu.memref_slice %arg7[%dma_wait3A_198, %dma_wait3A_199, %dma_wait3A_200] : memref<2x128x128xf32, #tpu.memory_space<vmem>> -> memref<1x128x128xf32, #tpu.memory_space<vmem>>
      %dma_wait3A_202 = tpu.memref_squeeze %dma_wait3A_201 : memref<1x128x128xf32, #tpu.memory_space<vmem>> -> memref<128x128xf32, #tpu.memory_space<vmem>>
      %dma_wait3A_203 = arith.constant 0 : i32
      %dma_wait3A_204 = tpu.memref_slice %arg6[%add3A_196, %dma_wait3A_197, %dma_wait3A_203] : memref<40x2x128xi32, #tpu.memory_space<vmem>> -> memref<1x1x128xi32, #tpu.memory_space<vmem>>
      %dma_wait3A_205 = tpu.memref_squeeze %dma_wait3A_204 : memref<1x1x128xi32, #tpu.memory_space<vmem>> -> memref<128xi32, #tpu.memory_space<vmem>>
      %dma_wait3A_206 = arith.constant 0 : i32
      %dma_wait3A_207 = arith.constant 0 : i32
      %dma_wait3A_208 = tpu.memref_slice %arg3[%dma_wait3A_206, %dma_wait3A_207] : memref<10000x128xf32, #tpu.memory_space<hbm>> -> memref<10000x128xf32, #tpu.memory_space<hbm>>
      tpu.wait_indirect_dma semaphore(%arg9 : memref<!tpu.dma_semaphore, #tpu.memory_space<semaphore_mem>>) src(%dma_wait3A_208 : memref<10000x128xf32, #tpu.memory_space<hbm>>) dst(%dma_wait3A_202 : memref<128x128xf32, #tpu.memory_space<vmem>>)
      %add3A_209 = arith.constant 0 : i32
      %add3A_210 = arith.addi %mul3A_194, %add3A_209 : i32
      %run_scoped3A_211 = arith.constant 0 : i32
      %run_scoped3A_212 = arith.constant 1 : i32
      "tpu.region"() ({
        %run_scoped3A_264 = tpu.sem_alloc : memref<!tpu.dma_semaphore, #tpu.memory_space<semaphore_mem>>
        %dma_start3A_265 = arith.constant 0 : i32
        %dma_start3A_266 = arith.constant 0 : i32
        %dma_start3A_267 = tpu.memref_slice %arg7[%run_scoped3A_211, %dma_start3A_265, %dma_start3A_266] : memref<2x128x128xf32, #tpu.memory_space<vmem>> -> memref<1x128x128xf32, #tpu.memory_space<vmem>>
        %dma_start3A_268 = tpu.memref_squeeze %dma_start3A_267 : memref<1x128x128xf32, #tpu.memory_space<vmem>> -> memref<128x128xf32, #tpu.memory_space<vmem>>
        %dma_start3A_269 = arith.constant 0 : i32
        %dma_start3A_270 = tpu.memref_slice %arg6[%add3A_210, %run_scoped3A_212, %dma_start3A_269] : memref<40x2x128xi32, #tpu.memory_space<vmem>> -> memref<1x1x128xi32, #tpu.memory_space<vmem>>
        %dma_start3A_271 = tpu.memref_squeeze %dma_start3A_270 : memref<1x1x128xi32, #tpu.memory_space<vmem>> -> memref<128xi32, #tpu.memory_space<vmem>>
        %dma_start3A_272 = arith.constant 0 : i32
        %dma_start3A_273 = arith.constant 0 : i32
        %dma_start3A_274 = tpu.memref_slice %arg8[%dma_start3A_272, %dma_start3A_273] : memref<10240x128xf32, #tpu.memory_space<vmem_shared>> -> memref<10240x128xf32, #tpu.memory_space<vmem_shared>>
        tpu.enqueue_indirect_dma source(%dma_start3A_268 : memref<128x128xf32, #tpu.memory_space<vmem>>) target(%dma_start3A_274 : memref<10240x128xf32, #tpu.memory_space<vmem_shared>>) offsets(%dma_start3A_271 : memref<128xi32, #tpu.memory_space<vmem>>) semaphore(%run_scoped3A_264 : memref<!tpu.dma_semaphore, #tpu.memory_space<semaphore_mem>>) {add = true}
        %dma_wait3A_275 = arith.constant 0 : i32
        %dma_wait3A_276 = arith.constant 0 : i32
        %dma_wait3A_277 = tpu.memref_slice %arg7[%run_scoped3A_211, %dma_wait3A_275, %dma_wait3A_276] : memref<2x128x128xf32, #tpu.memory_space<vmem>> -> memref<1x128x128xf32, #tpu.memory_space<vmem>>
        %dma_wait3A_278 = tpu.memref_squeeze %dma_wait3A_277 : memref<1x128x128xf32, #tpu.memory_space<vmem>> -> memref<128x128xf32, #tpu.memory_space<vmem>>
        %dma_wait3A_279 = arith.constant 0 : i32
        %dma_wait3A_280 = tpu.memref_slice %arg6[%add3A_210, %run_scoped3A_212, %dma_wait3A_279] : memref<40x2x128xi32, #tpu.memory_space<vmem>> -> memref<1x1x128xi32, #tpu.memory_space<vmem>>
        %dma_wait3A_281 = tpu.memref_squeeze %dma_wait3A_280 : memref<1x1x128xi32, #tpu.memory_space<vmem>> -> memref<128xi32, #tpu.memory_space<vmem>>
        %dma_wait3A_282 = arith.constant 0 : i32
        %dma_wait3A_283 = arith.constant 0 : i32
        %dma_wait3A_284 = tpu.memref_slice %arg8[%dma_wait3A_282, %dma_wait3A_283] : memref<10240x128xf32, #tpu.memory_space<vmem_shared>> -> memref<10240x128xf32, #tpu.memory_space<vmem_shared>>
        tpu.wait_indirect_dma semaphore(%run_scoped3A_264 : memref<!tpu.dma_semaphore, #tpu.memory_space<semaphore_mem>>) src(%dma_wait3A_278 : memref<128x128xf32, #tpu.memory_space<vmem>>) dst(%dma_wait3A_284 : memref<10240x128xf32, #tpu.memory_space<vmem_shared>>)
        tpu.yield
      }) : () -> ()
      %add3A_213 = arith.constant 2 : i32
      %add3A_214 = arith.addi %mul3A_194, %add3A_213 : i32
      %add3A_215 = arith.constant 0 : i32
      %add3A_216 = arith.addi %add3A_214, %add3A_215 : i32
      %min3A = arith.minsi %add3A_216, %sub3A_107 : i32
      %dma_start3A_217 = arith.constant 0 : i32
      %dma_start3A_218 = arith.constant 0 : i32
      %dma_start3A_219 = arith.constant 0 : i32
      %dma_start3A_220 = arith.constant 0 : i32
      %dma_start3A_221 = tpu.memref_slice %arg7[%dma_start3A_218, %dma_start3A_219, %dma_start3A_220] : memref<2x128x128xf32, #tpu.memory_space<vmem>> -> memref<1x128x128xf32, #tpu.memory_space<vmem>>
      %dma_start3A_222 = tpu.memref_squeeze %dma_start3A_221 : memref<1x128x128xf32, #tpu.memory_space<vmem>> -> memref<128x128xf32, #tpu.memory_space<vmem>>
      %dma_start3A_223 = arith.constant 0 : i32
      %dma_start3A_224 = tpu.memref_slice %arg6[%min3A, %dma_start3A_217, %dma_start3A_223] : memref<40x2x128xi32, #tpu.memory_space<vmem>> -> memref<1x1x128xi32, #tpu.memory_space<vmem>>
      %dma_start3A_225 = tpu.memref_squeeze %dma_start3A_224 : memref<1x1x128xi32, #tpu.memory_space<vmem>> -> memref<128xi32, #tpu.memory_space<vmem>>
      %dma_start3A_226 = arith.constant 0 : i32
      %dma_start3A_227 = arith.constant 0 : i32
      %dma_start3A_228 = tpu.memref_slice %arg3[%dma_start3A_226, %dma_start3A_227] : memref<10000x128xf32, #tpu.memory_space<hbm>> -> memref<10000x128xf32, #tpu.memory_space<hbm>>
      tpu.enqueue_indirect_dma source(%dma_start3A_228 : memref<10000x128xf32, #tpu.memory_space<hbm>>) target(%dma_start3A_222 : memref<128x128xf32, #tpu.memory_space<vmem>>) offsets(%dma_start3A_225 : memref<128xi32, #tpu.memory_space<vmem>>) semaphore(%arg9 : memref<!tpu.dma_semaphore, #tpu.memory_space<semaphore_mem>>)
      %add3A_229 = arith.constant 1 : i32
      %add3A_230 = arith.addi %mul3A_194, %add3A_229 : i32
      %dma_wait3A_231 = arith.constant 0 : i32
      %dma_wait3A_232 = arith.constant 1 : i32
      %dma_wait3A_233 = arith.constant 0 : i32
      %dma_wait3A_234 = arith.constant 0 : i32
      %dma_wait3A_235 = tpu.memref_slice %arg7[%dma_wait3A_232, %dma_wait3A_233, %dma_wait3A_234] : memref<2x128x128xf32, #tpu.memory_space<vmem>> -> memref<1x128x128xf32, #tpu.memory_space<vmem>>
      %dma_wait3A_236 = tpu.memref_squeeze %dma_wait3A_235 : memref<1x128x128xf32, #tpu.memory_space<vmem>> -> memref<128x128xf32, #tpu.memory_space<vmem>>
      %dma_wait3A_237 = arith.constant 0 : i32
      %dma_wait3A_238 = tpu.memref_slice %arg6[%add3A_230, %dma_wait3A_231, %dma_wait3A_237] : memref<40x2x128xi32, #tpu.memory_space<vmem>> -> memref<1x1x128xi32, #tpu.memory_space<vmem>>
      %dma_wait3A_239 = tpu.memref_squeeze %dma_wait3A_238 : memref<1x1x128xi32, #tpu.memory_space<vmem>> -> memref<128xi32, #tpu.memory_space<vmem>>
      %dma_wait3A_240 = arith.constant 0 : i32
      %dma_wait3A_241 = arith.constant 0 : i32
      %dma_wait3A_242 = tpu.memref_slice %arg3[%dma_wait3A_240, %dma_wait3A_241] : memref<10000x128xf32, #tpu.memory_space<hbm>> -> memref<10000x128xf32, #tpu.memory_space<hbm>>
      tpu.wait_indirect_dma semaphore(%arg10 : memref<!tpu.dma_semaphore, #tpu.memory_space<semaphore_mem>>) src(%dma_wait3A_242 : memref<10000x128xf32, #tpu.memory_space<hbm>>) dst(%dma_wait3A_236 : memref<128x128xf32, #tpu.memory_space<vmem>>)
      %add3A_243 = arith.constant 1 : i32
      %add3A_244 = arith.addi %mul3A_194, %add3A_243 : i32
      %run_scoped3A_245 = arith.constant 1 : i32
      %run_scoped3A_246 = arith.constant 1 : i32
      "tpu.region"() ({
        %run_scoped3A_264 = tpu.sem_alloc : memref<!tpu.dma_semaphore, #tpu.memory_space<semaphore_mem>>
        %dma_start3A_265 = arith.constant 0 : i32
        %dma_start3A_266 = arith.constant 0 : i32
        %dma_start3A_267 = tpu.memref_slice %arg7[%run_scoped3A_245, %dma_start3A_265, %dma_start3A_266] : memref<2x128x128xf32, #tpu.memory_space<vmem>> -> memref<1x128x128xf32, #tpu.memory_space<vmem>>
        %dma_start3A_268 = tpu.memref_squeeze %dma_start3A_267 : memref<1x128x128xf32, #tpu.memory_space<vmem>> -> memref<128x128xf32, #tpu.memory_space<vmem>>
        %dma_start3A_269 = arith.constant 0 : i32
        %dma_start3A_270 = tpu.memref_slice %arg6[%add3A_244, %run_scoped3A_246, %dma_start3A_269] : memref<40x2x128xi32, #tpu.memory_space<vmem>> -> memref<1x1x128xi32, #tpu.memory_space<vmem>>
        %dma_start3A_271 = tpu.memref_squeeze %dma_start3A_270 : memref<1x1x128xi32, #tpu.memory_space<vmem>> -> memref<128xi32, #tpu.memory_space<vmem>>
        %dma_start3A_272 = arith.constant 0 : i32
        %dma_start3A_273 = arith.constant 0 : i32
        %dma_start3A_274 = tpu.memref_slice %arg8[%dma_start3A_272, %dma_start3A_273] : memref<10240x128xf32, #tpu.memory_space<vmem_shared>> -> memref<10240x128xf32, #tpu.memory_space<vmem_shared>>
        tpu.enqueue_indirect_dma source(%dma_start3A_268 : memref<128x128xf32, #tpu.memory_space<vmem>>) target(%dma_start3A_274 : memref<10240x128xf32, #tpu.memory_space<vmem_shared>>) offsets(%dma_start3A_271 : memref<128xi32, #tpu.memory_space<vmem>>) semaphore(%run_scoped3A_264 : memref<!tpu.dma_semaphore, #tpu.memory_space<semaphore_mem>>) {add = true}
        %dma_wait3A_275 = arith.constant 0 : i32
        %dma_wait3A_276 = arith.constant 0 : i32
        %dma_wait3A_277 = tpu.memref_slice %arg7[%run_scoped3A_245, %dma_wait3A_275, %dma_wait3A_276] : memref<2x128x128xf32, #tpu.memory_space<vmem>> -> memref<1x128x128xf32, #tpu.memory_space<vmem>>
        %dma_wait3A_278 = tpu.memref_squeeze %dma_wait3A_277 : memref<1x128x128xf32, #tpu.memory_space<vmem>> -> memref<128x128xf32, #tpu.memory_space<vmem>>
        %dma_wait3A_279 = arith.constant 0 : i32
        %dma_wait3A_280 = tpu.memref_slice %arg6[%add3A_244, %run_scoped3A_246, %dma_wait3A_279] : memref<40x2x128xi32, #tpu.memory_space<vmem>> -> memref<1x1x128xi32, #tpu.memory_space<vmem>>
        %dma_wait3A_281 = tpu.memref_squeeze %dma_wait3A_280 : memref<1x1x128xi32, #tpu.memory_space<vmem>> -> memref<128xi32, #tpu.memory_space<vmem>>
        %dma_wait3A_282 = arith.constant 0 : i32
        %dma_wait3A_283 = arith.constant 0 : i32
        %dma_wait3A_284 = tpu.memref_slice %arg8[%dma_wait3A_282, %dma_wait3A_283] : memref<10240x128xf32, #tpu.memory_space<vmem_shared>> -> memref<10240x128xf32, #tpu.memory_space<vmem_shared>>
        tpu.wait_indirect_dma semaphore(%run_scoped3A_264 : memref<!tpu.dma_semaphore, #tpu.memory_space<semaphore_mem>>) src(%dma_wait3A_278 : memref<128x128xf32, #tpu.memory_space<vmem>>) dst(%dma_wait3A_284 : memref<10240x128xf32, #tpu.memory_space<vmem_shared>>)
        tpu.yield
      }) : () -> ()
      %add3A_247 = arith.constant 2 : i32
      %add3A_248 = arith.addi %mul3A_194, %add3A_247 : i32
      %add3A_249 = arith.constant 1 : i32
      %add3A_250 = arith.addi %add3A_248, %add3A_249 : i32
      %min3A_251 = arith.minsi %add3A_250, %sub3A_107 : i32
      %dma_start3A_252 = arith.constant 0 : i32
      %dma_start3A_253 = arith.constant 1 : i32
      %dma_start3A_254 = arith.constant 0 : i32
      %dma_start3A_255 = arith.constant 0 : i32
      %dma_start3A_256 = tpu.memref_slice %arg7[%dma_start3A_253, %dma_start3A_254, %dma_start3A_255] : memref<2x128x128xf32, #tpu.memory_space<vmem>> -> memref<1x128x128xf32, #tpu.memory_space<vmem>>
      %dma_start3A_257 = tpu.memref_squeeze %dma_start3A_256 : memref<1x128x128xf32, #tpu.memory_space<vmem>> -> memref<128x128xf32, #tpu.memory_space<vmem>>
      %dma_start3A_258 = arith.constant 0 : i32
      %dma_start3A_259 = tpu.memref_slice %arg6[%min3A_251, %dma_start3A_252, %dma_start3A_258] : memref<40x2x128xi32, #tpu.memory_space<vmem>> -> memref<1x1x128xi32, #tpu.memory_space<vmem>>
      %dma_start3A_260 = tpu.memref_squeeze %dma_start3A_259 : memref<1x1x128xi32, #tpu.memory_space<vmem>> -> memref<128xi32, #tpu.memory_space<vmem>>
      %dma_start3A_261 = arith.constant 0 : i32
      %dma_start3A_262 = arith.constant 0 : i32
      %dma_start3A_263 = tpu.memref_slice %arg3[%dma_start3A_261, %dma_start3A_262] : memref<10000x128xf32, #tpu.memory_space<hbm>> -> memref<10000x128xf32, #tpu.memory_space<hbm>>
      tpu.enqueue_indirect_dma source(%dma_start3A_263 : memref<10000x128xf32, #tpu.memory_space<hbm>>) target(%dma_start3A_257 : memref<128x128xf32, #tpu.memory_space<vmem>>) offsets(%dma_start3A_260 : memref<128xi32, #tpu.memory_space<vmem>>) semaphore(%arg10 : memref<!tpu.dma_semaphore, #tpu.memory_space<semaphore_mem>>)
    }
    %dma_wait3A_144 = arith.constant 0 : i32
    %dma_wait3A_145 = arith.constant 0 : i32
    %dma_wait3A_146 = arith.constant 0 : i32
    %dma_wait3A_147 = arith.constant 0 : i32
    %dma_wait3A_148 = tpu.memref_slice %arg7[%dma_wait3A_145, %dma_wait3A_146, %dma_wait3A_147] : memref<2x128x128xf32, #tpu.memory_space<vmem>> -> memref<1x128x128xf32, #tpu.memory_space<vmem>>
    %dma_wait3A_149 = tpu.memref_squeeze %dma_wait3A_148 : memref<1x128x128xf32, #tpu.memory_space<vmem>> -> memref<128x128xf32, #tpu.memory_space<vmem>>
    %dma_wait3A_150 = arith.constant 0 : i32
    %dma_wait3A_151 = tpu.memref_slice %arg6[%sub3A_107, %dma_wait3A_144, %dma_wait3A_150] : memref<40x2x128xi32, #tpu.memory_space<vmem>> -> memref<1x1x128xi32, #tpu.memory_space<vmem>>
    %dma_wait3A_152 = tpu.memref_squeeze %dma_wait3A_151 : memref<1x1x128xi32, #tpu.memory_space<vmem>> -> memref<128xi32, #tpu.memory_space<vmem>>
    %dma_wait3A_153 = arith.constant 0 : i32
    %dma_wait3A_154 = arith.constant 0 : i32
    %dma_wait3A_155 = tpu.memref_slice %arg3[%dma_wait3A_153, %dma_wait3A_154] : memref<10000x128xf32, #tpu.memory_space<hbm>> -> memref<10000x128xf32, #tpu.memory_space<hbm>>
    tpu.wait_indirect_dma semaphore(%arg9 : memref<!tpu.dma_semaphore, #tpu.memory_space<semaphore_mem>>) src(%dma_wait3A_155 : memref<10000x128xf32, #tpu.memory_space<hbm>>) dst(%dma_wait3A_149 : memref<128x128xf32, #tpu.memory_space<vmem>>)
    %dma_wait3A_156 = arith.constant 0 : i32
    %dma_wait3A_157 = arith.constant 1 : i32
    %dma_wait3A_158 = arith.constant 0 : i32
    %dma_wait3A_159 = arith.constant 0 : i32
    %dma_wait3A_160 = tpu.memref_slice %arg7[%dma_wait3A_157, %dma_wait3A_158, %dma_wait3A_159] : memref<2x128x128xf32, #tpu.memory_space<vmem>> -> memref<1x128x128xf32, #tpu.memory_space<vmem>>
    %dma_wait3A_161 = tpu.memref_squeeze %dma_wait3A_160 : memref<1x128x128xf32, #tpu.memory_space<vmem>> -> memref<128x128xf32, #tpu.memory_space<vmem>>
    %dma_wait3A_162 = arith.constant 0 : i32
    %dma_wait3A_163 = tpu.memref_slice %arg6[%sub3A_107, %dma_wait3A_156, %dma_wait3A_162] : memref<40x2x128xi32, #tpu.memory_space<vmem>> -> memref<1x1x128xi32, #tpu.memory_space<vmem>>
    %dma_wait3A_164 = tpu.memref_squeeze %dma_wait3A_163 : memref<1x1x128xi32, #tpu.memory_space<vmem>> -> memref<128xi32, #tpu.memory_space<vmem>>
    %dma_wait3A_165 = arith.constant 0 : i32
    %dma_wait3A_166 = arith.constant 0 : i32
    %dma_wait3A_167 = tpu.memref_slice %arg3[%dma_wait3A_165, %dma_wait3A_166] : memref<10000x128xf32, #tpu.memory_space<hbm>> -> memref<10000x128xf32, #tpu.memory_space<hbm>>
    tpu.wait_indirect_dma semaphore(%arg10 : memref<!tpu.dma_semaphore, #tpu.memory_space<semaphore_mem>>) src(%dma_wait3A_167 : memref<10000x128xf32, #tpu.memory_space<hbm>>) dst(%dma_wait3A_161 : memref<128x128xf32, #tpu.memory_space<vmem>>)
    %lt3A_168 = arith.constant 4 : i32
    %lt3A_169 = arith.cmpi slt, %add3A, %lt3A_168 : i32
    %convert_element_type3A = arith.extui %lt3A_169 : i1 to i32
    %cond3A = arith.constant 0 : i32
    %cond3A_170 = arith.cmpi ne, %convert_element_type3A, %cond3A : i32
    scf.if %cond3A_170 {
      "tpu.region"() ({
        %run_scoped3A_218 = tpu.sem_alloc : memref<!tpu.dma_semaphore, #tpu.memory_space<semaphore_mem>>
        %dma_start3A_219 = arith.constant 0 : i32
        %dma_start3A_220 = arith.constant 0 : i32
        %dma_start3A_221 = arith.constant 0 : i32
        %dma_start3A_222 = tpu.memref_slice %arg6[%dma_start3A_219, %dma_start3A_220, %dma_start3A_221] : memref<40x2x128xi32, #tpu.memory_space<vmem>> -> memref<4x2x128xi32, #tpu.memory_space<vmem>>
        %dma_start3A_223 = arith.constant 2496 : i32
        %dma_start3A_224 = arith.constant 0 : i32
        %dma_start3A_225 = arith.constant 0 : i32
        %dma_start3A_226 = tpu.memref_slice %arg2[%dma_start3A_223, %dma_start3A_224, %dma_start3A_225] : memref<2500x2x128xi32, #tpu.memory_space<hbm>> -> memref<4x2x128xi32, #tpu.memory_space<hbm>>
        %dma_start3A_227 = arith.constant 0 : i32
        %dma_start3A_228 = arith.constant 0 : i32
        %dma_start3A_229 = arith.constant 0 : i32
        %dma_start3A_230 = tpu.memref_slice %arg6[%dma_start3A_227, %dma_start3A_228, %dma_start3A_229] : memref<40x2x128xi32, #tpu.memory_space<vmem>> -> memref<4x2x128xi32, #tpu.memory_space<vmem>>
        %dma_start3A_231 = arith.constant 2496 : i32
        %dma_start3A_232 = arith.constant 0 : i32
        %dma_start3A_233 = arith.constant 0 : i32
        %dma_start3A_234 = tpu.memref_slice %arg2[%dma_start3A_231, %dma_start3A_232, %dma_start3A_233] : memref<2500x2x128xi32, #tpu.memory_space<hbm>> -> memref<4x2x128xi32, #tpu.memory_space<hbm>>
        tpu.enqueue_dma source(%dma_start3A_234 : memref<4x2x128xi32, #tpu.memory_space<hbm>>) target(%dma_start3A_230 : memref<4x2x128xi32, #tpu.memory_space<vmem>>) target_semaphore(%run_scoped3A_218 : memref<!tpu.dma_semaphore, #tpu.memory_space<semaphore_mem>>)
        %dma_wait3A_235 = arith.constant 0 : i32
        %dma_wait3A_236 = arith.constant 0 : i32
        %dma_wait3A_237 = arith.constant 0 : i32
        %dma_wait3A_238 = tpu.memref_slice %arg6[%dma_wait3A_235, %dma_wait3A_236, %dma_wait3A_237] : memref<40x2x128xi32, #tpu.memory_space<vmem>> -> memref<4x2x128xi32, #tpu.memory_space<vmem>>
        %dma_wait3A_239 = arith.constant 2496 : i32
        %dma_wait3A_240 = arith.constant 0 : i32
        %dma_wait3A_241 = arith.constant 0 : i32
        %dma_wait3A_242 = tpu.memref_slice %arg2[%dma_wait3A_239, %dma_wait3A_240, %dma_wait3A_241] : memref<2500x2x128xi32, #tpu.memory_space<hbm>> -> memref<4x2x128xi32, #tpu.memory_space<hbm>>
        %dma_wait3A_243 = arith.constant 0 : i32
        %dma_wait3A_244 = arith.constant 0 : i32
        %dma_wait3A_245 = arith.constant 0 : i32
        %dma_wait3A_246 = tpu.memref_slice %arg6[%dma_wait3A_243, %dma_wait3A_244, %dma_wait3A_245] : memref<40x2x128xi32, #tpu.memory_space<vmem>> -> memref<4x2x128xi32, #tpu.memory_space<vmem>>
        %dma_wait3A_247 = arith.constant 2496 : i32
        %dma_wait3A_248 = arith.constant 0 : i32
        %dma_wait3A_249 = arith.constant 0 : i32
        %dma_wait3A_250 = tpu.memref_slice %arg2[%dma_wait3A_247, %dma_wait3A_248, %dma_wait3A_249] : memref<2500x2x128xi32, #tpu.memory_space<hbm>> -> memref<4x2x128xi32, #tpu.memory_space<hbm>>
        tpu.wait_dma2 semaphore(%run_scoped3A_218 : memref<!tpu.dma_semaphore, #tpu.memory_space<semaphore_mem>>) src(%dma_wait3A_250 : memref<4x2x128xi32, #tpu.memory_space<hbm>>) dst(%dma_wait3A_246 : memref<4x2x128xi32, #tpu.memory_space<vmem>>)
        tpu.yield
      }) : () -> ()
      %dma_start3A_192 = arith.constant 0 : i32
      %dma_start3A_193 = arith.constant 0 : i32
      %dma_start3A_194 = arith.constant 0 : i32
      %dma_start3A_195 = arith.constant 0 : i32
      %dma_start3A_196 = tpu.memref_slice %arg7[%dma_start3A_193, %dma_start3A_194, %dma_start3A_195] : memref<2x128x128xf32, #tpu.memory_space<vmem>> -> memref<1x128x128xf32, #tpu.memory_space<vmem>>
      %dma_start3A_197 = tpu.memref_squeeze %dma_start3A_196 : memref<1x128x128xf32, #tpu.memory_space<vmem>> -> memref<128x128xf32, #tpu.memory_space<vmem>>
      %dma_start3A_198 = arith.constant 0 : i32
      %dma_start3A_199 = tpu.memref_slice %arg6[%add3A, %dma_start3A_192, %dma_start3A_198] : memref<40x2x128xi32, #tpu.memory_space<vmem>> -> memref<1x1x128xi32, #tpu.memory_space<vmem>>
      %dma_start3A_200 = tpu.memref_squeeze %dma_start3A_199 : memref<1x1x128xi32, #tpu.memory_space<vmem>> -> memref<128xi32, #tpu.memory_space<vmem>>
      %dma_start3A_201 = arith.constant 0 : i32
      %dma_start3A_202 = arith.constant 0 : i32
      %dma_start3A_203 = tpu.memref_slice %arg3[%dma_start3A_201, %dma_start3A_202] : memref<10000x128xf32, #tpu.memory_space<hbm>> -> memref<10000x128xf32, #tpu.memory_space<hbm>>
      tpu.enqueue_indirect_dma source(%dma_start3A_203 : memref<10000x128xf32, #tpu.memory_space<hbm>>) target(%dma_start3A_197 : memref<128x128xf32, #tpu.memory_space<vmem>>) offsets(%dma_start3A_200 : memref<128xi32, #tpu.memory_space<vmem>>) semaphore(%arg9 : memref<!tpu.dma_semaphore, #tpu.memory_space<semaphore_mem>>)
      %dma_wait3A_204 = arith.constant 0 : i32
      %dma_wait3A_205 = arith.constant 0 : i32
      %dma_wait3A_206 = arith.constant 0 : i32
      %dma_wait3A_207 = arith.constant 0 : i32
      %dma_wait3A_208 = tpu.memref_slice %arg7[%dma_wait3A_205, %dma_wait3A_206, %dma_wait3A_207] : memref<2x128x128xf32, #tpu.memory_space<vmem>> -> memref<1x128x128xf32, #tpu.memory_space<vmem>>
      %dma_wait3A_209 = tpu.memref_squeeze %dma_wait3A_208 : memref<1x128x128xf32, #tpu.memory_space<vmem>> -> memref<128x128xf32, #tpu.memory_space<vmem>>
      %dma_wait3A_210 = arith.constant 0 : i32
      %dma_wait3A_211 = tpu.memref_slice %arg6[%add3A, %dma_wait3A_204, %dma_wait3A_210] : memref<40x2x128xi32, #tpu.memory_space<vmem>> -> memref<1x1x128xi32, #tpu.memory_space<vmem>>
      %dma_wait3A_212 = tpu.memref_squeeze %dma_wait3A_211 : memref<1x1x128xi32, #tpu.memory_space<vmem>> -> memref<128xi32, #tpu.memory_space<vmem>>
      %dma_wait3A_213 = arith.constant 0 : i32
      %dma_wait3A_214 = arith.constant 0 : i32
      %dma_wait3A_215 = tpu.memref_slice %arg3[%dma_wait3A_213, %dma_wait3A_214] : memref<10000x128xf32, #tpu.memory_space<hbm>> -> memref<10000x128xf32, #tpu.memory_space<hbm>>
      tpu.wait_indirect_dma semaphore(%arg9 : memref<!tpu.dma_semaphore, #tpu.memory_space<semaphore_mem>>) src(%dma_wait3A_215 : memref<10000x128xf32, #tpu.memory_space<hbm>>) dst(%dma_wait3A_209 : memref<128x128xf32, #tpu.memory_space<vmem>>)
      %run_scoped3A_216 = arith.constant 0 : i32
      %run_scoped3A_217 = arith.constant 1 : i32
      "tpu.region"() ({
        %run_scoped3A_218 = tpu.sem_alloc : memref<!tpu.dma_semaphore, #tpu.memory_space<semaphore_mem>>
        %dma_start3A_219 = arith.constant 0 : i32
        %dma_start3A_220 = arith.constant 0 : i32
        %dma_start3A_221 = tpu.memref_slice %arg7[%run_scoped3A_216, %dma_start3A_219, %dma_start3A_220] : memref<2x128x128xf32, #tpu.memory_space<vmem>> -> memref<1x128x128xf32, #tpu.memory_space<vmem>>
        %dma_start3A_222 = tpu.memref_squeeze %dma_start3A_221 : memref<1x128x128xf32, #tpu.memory_space<vmem>> -> memref<128x128xf32, #tpu.memory_space<vmem>>
        %dma_start3A_223 = arith.constant 0 : i32
        %dma_start3A_224 = tpu.memref_slice %arg6[%add3A, %run_scoped3A_217, %dma_start3A_223] : memref<40x2x128xi32, #tpu.memory_space<vmem>> -> memref<1x1x128xi32, #tpu.memory_space<vmem>>
        %dma_start3A_225 = tpu.memref_squeeze %dma_start3A_224 : memref<1x1x128xi32, #tpu.memory_space<vmem>> -> memref<128xi32, #tpu.memory_space<vmem>>
        %dma_start3A_226 = arith.constant 0 : i32
        %dma_start3A_227 = arith.constant 0 : i32
        %dma_start3A_228 = tpu.memref_slice %arg8[%dma_start3A_226, %dma_start3A_227] : memref<10240x128xf32, #tpu.memory_space<vmem_shared>> -> memref<10240x128xf32, #tpu.memory_space<vmem_shared>>
        tpu.enqueue_indirect_dma source(%dma_start3A_222 : memref<128x128xf32, #tpu.memory_space<vmem>>) target(%dma_start3A_228 : memref<10240x128xf32, #tpu.memory_space<vmem_shared>>) offsets(%dma_start3A_225 : memref<128xi32, #tpu.memory_space<vmem>>) semaphore(%run_scoped3A_218 : memref<!tpu.dma_semaphore, #tpu.memory_space<semaphore_mem>>) {add = true}
        %dma_wait3A_229 = arith.constant 0 : i32
        %dma_wait3A_230 = arith.constant 0 : i32
        %dma_wait3A_231 = tpu.memref_slice %arg7[%run_scoped3A_216, %dma_wait3A_229, %dma_wait3A_230] : memref<2x128x128xf32, #tpu.memory_space<vmem>> -> memref<1x128x128xf32, #tpu.memory_space<vmem>>
        %dma_wait3A_232 = tpu.memref_squeeze %dma_wait3A_231 : memref<1x128x128xf32, #tpu.memory_space<vmem>> -> memref<128x128xf32, #tpu.memory_space<vmem>>
        %dma_wait3A_233 = arith.constant 0 : i32
        %dma_wait3A_234 = tpu.memref_slice %arg6[%add3A, %run_scoped3A_217, %dma_wait3A_233] : memref<40x2x128xi32, #tpu.memory_space<vmem>> -> memref<1x1x128xi32, #tpu.memory_space<vmem>>
        %dma_wait3A_235 = tpu.memref_squeeze %dma_wait3A_234 : memref<1x1x128xi32, #tpu.memory_space<vmem>> -> memref<128xi32, #tpu.memory_space<vmem>>
        %dma_wait3A_236 = arith.constant 0 : i32
        %dma_wait3A_237 = arith.constant 0 : i32
        %dma_wait3A_238 = tpu.memref_slice %arg8[%dma_wait3A_236, %dma_wait3A_237] : memref<10240x128xf32, #tpu.memory_space<vmem_shared>> -> memref<10240x128xf32, #tpu.memory_space<vmem_shared>>
        tpu.wait_indirect_dma semaphore(%run_scoped3A_218 : memref<!tpu.dma_semaphore, #tpu.memory_space<semaphore_mem>>) src(%dma_wait3A_232 : memref<128x128xf32, #tpu.memory_space<vmem>>) dst(%dma_wait3A_238 : memref<10240x128xf32, #tpu.memory_space<vmem_shared>>)
        tpu.yield
      }) : () -> ()
    } else {
    }
    %barrier3A_171 = arith.constant 0 : index
    tpu.barrier barrier_id(%barrier3A_171)
    %add3A_172 = arith.constant 0 : i32
    %add3A_173 = arith.addi %mul3A_2, %add3A_172 : i32
    %run_scoped3A_174 = arith.constant 0 : i32
    "tpu.region"() ({
      %run_scoped3A_192 = tpu.sem_alloc : memref<!tpu.dma_semaphore, #tpu.memory_space<semaphore_mem>>
      %dma_start3A_193 = arith.constant 0 : i32
      %dma_start3A_194 = arith.constant 0 : i32
      %dma_start3A_195 = tpu.memref_slice %arg7[%run_scoped3A_174, %dma_start3A_193, %dma_start3A_194] : memref<2x128x128xf32, #tpu.memory_space<vmem>> -> memref<1x128x128xf32, #tpu.memory_space<vmem>>
      %dma_start3A_196 = tpu.memref_squeeze %dma_start3A_195 : memref<1x128x128xf32, #tpu.memory_space<vmem>> -> memref<128x128xf32, #tpu.memory_space<vmem>>
      %dma_start3A_197 = arith.constant 0 : i32
      %dma_start3A_198 = tpu.memref_slice %arg8[%add3A_173, %dma_start3A_197] : memref<10240x128xf32, #tpu.memory_space<vmem_shared>> -> memref<128x128xf32, #tpu.memory_space<vmem_shared>>
      %dma_start3A_199 = arith.constant 0 : i32
      %dma_start3A_200 = arith.constant 0 : i32
      %dma_start3A_201 = tpu.memref_slice %arg7[%run_scoped3A_174, %dma_start3A_199, %dma_start3A_200] : memref<2x128x128xf32, #tpu.memory_space<vmem>> -> memref<1x128x128xf32, #tpu.memory_space<vmem>>
      %dma_start3A_202 = tpu.memref_squeeze %dma_start3A_201 : memref<1x128x128xf32, #tpu.memory_space<vmem>> -> memref<128x128xf32, #tpu.memory_space<vmem>>
      %dma_start3A_203 = arith.constant 0 : i32
      %dma_start3A_204 = tpu.memref_slice %arg8[%add3A_173, %dma_start3A_203] : memref<10240x128xf32, #tpu.memory_space<vmem_shared>> -> memref<128x128xf32, #tpu.memory_space<vmem_shared>>
      tpu.enqueue_dma source(%dma_start3A_204 : memref<128x128xf32, #tpu.memory_space<vmem_shared>>) target(%dma_start3A_202 : memref<128x128xf32, #tpu.memory_space<vmem>>) target_semaphore(%run_scoped3A_192 : memref<!tpu.dma_semaphore, #tpu.memory_space<semaphore_mem>>)
      %dma_wait3A_205 = arith.constant 0 : i32
      %dma_wait3A_206 = arith.constant 0 : i32
      %dma_wait3A_207 = tpu.memref_slice %arg7[%run_scoped3A_174, %dma_wait3A_205, %dma_wait3A_206] : memref<2x128x128xf32, #tpu.memory_space<vmem>> -> memref<1x128x128xf32, #tpu.memory_space<vmem>>
      %dma_wait3A_208 = tpu.memref_squeeze %dma_wait3A_207 : memref<1x128x128xf32, #tpu.memory_space<vmem>> -> memref<128x128xf32, #tpu.memory_space<vmem>>
      %dma_wait3A_209 = arith.constant 0 : i32
      %dma_wait3A_210 = tpu.memref_slice %arg8[%add3A_173, %dma_wait3A_209] : memref<10240x128xf32, #tpu.memory_space<vmem_shared>> -> memref<128x128xf32, #tpu.memory_space<vmem_shared>>
      %dma_wait3A_211 = arith.constant 0 : i32
      %dma_wait3A_212 = arith.constant 0 : i32
      %dma_wait3A_213 = tpu.memref_slice %arg7[%run_scoped3A_174, %dma_wait3A_211, %dma_wait3A_212] : memref<2x128x128xf32, #tpu.memory_space<vmem>> -> memref<1x128x128xf32, #tpu.memory_space<vmem>>
      %dma_wait3A_214 = tpu.memref_squeeze %dma_wait3A_213 : memref<1x128x128xf32, #tpu.memory_space<vmem>> -> memref<128x128xf32, #tpu.memory_space<vmem>>
      %dma_wait3A_215 = arith.constant 0 : i32
      %dma_wait3A_216 = tpu.memref_slice %arg8[%add3A_173, %dma_wait3A_215] : memref<10240x128xf32, #tpu.memory_space<vmem_shared>> -> memref<128x128xf32, #tpu.memory_space<vmem_shared>>
      tpu.wait_dma2 semaphore(%run_scoped3A_192 : memref<!tpu.dma_semaphore, #tpu.memory_space<semaphore_mem>>) src(%dma_wait3A_216 : memref<128x128xf32, #tpu.memory_space<vmem_shared>>) dst(%dma_wait3A_214 : memref<128x128xf32, #tpu.memory_space<vmem>>)
      tpu.yield
    }) : () -> ()
    %run_scoped3A_175 = arith.constant 0 : i32
    "tpu.region"() ({
      %run_scoped3A_192 = tpu.sem_alloc : memref<!tpu.dma_semaphore, #tpu.memory_space<semaphore_mem>>
      %dma_start3A_193 = arith.constant 0 : i32
      %dma_start3A_194 = arith.constant 0 : i32
      %dma_start3A_195 = tpu.memref_slice %arg7[%run_scoped3A_175, %dma_start3A_193, %dma_start3A_194] : memref<2x128x128xf32, #tpu.memory_space<vmem>> -> memref<1x128x128xf32, #tpu.memory_space<vmem>>
      %dma_start3A_196 = tpu.memref_squeeze %dma_start3A_195 : memref<1x128x128xf32, #tpu.memory_space<vmem>> -> memref<128x128xf32, #tpu.memory_space<vmem>>
      %dma_start3A_197 = arith.constant 0 : i32
      %dma_start3A_198 = tpu.memref_slice %arg5[%arg0, %add3A_173, %dma_start3A_197] : memref<2x10240x128xf32, #tpu.memory_space<hbm>> -> memref<1x128x128xf32, #tpu.memory_space<hbm>>
      %dma_start3A_199 = tpu.memref_squeeze %dma_start3A_198 : memref<1x128x128xf32, #tpu.memory_space<hbm>> -> memref<128x128xf32, #tpu.memory_space<hbm>>
      %dma_start3A_200 = arith.constant 0 : i32
      %dma_start3A_201 = tpu.memref_slice %arg5[%arg0, %add3A_173, %dma_start3A_200] : memref<2x10240x128xf32, #tpu.memory_space<hbm>> -> memref<1x128x128xf32, #tpu.memory_space<hbm>>
      %dma_start3A_202 = tpu.memref_squeeze %dma_start3A_201 : memref<1x128x128xf32, #tpu.memory_space<hbm>> -> memref<128x128xf32, #tpu.memory_space<hbm>>
      %dma_start3A_203 = arith.constant 0 : i32
      %dma_start3A_204 = arith.constant 0 : i32
      %dma_start3A_205 = tpu.memref_slice %arg7[%run_scoped3A_175, %dma_start3A_203, %dma_start3A_204] : memref<2x128x128xf32, #tpu.memory_space<vmem>> -> memref<1x128x128xf32, #tpu.memory_space<vmem>>
      %dma_start3A_206 = tpu.memref_squeeze %dma_start3A_205 : memref<1x128x128xf32, #tpu.memory_space<vmem>> -> memref<128x128xf32, #tpu.memory_space<vmem>>
      tpu.enqueue_dma source(%dma_start3A_206 : memref<128x128xf32, #tpu.memory_space<vmem>>) target(%dma_start3A_202 : memref<128x128xf32, #tpu.memory_space<hbm>>) target_semaphore(%run_scoped3A_192 : memref<!tpu.dma_semaphore, #tpu.memory_space<semaphore_mem>>)
      %dma_wait3A_207 = arith.constant 0 : i32
      %dma_wait3A_208 = arith.constant 0 : i32
      %dma_wait3A_209 = tpu.memref_slice %arg7[%run_scoped3A_175, %dma_wait3A_207, %dma_wait3A_208] : memref<2x128x128xf32, #tpu.memory_space<vmem>> -> memref<1x128x128xf32, #tpu.memory_space<vmem>>
      %dma_wait3A_210 = tpu.memref_squeeze %dma_wait3A_209 : memref<1x128x128xf32, #tpu.memory_space<vmem>> -> memref<128x128xf32, #tpu.memory_space<vmem>>
      %dma_wait3A_211 = arith.constant 0 : i32
      %dma_wait3A_212 = tpu.memref_slice %arg5[%arg0, %add3A_173, %dma_wait3A_211] : memref<2x10240x128xf32, #tpu.memory_space<hbm>> -> memref<1x128x128xf32, #tpu.memory_space<hbm>>
      %dma_wait3A_213 = tpu.memref_squeeze %dma_wait3A_212 : memref<1x128x128xf32, #tpu.memory_space<hbm>> -> memref<128x128xf32, #tpu.memory_space<hbm>>
      %dma_wait3A_214 = arith.constant 0 : i32
      %dma_wait3A_215 = tpu.memref_slice %arg5[%arg0, %add3A_173, %dma_wait3A_214] : memref<2x10240x128xf32, #tpu.memory_space<hbm>> -> memref<1x128x128xf32, #tpu.memory_space<hbm>>
      %dma_wait3A_216 = tpu.memref_squeeze %dma_wait3A_215 : memref<1x128x128xf32, #tpu.memory_space<hbm>> -> memref<128x128xf32, #tpu.memory_space<hbm>>
      %dma_wait3A_217 = arith.constant 0 : i32
      %dma_wait3A_218 = arith.constant 0 : i32
      %dma_wait3A_219 = tpu.memref_slice %arg7[%run_scoped3A_175, %dma_wait3A_217, %dma_wait3A_218] : memref<2x128x128xf32, #tpu.memory_space<vmem>> -> memref<1x128x128xf32, #tpu.memory_space<vmem>>
      %dma_wait3A_220 = tpu.memref_squeeze %dma_wait3A_219 : memref<1x128x128xf32, #tpu.memory_space<vmem>> -> memref<128x128xf32, #tpu.memory_space<vmem>>
      tpu.wait_dma2 semaphore(%run_scoped3A_192 : memref<!tpu.dma_semaphore, #tpu.memory_space<semaphore_mem>>) src(%dma_wait3A_220 : memref<128x128xf32, #tpu.memory_space<vmem>>) dst(%dma_wait3A_216 : memref<128x128xf32, #tpu.memory_space<hbm>>)
      tpu.yield
    }) : () -> ()
    %add3A_176 = arith.constant 128 : i32
    %add3A_177 = arith.addi %mul3A_2, %add3A_176 : i32
    %run_scoped3A_178 = arith.constant 0 : i32
    "tpu.region"() ({
      %run_scoped3A_192 = tpu.sem_alloc : memref<!tpu.dma_semaphore, #tpu.memory_space<semaphore_mem>>
      %dma_start3A_193 = arith.constant 0 : i32
      %dma_start3A_194 = arith.constant 0 : i32
      %dma_start3A_195 = tpu.memref_slice %arg7[%run_scoped3A_178, %dma_start3A_193, %dma_start3A_194] : memref<2x128x128xf32, #tpu.memory_space<vmem>> -> memref<1x128x128xf32, #tpu.memory_space<vmem>>
      %dma_start3A_196 = tpu.memref_squeeze %dma_start3A_195 : memref<1x128x128xf32, #tpu.memory_space<vmem>> -> memref<128x128xf32, #tpu.memory_space<vmem>>
      %dma_start3A_197 = arith.constant 0 : i32
      %dma_start3A_198 = tpu.memref_slice %arg8[%add3A_177, %dma_start3A_197] : memref<10240x128xf32, #tpu.memory_space<vmem_shared>> -> memref<128x128xf32, #tpu.memory_space<vmem_shared>>
      %dma_start3A_199 = arith.constant 0 : i32
      %dma_start3A_200 = arith.constant 0 : i32
      %dma_start3A_201 = tpu.memref_slice %arg7[%run_scoped3A_178, %dma_start3A_199, %dma_start3A_200] : memref<2x128x128xf32, #tpu.memory_space<vmem>> -> memref<1x128x128xf32, #tpu.memory_space<vmem>>
      %dma_start3A_202 = tpu.memref_squeeze %dma_start3A_201 : memref<1x128x128xf32, #tpu.memory_space<vmem>> -> memref<128x128xf32, #tpu.memory_space<vmem>>
      %dma_start3A_203 = arith.constant 0 : i32
      %dma_start3A_204 = tpu.memref_slice %arg8[%add3A_177, %dma_start3A_203] : memref<10240x128xf32, #tpu.memory_space<vmem_shared>> -> memref<128x128xf32, #tpu.memory_space<vmem_shared>>
      tpu.enqueue_dma source(%dma_start3A_204 : memref<128x128xf32, #tpu.memory_space<vmem_shared>>) target(%dma_start3A_202 : memref<128x128xf32, #tpu.memory_space<vmem>>) target_semaphore(%run_scoped3A_192 : memref<!tpu.dma_semaphore, #tpu.memory_space<semaphore_mem>>)
      %dma_wait3A_205 = arith.constant 0 : i32
      %dma_wait3A_206 = arith.constant 0 : i32
      %dma_wait3A_207 = tpu.memref_slice %arg7[%run_scoped3A_178, %dma_wait3A_205, %dma_wait3A_206] : memref<2x128x128xf32, #tpu.memory_space<vmem>> -> memref<1x128x128xf32, #tpu.memory_space<vmem>>
      %dma_wait3A_208 = tpu.memref_squeeze %dma_wait3A_207 : memref<1x128x128xf32, #tpu.memory_space<vmem>> -> memref<128x128xf32, #tpu.memory_space<vmem>>
      %dma_wait3A_209 = arith.constant 0 : i32
      %dma_wait3A_210 = tpu.memref_slice %arg8[%add3A_177, %dma_wait3A_209] : memref<10240x128xf32, #tpu.memory_space<vmem_shared>> -> memref<128x128xf32, #tpu.memory_space<vmem_shared>>
      %dma_wait3A_211 = arith.constant 0 : i32
      %dma_wait3A_212 = arith.constant 0 : i32
      %dma_wait3A_213 = tpu.memref_slice %arg7[%run_scoped3A_178, %dma_wait3A_211, %dma_wait3A_212] : memref<2x128x128xf32, #tpu.memory_space<vmem>> -> memref<1x128x128xf32, #tpu.memory_space<vmem>>
      %dma_wait3A_214 = tpu.memref_squeeze %dma_wait3A_213 : memref<1x128x128xf32, #tpu.memory_space<vmem>> -> memref<128x128xf32, #tpu.memory_space<vmem>>
      %dma_wait3A_215 = arith.constant 0 : i32
      %dma_wait3A_216 = tpu.memref_slice %arg8[%add3A_177, %dma_wait3A_215] : memref<10240x128xf32, #tpu.memory_space<vmem_shared>> -> memref<128x128xf32, #tpu.memory_space<vmem_shared>>
      tpu.wait_dma2 semaphore(%run_scoped3A_192 : memref<!tpu.dma_semaphore, #tpu.memory_space<semaphore_mem>>) src(%dma_wait3A_216 : memref<128x128xf32, #tpu.memory_space<vmem_shared>>) dst(%dma_wait3A_214 : memref<128x128xf32, #tpu.memory_space<vmem>>)
      tpu.yield
    }) : () -> ()
    %run_scoped3A_179 = arith.constant 0 : i32
    "tpu.region"() ({
      %run_scoped3A_192 = tpu.sem_alloc : memref<!tpu.dma_semaphore, #tpu.memory_space<semaphore_mem>>
      %dma_start3A_193 = arith.constant 0 : i32
      %dma_start3A_194 = arith.constant 0 : i32
      %dma_start3A_195 = tpu.memref_slice %arg7[%run_scoped3A_179, %dma_start3A_193, %dma_start3A_194] : memref<2x128x128xf32, #tpu.memory_space<vmem>> -> memref<1x128x128xf32, #tpu.memory_space<vmem>>
      %dma_start3A_196 = tpu.memref_squeeze %dma_start3A_195 : memref<1x128x128xf32, #tpu.memory_space<vmem>> -> memref<128x128xf32, #tpu.memory_space<vmem>>
      %dma_start3A_197 = arith.constant 0 : i32
      %dma_start3A_198 = tpu.memref_slice %arg5[%arg0, %add3A_177, %dma_start3A_197] : memref<2x10240x128xf32, #tpu.memory_space<hbm>> -> memref<1x128x128xf32, #tpu.memory_space<hbm>>
      %dma_start3A_199 = tpu.memref_squeeze %dma_start3A_198 : memref<1x128x128xf32, #tpu.memory_space<hbm>> -> memref<128x128xf32, #tpu.memory_space<hbm>>
      %dma_start3A_200 = arith.constant 0 : i32
      %dma_start3A_201 = tpu.memref_slice %arg5[%arg0, %add3A_177, %dma_start3A_200] : memref<2x10240x128xf32, #tpu.memory_space<hbm>> -> memref<1x128x128xf32, #tpu.memory_space<hbm>>
      %dma_start3A_202 = tpu.memref_squeeze %dma_start3A_201 : memref<1x128x128xf32, #tpu.memory_space<hbm>> -> memref<128x128xf32, #tpu.memory_space<hbm>>
      %dma_start3A_203 = arith.constant 0 : i32
      %dma_start3A_204 = arith.constant 0 : i32
      %dma_start3A_205 = tpu.memref_slice %arg7[%run_scoped3A_179, %dma_start3A_203, %dma_start3A_204] : memref<2x128x128xf32, #tpu.memory_space<vmem>> -> memref<1x128x128xf32, #tpu.memory_space<vmem>>
      %dma_start3A_206 = tpu.memref_squeeze %dma_start3A_205 : memref<1x128x128xf32, #tpu.memory_space<vmem>> -> memref<128x128xf32, #tpu.memory_space<vmem>>
      tpu.enqueue_dma source(%dma_start3A_206 : memref<128x128xf32, #tpu.memory_space<vmem>>) target(%dma_start3A_202 : memref<128x128xf32, #tpu.memory_space<hbm>>) target_semaphore(%run_scoped3A_192 : memref<!tpu.dma_semaphore, #tpu.memory_space<semaphore_mem>>)
      %dma_wait3A_207 = arith.constant 0 : i32
      %dma_wait3A_208 = arith.constant 0 : i32
      %dma_wait3A_209 = tpu.memref_slice %arg7[%run_scoped3A_179, %dma_wait3A_207, %dma_wait3A_208] : memref<2x128x128xf32, #tpu.memory_space<vmem>> -> memref<1x128x128xf32, #tpu.memory_space<vmem>>
      %dma_wait3A_210 = tpu.memref_squeeze %dma_wait3A_209 : memref<1x128x128xf32, #tpu.memory_space<vmem>> -> memref<128x128xf32, #tpu.memory_space<vmem>>
      %dma_wait3A_211 = arith.constant 0 : i32
      %dma_wait3A_212 = tpu.memref_slice %arg5[%arg0, %add3A_177, %dma_wait3A_211] : memref<2x10240x128xf32, #tpu.memory_space<hbm>> -> memref<1x128x128xf32, #tpu.memory_space<hbm>>
      %dma_wait3A_213 = tpu.memref_squeeze %dma_wait3A_212 : memref<1x128x128xf32, #tpu.memory_space<hbm>> -> memref<128x128xf32, #tpu.memory_space<hbm>>
      %dma_wait3A_214 = arith.constant 0 : i32
      %dma_wait3A_215 = tpu.memref_slice %arg5[%arg0, %add3A_177, %dma_wait3A_214] : memref<2x10240x128xf32, #tpu.memory_space<hbm>> -> memref<1x128x128xf32, #tpu.memory_space<hbm>>
      %dma_wait3A_216 = tpu.memref_squeeze %dma_wait3A_215 : memref<1x128x128xf32, #tpu.memory_space<hbm>> -> memref<128x128xf32, #tpu.memory_space<hbm>>
      %dma_wait3A_217 = arith.constant 0 : i32
      %dma_wait3A_218 = arith.constant 0 : i32
      %dma_wait3A_219 = tpu.memref_slice %arg7[%run_scoped3A_179, %dma_wait3A_217, %dma_wait3A_218] : memref<2x128x128xf32, #tpu.memory_space<vmem>> -> memref<1x128x128xf32, #tpu.memory_space<vmem>>
      %dma_wait3A_220 = tpu.memref_squeeze %dma_wait3A_219 : memref<1x128x128xf32, #tpu.memory_space<vmem>> -> memref<128x128xf32, #tpu.memory_space<vmem>>
      tpu.wait_dma2 semaphore(%run_scoped3A_192 : memref<!tpu.dma_semaphore, #tpu.memory_space<semaphore_mem>>) src(%dma_wait3A_220 : memref<128x128xf32, #tpu.memory_space<vmem>>) dst(%dma_wait3A_216 : memref<128x128xf32, #tpu.memory_space<hbm>>)
      tpu.yield
    }) : () -> ()
    %add3A_180 = arith.constant 256 : i32
    %add3A_181 = arith.addi %mul3A_2, %add3A_180 : i32
    %run_scoped3A_182 = arith.constant 0 : i32
    "tpu.region"() ({
      %run_scoped3A_192 = tpu.sem_alloc : memref<!tpu.dma_semaphore, #tpu.memory_space<semaphore_mem>>
      %dma_start3A_193 = arith.constant 0 : i32
      %dma_start3A_194 = arith.constant 0 : i32
      %dma_start3A_195 = tpu.memref_slice %arg7[%run_scoped3A_182, %dma_start3A_193, %dma_start3A_194] : memref<2x128x128xf32, #tpu.memory_space<vmem>> -> memref<1x128x128xf32, #tpu.memory_space<vmem>>
      %dma_start3A_196 = tpu.memref_squeeze %dma_start3A_195 : memref<1x128x128xf32, #tpu.memory_space<vmem>> -> memref<128x128xf32, #tpu.memory_space<vmem>>
      %dma_start3A_197 = arith.constant 0 : i32
      %dma_start3A_198 = tpu.memref_slice %arg8[%add3A_181, %dma_start3A_197] : memref<10240x128xf32, #tpu.memory_space<vmem_shared>> -> memref<128x128xf32, #tpu.memory_space<vmem_shared>>
      %dma_start3A_199 = arith.constant 0 : i32
      %dma_start3A_200 = arith.constant 0 : i32
      %dma_start3A_201 = tpu.memref_slice %arg7[%run_scoped3A_182, %dma_start3A_199, %dma_start3A_200] : memref<2x128x128xf32, #tpu.memory_space<vmem>> -> memref<1x128x128xf32, #tpu.memory_space<vmem>>
      %dma_start3A_202 = tpu.memref_squeeze %dma_start3A_201 : memref<1x128x128xf32, #tpu.memory_space<vmem>> -> memref<128x128xf32, #tpu.memory_space<vmem>>
      %dma_start3A_203 = arith.constant 0 : i32
      %dma_start3A_204 = tpu.memref_slice %arg8[%add3A_181, %dma_start3A_203] : memref<10240x128xf32, #tpu.memory_space<vmem_shared>> -> memref<128x128xf32, #tpu.memory_space<vmem_shared>>
      tpu.enqueue_dma source(%dma_start3A_204 : memref<128x128xf32, #tpu.memory_space<vmem_shared>>) target(%dma_start3A_202 : memref<128x128xf32, #tpu.memory_space<vmem>>) target_semaphore(%run_scoped3A_192 : memref<!tpu.dma_semaphore, #tpu.memory_space<semaphore_mem>>)
      %dma_wait3A_205 = arith.constant 0 : i32
      %dma_wait3A_206 = arith.constant 0 : i32
      %dma_wait3A_207 = tpu.memref_slice %arg7[%run_scoped3A_182, %dma_wait3A_205, %dma_wait3A_206] : memref<2x128x128xf32, #tpu.memory_space<vmem>> -> memref<1x128x128xf32, #tpu.memory_space<vmem>>
      %dma_wait3A_208 = tpu.memref_squeeze %dma_wait3A_207 : memref<1x128x128xf32, #tpu.memory_space<vmem>> -> memref<128x128xf32, #tpu.memory_space<vmem>>
      %dma_wait3A_209 = arith.constant 0 : i32
      %dma_wait3A_210 = tpu.memref_slice %arg8[%add3A_181, %dma_wait3A_209] : memref<10240x128xf32, #tpu.memory_space<vmem_shared>> -> memref<128x128xf32, #tpu.memory_space<vmem_shared>>
      %dma_wait3A_211 = arith.constant 0 : i32
      %dma_wait3A_212 = arith.constant 0 : i32
      %dma_wait3A_213 = tpu.memref_slice %arg7[%run_scoped3A_182, %dma_wait3A_211, %dma_wait3A_212] : memref<2x128x128xf32, #tpu.memory_space<vmem>> -> memref<1x128x128xf32, #tpu.memory_space<vmem>>
      %dma_wait3A_214 = tpu.memref_squeeze %dma_wait3A_213 : memref<1x128x128xf32, #tpu.memory_space<vmem>> -> memref<128x128xf32, #tpu.memory_space<vmem>>
      %dma_wait3A_215 = arith.constant 0 : i32
      %dma_wait3A_216 = tpu.memref_slice %arg8[%add3A_181, %dma_wait3A_215] : memref<10240x128xf32, #tpu.memory_space<vmem_shared>> -> memref<128x128xf32, #tpu.memory_space<vmem_shared>>
      tpu.wait_dma2 semaphore(%run_scoped3A_192 : memref<!tpu.dma_semaphore, #tpu.memory_space<semaphore_mem>>) src(%dma_wait3A_216 : memref<128x128xf32, #tpu.memory_space<vmem_shared>>) dst(%dma_wait3A_214 : memref<128x128xf32, #tpu.memory_space<vmem>>)
      tpu.yield
    }) : () -> ()
    %run_scoped3A_183 = arith.constant 0 : i32
    "tpu.region"() ({
      %run_scoped3A_192 = tpu.sem_alloc : memref<!tpu.dma_semaphore, #tpu.memory_space<semaphore_mem>>
      %dma_start3A_193 = arith.constant 0 : i32
      %dma_start3A_194 = arith.constant 0 : i32
      %dma_start3A_195 = tpu.memref_slice %arg7[%run_scoped3A_183, %dma_start3A_193, %dma_start3A_194] : memref<2x128x128xf32, #tpu.memory_space<vmem>> -> memref<1x128x128xf32, #tpu.memory_space<vmem>>
      %dma_start3A_196 = tpu.memref_squeeze %dma_start3A_195 : memref<1x128x128xf32, #tpu.memory_space<vmem>> -> memref<128x128xf32, #tpu.memory_space<vmem>>
      %dma_start3A_197 = arith.constant 0 : i32
      %dma_start3A_198 = tpu.memref_slice %arg5[%arg0, %add3A_181, %dma_start3A_197] : memref<2x10240x128xf32, #tpu.memory_space<hbm>> -> memref<1x128x128xf32, #tpu.memory_space<hbm>>
      %dma_start3A_199 = tpu.memref_squeeze %dma_start3A_198 : memref<1x128x128xf32, #tpu.memory_space<hbm>> -> memref<128x128xf32, #tpu.memory_space<hbm>>
      %dma_start3A_200 = arith.constant 0 : i32
      %dma_start3A_201 = tpu.memref_slice %arg5[%arg0, %add3A_181, %dma_start3A_200] : memref<2x10240x128xf32, #tpu.memory_space<hbm>> -> memref<1x128x128xf32, #tpu.memory_space<hbm>>
      %dma_start3A_202 = tpu.memref_squeeze %dma_start3A_201 : memref<1x128x128xf32, #tpu.memory_space<hbm>> -> memref<128x128xf32, #tpu.memory_space<hbm>>
      %dma_start3A_203 = arith.constant 0 : i32
      %dma_start3A_204 = arith.constant 0 : i32
      %dma_start3A_205 = tpu.memref_slice %arg7[%run_scoped3A_183, %dma_start3A_203, %dma_start3A_204] : memref<2x128x128xf32, #tpu.memory_space<vmem>> -> memref<1x128x128xf32, #tpu.memory_space<vmem>>
      %dma_start3A_206 = tpu.memref_squeeze %dma_start3A_205 : memref<1x128x128xf32, #tpu.memory_space<vmem>> -> memref<128x128xf32, #tpu.memory_space<vmem>>
      tpu.enqueue_dma source(%dma_start3A_206 : memref<128x128xf32, #tpu.memory_space<vmem>>) target(%dma_start3A_202 : memref<128x128xf32, #tpu.memory_space<hbm>>) target_semaphore(%run_scoped3A_192 : memref<!tpu.dma_semaphore, #tpu.memory_space<semaphore_mem>>)
      %dma_wait3A_207 = arith.constant 0 : i32
      %dma_wait3A_208 = arith.constant 0 : i32
      %dma_wait3A_209 = tpu.memref_slice %arg7[%run_scoped3A_183, %dma_wait3A_207, %dma_wait3A_208] : memref<2x128x128xf32, #tpu.memory_space<vmem>> -> memref<1x128x128xf32, #tpu.memory_space<vmem>>
      %dma_wait3A_210 = tpu.memref_squeeze %dma_wait3A_209 : memref<1x128x128xf32, #tpu.memory_space<vmem>> -> memref<128x128xf32, #tpu.memory_space<vmem>>
      %dma_wait3A_211 = arith.constant 0 : i32
      %dma_wait3A_212 = tpu.memref_slice %arg5[%arg0, %add3A_181, %dma_wait3A_211] : memref<2x10240x128xf32, #tpu.memory_space<hbm>> -> memref<1x128x128xf32, #tpu.memory_space<hbm>>
      %dma_wait3A_213 = tpu.memref_squeeze %dma_wait3A_212 : memref<1x128x128xf32, #tpu.memory_space<hbm>> -> memref<128x128xf32, #tpu.memory_space<hbm>>
      %dma_wait3A_214 = arith.constant 0 : i32
      %dma_wait3A_215 = tpu.memref_slice %arg5[%arg0, %add3A_181, %dma_wait3A_214] : memref<2x10240x128xf32, #tpu.memory_space<hbm>> -> memref<1x128x128xf32, #tpu.memory_space<hbm>>
      %dma_wait3A_216 = tpu.memref_squeeze %dma_wait3A_215 : memref<1x128x128xf32, #tpu.memory_space<hbm>> -> memref<128x128xf32, #tpu.memory_space<hbm>>
      %dma_wait3A_217 = arith.constant 0 : i32
      %dma_wait3A_218 = arith.constant 0 : i32
      %dma_wait3A_219 = tpu.memref_slice %arg7[%run_scoped3A_183, %dma_wait3A_217, %dma_wait3A_218] : memref<2x128x128xf32, #tpu.memory_space<vmem>> -> memref<1x128x128xf32, #tpu.memory_space<vmem>>
      %dma_wait3A_220 = tpu.memref_squeeze %dma_wait3A_219 : memref<1x128x128xf32, #tpu.memory_space<vmem>> -> memref<128x128xf32, #tpu.memory_space<vmem>>
      tpu.wait_dma2 semaphore(%run_scoped3A_192 : memref<!tpu.dma_semaphore, #tpu.memory_space<semaphore_mem>>) src(%dma_wait3A_220 : memref<128x128xf32, #tpu.memory_space<vmem>>) dst(%dma_wait3A_216 : memref<128x128xf32, #tpu.memory_space<hbm>>)
      tpu.yield
    }) : () -> ()
    %add3A_184 = arith.constant 384 : i32
    %add3A_185 = arith.addi %mul3A_2, %add3A_184 : i32
    %run_scoped3A_186 = arith.constant 0 : i32
    "tpu.region"() ({
      %run_scoped3A_192 = tpu.sem_alloc : memref<!tpu.dma_semaphore, #tpu.memory_space<semaphore_mem>>
      %dma_start3A_193 = arith.constant 0 : i32
      %dma_start3A_194 = arith.constant 0 : i32
      %dma_start3A_195 = tpu.memref_slice %arg7[%run_scoped3A_186, %dma_start3A_193, %dma_start3A_194] : memref<2x128x128xf32, #tpu.memory_space<vmem>> -> memref<1x128x128xf32, #tpu.memory_space<vmem>>
      %dma_start3A_196 = tpu.memref_squeeze %dma_start3A_195 : memref<1x128x128xf32, #tpu.memory_space<vmem>> -> memref<128x128xf32, #tpu.memory_space<vmem>>
      %dma_start3A_197 = arith.constant 0 : i32
      %dma_start3A_198 = tpu.memref_slice %arg8[%add3A_185, %dma_start3A_197] : memref<10240x128xf32, #tpu.memory_space<vmem_shared>> -> memref<128x128xf32, #tpu.memory_space<vmem_shared>>
      %dma_start3A_199 = arith.constant 0 : i32
      %dma_start3A_200 = arith.constant 0 : i32
      %dma_start3A_201 = tpu.memref_slice %arg7[%run_scoped3A_186, %dma_start3A_199, %dma_start3A_200] : memref<2x128x128xf32, #tpu.memory_space<vmem>> -> memref<1x128x128xf32, #tpu.memory_space<vmem>>
      %dma_start3A_202 = tpu.memref_squeeze %dma_start3A_201 : memref<1x128x128xf32, #tpu.memory_space<vmem>> -> memref<128x128xf32, #tpu.memory_space<vmem>>
      %dma_start3A_203 = arith.constant 0 : i32
      %dma_start3A_204 = tpu.memref_slice %arg8[%add3A_185, %dma_start3A_203] : memref<10240x128xf32, #tpu.memory_space<vmem_shared>> -> memref<128x128xf32, #tpu.memory_space<vmem_shared>>
      tpu.enqueue_dma source(%dma_start3A_204 : memref<128x128xf32, #tpu.memory_space<vmem_shared>>) target(%dma_start3A_202 : memref<128x128xf32, #tpu.memory_space<vmem>>) target_semaphore(%run_scoped3A_192 : memref<!tpu.dma_semaphore, #tpu.memory_space<semaphore_mem>>)
      %dma_wait3A_205 = arith.constant 0 : i32
      %dma_wait3A_206 = arith.constant 0 : i32
      %dma_wait3A_207 = tpu.memref_slice %arg7[%run_scoped3A_186, %dma_wait3A_205, %dma_wait3A_206] : memref<2x128x128xf32, #tpu.memory_space<vmem>> -> memref<1x128x128xf32, #tpu.memory_space<vmem>>
      %dma_wait3A_208 = tpu.memref_squeeze %dma_wait3A_207 : memref<1x128x128xf32, #tpu.memory_space<vmem>> -> memref<128x128xf32, #tpu.memory_space<vmem>>
      %dma_wait3A_209 = arith.constant 0 : i32
      %dma_wait3A_210 = tpu.memref_slice %arg8[%add3A_185, %dma_wait3A_209] : memref<10240x128xf32, #tpu.memory_space<vmem_shared>> -> memref<128x128xf32, #tpu.memory_space<vmem_shared>>
      %dma_wait3A_211 = arith.constant 0 : i32
      %dma_wait3A_212 = arith.constant 0 : i32
      %dma_wait3A_213 = tpu.memref_slice %arg7[%run_scoped3A_186, %dma_wait3A_211, %dma_wait3A_212] : memref<2x128x128xf32, #tpu.memory_space<vmem>> -> memref<1x128x128xf32, #tpu.memory_space<vmem>>
      %dma_wait3A_214 = tpu.memref_squeeze %dma_wait3A_213 : memref<1x128x128xf32, #tpu.memory_space<vmem>> -> memref<128x128xf32, #tpu.memory_space<vmem>>
      %dma_wait3A_215 = arith.constant 0 : i32
      %dma_wait3A_216 = tpu.memref_slice %arg8[%add3A_185, %dma_wait3A_215] : memref<10240x128xf32, #tpu.memory_space<vmem_shared>> -> memref<128x128xf32, #tpu.memory_space<vmem_shared>>
      tpu.wait_dma2 semaphore(%run_scoped3A_192 : memref<!tpu.dma_semaphore, #tpu.memory_space<semaphore_mem>>) src(%dma_wait3A_216 : memref<128x128xf32, #tpu.memory_space<vmem_shared>>) dst(%dma_wait3A_214 : memref<128x128xf32, #tpu.memory_space<vmem>>)
      tpu.yield
    }) : () -> ()
    %run_scoped3A_187 = arith.constant 0 : i32
    "tpu.region"() ({
      %run_scoped3A_192 = tpu.sem_alloc : memref<!tpu.dma_semaphore, #tpu.memory_space<semaphore_mem>>
      %dma_start3A_193 = arith.constant 0 : i32
      %dma_start3A_194 = arith.constant 0 : i32
      %dma_start3A_195 = tpu.memref_slice %arg7[%run_scoped3A_187, %dma_start3A_193, %dma_start3A_194] : memref<2x128x128xf32, #tpu.memory_space<vmem>> -> memref<1x128x128xf32, #tpu.memory_space<vmem>>
      %dma_start3A_196 = tpu.memref_squeeze %dma_start3A_195 : memref<1x128x128xf32, #tpu.memory_space<vmem>> -> memref<128x128xf32, #tpu.memory_space<vmem>>
      %dma_start3A_197 = arith.constant 0 : i32
      %dma_start3A_198 = tpu.memref_slice %arg5[%arg0, %add3A_185, %dma_start3A_197] : memref<2x10240x128xf32, #tpu.memory_space<hbm>> -> memref<1x128x128xf32, #tpu.memory_space<hbm>>
      %dma_start3A_199 = tpu.memref_squeeze %dma_start3A_198 : memref<1x128x128xf32, #tpu.memory_space<hbm>> -> memref<128x128xf32, #tpu.memory_space<hbm>>
      %dma_start3A_200 = arith.constant 0 : i32
      %dma_start3A_201 = tpu.memref_slice %arg5[%arg0, %add3A_185, %dma_start3A_200] : memref<2x10240x128xf32, #tpu.memory_space<hbm>> -> memref<1x128x128xf32, #tpu.memory_space<hbm>>
      %dma_start3A_202 = tpu.memref_squeeze %dma_start3A_201 : memref<1x128x128xf32, #tpu.memory_space<hbm>> -> memref<128x128xf32, #tpu.memory_space<hbm>>
      %dma_start3A_203 = arith.constant 0 : i32
      %dma_start3A_204 = arith.constant 0 : i32
      %dma_start3A_205 = tpu.memref_slice %arg7[%run_scoped3A_187, %dma_start3A_203, %dma_start3A_204] : memref<2x128x128xf32, #tpu.memory_space<vmem>> -> memref<1x128x128xf32, #tpu.memory_space<vmem>>
      %dma_start3A_206 = tpu.memref_squeeze %dma_start3A_205 : memref<1x128x128xf32, #tpu.memory_space<vmem>> -> memref<128x128xf32, #tpu.memory_space<vmem>>
      tpu.enqueue_dma source(%dma_start3A_206 : memref<128x128xf32, #tpu.memory_space<vmem>>) target(%dma_start3A_202 : memref<128x128xf32, #tpu.memory_space<hbm>>) target_semaphore(%run_scoped3A_192 : memref<!tpu.dma_semaphore, #tpu.memory_space<semaphore_mem>>)
      %dma_wait3A_207 = arith.constant 0 : i32
      %dma_wait3A_208 = arith.constant 0 : i32
      %dma_wait3A_209 = tpu.memref_slice %arg7[%run_scoped3A_187, %dma_wait3A_207, %dma_wait3A_208] : memref<2x128x128xf32, #tpu.memory_space<vmem>> -> memref<1x128x128xf32, #tpu.memory_space<vmem>>
      %dma_wait3A_210 = tpu.memref_squeeze %dma_wait3A_209 : memref<1x128x128xf32, #tpu.memory_space<vmem>> -> memref<128x128xf32, #tpu.memory_space<vmem>>
      %dma_wait3A_211 = arith.constant 0 : i32
      %dma_wait3A_212 = tpu.memref_slice %arg5[%arg0, %add3A_185, %dma_wait3A_211] : memref<2x10240x128xf32, #tpu.memory_space<hbm>> -> memref<1x128x128xf32, #tpu.memory_space<hbm>>
      %dma_wait3A_213 = tpu.memref_squeeze %dma_wait3A_212 : memref<1x128x128xf32, #tpu.memory_space<hbm>> -> memref<128x128xf32, #tpu.memory_space<hbm>>
      %dma_wait3A_214 = arith.constant 0 : i32
      %dma_wait3A_215 = tpu.memref_slice %arg5[%arg0, %add3A_185, %dma_wait3A_214] : memref<2x10240x128xf32, #tpu.memory_space<hbm>> -> memref<1x128x128xf32, #tpu.memory_space<hbm>>
      %dma_wait3A_216 = tpu.memref_squeeze %dma_wait3A_215 : memref<1x128x128xf32, #tpu.memory_space<hbm>> -> memref<128x128xf32, #tpu.memory_space<hbm>>
      %dma_wait3A_217 = arith.constant 0 : i32
      %dma_wait3A_218 = arith.constant 0 : i32
      %dma_wait3A_219 = tpu.memref_slice %arg7[%run_scoped3A_187, %dma_wait3A_217, %dma_wait3A_218] : memref<2x128x128xf32, #tpu.memory_space<vmem>> -> memref<1x128x128xf32, #tpu.memory_space<vmem>>
      %dma_wait3A_220 = tpu.memref_squeeze %dma_wait3A_219 : memref<1x128x128xf32, #tpu.memory_space<vmem>> -> memref<128x128xf32, #tpu.memory_space<vmem>>
      tpu.wait_dma2 semaphore(%run_scoped3A_192 : memref<!tpu.dma_semaphore, #tpu.memory_space<semaphore_mem>>) src(%dma_wait3A_220 : memref<128x128xf32, #tpu.memory_space<vmem>>) dst(%dma_wait3A_216 : memref<128x128xf32, #tpu.memory_space<hbm>>)
      tpu.yield
    }) : () -> ()
    %add3A_188 = arith.constant 512 : i32
    %add3A_189 = arith.addi %mul3A_2, %add3A_188 : i32
    %run_scoped3A_190 = arith.constant 0 : i32
    "tpu.region"() ({
      %run_scoped3A_192 = tpu.sem_alloc : memref<!tpu.dma_semaphore, #tpu.memory_space<semaphore_mem>>
      %dma_start3A_193 = arith.constant 0 : i32
      %dma_start3A_194 = arith.constant 0 : i32
      %dma_start3A_195 = tpu.memref_slice %arg7[%run_scoped3A_190, %dma_start3A_193, %dma_start3A_194] : memref<2x128x128xf32, #tpu.memory_space<vmem>> -> memref<1x128x128xf32, #tpu.memory_space<vmem>>
      %dma_start3A_196 = tpu.memref_squeeze %dma_start3A_195 : memref<1x128x128xf32, #tpu.memory_space<vmem>> -> memref<128x128xf32, #tpu.memory_space<vmem>>
      %dma_start3A_197 = arith.constant 0 : i32
      %dma_start3A_198 = tpu.memref_slice %arg8[%add3A_189, %dma_start3A_197] : memref<10240x128xf32, #tpu.memory_space<vmem_shared>> -> memref<128x128xf32, #tpu.memory_space<vmem_shared>>
      %dma_start3A_199 = arith.constant 0 : i32
      %dma_start3A_200 = arith.constant 0 : i32
      %dma_start3A_201 = tpu.memref_slice %arg7[%run_scoped3A_190, %dma_start3A_199, %dma_start3A_200] : memref<2x128x128xf32, #tpu.memory_space<vmem>> -> memref<1x128x128xf32, #tpu.memory_space<vmem>>
      %dma_start3A_202 = tpu.memref_squeeze %dma_start3A_201 : memref<1x128x128xf32, #tpu.memory_space<vmem>> -> memref<128x128xf32, #tpu.memory_space<vmem>>
      %dma_start3A_203 = arith.constant 0 : i32
      %dma_start3A_204 = tpu.memref_slice %arg8[%add3A_189, %dma_start3A_203] : memref<10240x128xf32, #tpu.memory_space<vmem_shared>> -> memref<128x128xf32, #tpu.memory_space<vmem_shared>>
      tpu.enqueue_dma source(%dma_start3A_204 : memref<128x128xf32, #tpu.memory_space<vmem_shared>>) target(%dma_start3A_202 : memref<128x128xf32, #tpu.memory_space<vmem>>) target_semaphore(%run_scoped3A_192 : memref<!tpu.dma_semaphore, #tpu.memory_space<semaphore_mem>>)
      %dma_wait3A_205 = arith.constant 0 : i32
      %dma_wait3A_206 = arith.constant 0 : i32
      %dma_wait3A_207 = tpu.memref_slice %arg7[%run_scoped3A_190, %dma_wait3A_205, %dma_wait3A_206] : memref<2x128x128xf32, #tpu.memory_space<vmem>> -> memref<1x128x128xf32, #tpu.memory_space<vmem>>
      %dma_wait3A_208 = tpu.memref_squeeze %dma_wait3A_207 : memref<1x128x128xf32, #tpu.memory_space<vmem>> -> memref<128x128xf32, #tpu.memory_space<vmem>>
      %dma_wait3A_209 = arith.constant 0 : i32
      %dma_wait3A_210 = tpu.memref_slice %arg8[%add3A_189, %dma_wait3A_209] : memref<10240x128xf32, #tpu.memory_space<vmem_shared>> -> memref<128x128xf32, #tpu.memory_space<vmem_shared>>
      %dma_wait3A_211 = arith.constant 0 : i32
      %dma_wait3A_212 = arith.constant 0 : i32
      %dma_wait3A_213 = tpu.memref_slice %arg7[%run_scoped3A_190, %dma_wait3A_211, %dma_wait3A_212] : memref<2x128x128xf32, #tpu.memory_space<vmem>> -> memref<1x128x128xf32, #tpu.memory_space<vmem>>
      %dma_wait3A_214 = tpu.memref_squeeze %dma_wait3A_213 : memref<1x128x128xf32, #tpu.memory_space<vmem>> -> memref<128x128xf32, #tpu.memory_space<vmem>>
      %dma_wait3A_215 = arith.constant 0 : i32
      %dma_wait3A_216 = tpu.memref_slice %arg8[%add3A_189, %dma_wait3A_215] : memref<10240x128xf32, #tpu.memory_space<vmem_shared>> -> memref<128x128xf32, #tpu.memory_space<vmem_shared>>
      tpu.wait_dma2 semaphore(%run_scoped3A_192 : memref<!tpu.dma_semaphore, #tpu.memory_space<semaphore_mem>>) src(%dma_wait3A_216 : memref<128x128xf32, #tpu.memory_space<vmem_shared>>) dst(%dma_wait3A_214 : memref<128x128xf32, #tpu.memory_space<vmem>>)
      tpu.yield
    }) : () -> ()
    %run_scoped3A_191 = arith.constant 0 : i32
    "tpu.region"() ({
      %run_scoped3A_192 = tpu.sem_alloc : memref<!tpu.dma_semaphore, #tpu.memory_space<semaphore_mem>>
      %dma_start3A_193 = arith.constant 0 : i32
      %dma_start3A_194 = arith.constant 0 : i32
      %dma_start3A_195 = tpu.memref_slice %arg7[%run_scoped3A_191, %dma_start3A_193, %dma_start3A_194] : memref<2x128x128xf32, #tpu.memory_space<vmem>> -> memref<1x128x128xf32, #tpu.memory_space<vmem>>
      %dma_start3A_196 = tpu.memref_squeeze %dma_start3A_195 : memref<1x128x128xf32, #tpu.memory_space<vmem>> -> memref<128x128xf32, #tpu.memory_space<vmem>>
      %dma_start3A_197 = arith.constant 0 : i32
      %dma_start3A_198 = tpu.memref_slice %arg5[%arg0, %add3A_189, %dma_start3A_197] : memref<2x10240x128xf32, #tpu.memory_space<hbm>> -> memref<1x128x128xf32, #tpu.memory_space<hbm>>
      %dma_start3A_199 = tpu.memref_squeeze %dma_start3A_198 : memref<1x128x128xf32, #tpu.memory_space<hbm>> -> memref<128x128xf32, #tpu.memory_space<hbm>>
      %dma_start3A_200 = arith.constant 0 : i32
      %dma_start3A_201 = tpu.memref_slice %arg5[%arg0, %add3A_189, %dma_start3A_200] : memref<2x10240x128xf32, #tpu.memory_space<hbm>> -> memref<1x128x128xf32, #tpu.memory_space<hbm>>
      %dma_start3A_202 = tpu.memref_squeeze %dma_start3A_201 : memref<1x128x128xf32, #tpu.memory_space<hbm>> -> memref<128x128xf32, #tpu.memory_space<hbm>>
      %dma_start3A_203 = arith.constant 0 : i32
      %dma_start3A_204 = arith.constant 0 : i32
      %dma_start3A_205 = tpu.memref_slice %arg7[%run_scoped3A_191, %dma_start3A_203, %dma_start3A_204] : memref<2x128x128xf32, #tpu.memory_space<vmem>> -> memref<1x128x128xf32, #tpu.memory_space<vmem>>
      %dma_start3A_206 = tpu.memref_squeeze %dma_start3A_205 : memref<1x128x128xf32, #tpu.memory_space<vmem>> -> memref<128x128xf32, #tpu.memory_space<vmem>>
      tpu.enqueue_dma source(%dma_start3A_206 : memref<128x128xf32, #tpu.memory_space<vmem>>) target(%dma_start3A_202 : memref<128x128xf32, #tpu.memory_space<hbm>>) target_semaphore(%run_scoped3A_192 : memref<!tpu.dma_semaphore, #tpu.memory_space<semaphore_mem>>)
      %dma_wait3A_207 = arith.constant 0 : i32
      %dma_wait3A_208 = arith.constant 0 : i32
      %dma_wait3A_209 = tpu.memref_slice %arg7[%run_scoped3A_191, %dma_wait3A_207, %dma_wait3A_208] : memref<2x128x128xf32, #tpu.memory_space<vmem>> -> memref<1x128x128xf32, #tpu.memory_space<vmem>>
      %dma_wait3A_210 = tpu.memref_squeeze %dma_wait3A_209 : memref<1x128x128xf32, #tpu.memory_space<vmem>> -> memref<128x128xf32, #tpu.memory_space<vmem>>
      %dma_wait3A_211 = arith.constant 0 : i32
      %dma_wait3A_212 = tpu.memref_slice %arg5[%arg0, %add3A_189, %dma_wait3A_211] : memref<2x10240x128xf32, #tpu.memory_space<hbm>> -> memref<1x128x128xf32, #tpu.memory_space<hbm>>
      %dma_wait3A_213 = tpu.memref_squeeze %dma_wait3A_212 : memref<1x128x128xf32, #tpu.memory_space<hbm>> -> memref<128x128xf32, #tpu.memory_space<hbm>>
      %dma_wait3A_214 = arith.constant 0 : i32
      %dma_wait3A_215 = tpu.memref_slice %arg5[%arg0, %add3A_189, %dma_wait3A_214] : memref<2x10240x128xf32, #tpu.memory_space<hbm>> -> memref<1x128x128xf32, #tpu.memory_space<hbm>>
      %dma_wait3A_216 = tpu.memref_squeeze %dma_wait3A_215 : memref<1x128x128xf32, #tpu.memory_space<hbm>> -> memref<128x128xf32, #tpu.memory_space<hbm>>
      %dma_wait3A_217 = arith.constant 0 : i32
      %dma_wait3A_218 = arith.constant 0 : i32
      %dma_wait3A_219 = tpu.memref_slice %arg7[%run_scoped3A_191, %dma_wait3A_217, %dma_wait3A_218] : memref<2x128x128xf32, #tpu.memory_space<vmem>> -> memref<1x128x128xf32, #tpu.memory_space<vmem>>
      %dma_wait3A_220 = tpu.memref_squeeze %dma_wait3A_219 : memref<1x128x128xf32, #tpu.memory_space<vmem>> -> memref<128x128xf32, #tpu.memory_space<vmem>>
      tpu.wait_dma2 semaphore(%run_scoped3A_192 : memref<!tpu.dma_semaphore, #tpu.memory_space<semaphore_mem>>) src(%dma_wait3A_220 : memref<128x128xf32, #tpu.memory_space<vmem>>) dst(%dma_wait3A_216 : memref<128x128xf32, #tpu.memory_space<hbm>>)
      tpu.yield
    }) : () -> ()
    return
  }
}

module attributes {stable_mosaic.version = 14 : i64} {
  func.func @_dense_kernel(%arg0: i32, %arg1: memref<2000x128xf32, #tpu.memory_space<vmem>>, %arg2: memref<2x2000x128xf32, #tpu.memory_space<vmem>>, %arg3: memref<1x1x2000xi32, #tpu.memory_space<vmem>>, %arg4: memref<128x128xf32, #tpu.memory_space<vmem>>, %arg5: memref<1x128xf32, #tpu.memory_space<vmem>>, %arg6: memref<128x128xf32, #tpu.memory_space<vmem>>, %arg7: memref<1x128xf32, #tpu.memory_space<vmem>>, %arg8: memref<1x128xf32, #tpu.memory_space<vmem>>, %arg9: memref<1x128xf32, #tpu.memory_space<vmem>>, %arg10: memref<256x64xf32, #tpu.memory_space<vmem>>, %arg11: memref<1x64xf32, #tpu.memory_space<vmem>>, %arg12: memref<256x64xf32, #tpu.memory_space<vmem>>, %arg13: memref<1x64xf32, #tpu.memory_space<vmem>>, %arg14: memref<128x95xf32, #tpu.memory_space<vmem>>, %arg15: memref<1x95xf32, #tpu.memory_space<vmem>>, %arg16: memref<95x10xf32, #tpu.memory_space<vmem>>, %arg17: memref<1x10xf32, #tpu.memory_space<vmem>>, %arg18: memref<64x10xf32, #tpu.memory_space<vmem>>, %arg19: memref<1x128xf32, #tpu.memory_space<vmem>>, %arg20: memref<1x128xf32, #tpu.memory_space<vmem>>, %arg21: memref<64x128xf32, #tpu.memory_space<vmem>>, %arg22: memref<1x64xf32, #tpu.memory_space<vmem>>) attributes {dimension_semantics = [#tpu.dimension_semantics<arbitrary>], iteration_bounds = array<i64: 5>, scalar_prefetch = 0 : i64, scratch_operands = 4 : i64, tpu.core_type = #tpu.core_type<tc>, window_params = [{transform_indices = @transform_0, window_bounds = array<i64: 2000, 128>}, {transform_indices = @transform_1, window_bounds = array<i64: 2, 2000, 128>}, {transform_indices = @transform_2, window_bounds = array<i64: 1, 1, 2000>}, {pipeline_mode = #tpu.pipeline_mode<synchronous>, transform_indices = @transform_3, window_bounds = array<i64: 128, 128>}, {pipeline_mode = #tpu.pipeline_mode<synchronous>, transform_indices = @transform_4, window_bounds = array<i64: 1, 128>}, {pipeline_mode = #tpu.pipeline_mode<synchronous>, transform_indices = @transform_5, window_bounds = array<i64: 128, 128>}, {pipeline_mode = #tpu.pipeline_mode<synchronous>, transform_indices = @transform_6, window_bounds = array<i64: 1, 128>}, {pipeline_mode = #tpu.pipeline_mode<synchronous>, transform_indices = @transform_7, window_bounds = array<i64: 1, 128>}, {pipeline_mode = #tpu.pipeline_mode<synchronous>, transform_indices = @transform_8, window_bounds = array<i64: 1, 128>}, {pipeline_mode = #tpu.pipeline_mode<synchronous>, transform_indices = @transform_9, window_bounds = array<i64: 256, 64>}, {pipeline_mode = #tpu.pipeline_mode<synchronous>, transform_indices = @transform_10, window_bounds = array<i64: 1, 64>}, {pipeline_mode = #tpu.pipeline_mode<synchronous>, transform_indices = @transform_11, window_bounds = array<i64: 256, 64>}, {pipeline_mode = #tpu.pipeline_mode<synchronous>, transform_indices = @transform_12, window_bounds = array<i64: 1, 64>}, {pipeline_mode = #tpu.pipeline_mode<synchronous>, transform_indices = @transform_13, window_bounds = array<i64: 128, 95>}, {pipeline_mode = #tpu.pipeline_mode<synchronous>, transform_indices = @transform_14, window_bounds = array<i64: 1, 95>}, {pipeline_mode = #tpu.pipeline_mode<synchronous>, transform_indices = @transform_15, window_bounds = array<i64: 95, 10>}, {pipeline_mode = #tpu.pipeline_mode<synchronous>, transform_indices = @transform_16, window_bounds = array<i64: 1, 10>}, {pipeline_mode = #tpu.pipeline_mode<synchronous>, transform_indices = @transform_17, window_bounds = array<i64: 64, 10>}]} {
    %eq3A = arith.constant 0 : i32
    %eq3A_0 = arith.cmpi eq, %arg0, %eq3A : i32
    %convert_element_type3A = arith.extui %eq3A_0 : i1 to i32
    %cond3A = arith.constant 0 : i32
    %cond3A_1 = arith.cmpi ne, %convert_element_type3A, %cond3A : i32
    scf.if %cond3A_1 {
      %broadcast_in_dim3A_90 = arith.constant 0.000000e+00 : f32
      %broadcast_in_dim3A_91 = vector.broadcast %broadcast_in_dim3A_90 : f32 to vector<1x128xf32>
      %swap3A_92 = arith.constant 0 : index
      %swap3A_93 = arith.constant 0 : index
      %swap3A_94 = vector.load %arg19[%swap3A_92, %swap3A_93] : memref<1x128xf32, #tpu.memory_space<vmem>>, vector<1x128xf32>
      tpu.vector_store %arg19[%swap3A_92, %swap3A_93], %broadcast_in_dim3A_91 {strides = array<i32>} : memref<1x128xf32, #tpu.memory_space<vmem>>, vector<1x128xf32>,
      %broadcast_in_dim3A_95 = arith.constant 0.000000e+00 : f32
      %broadcast_in_dim3A_96 = vector.broadcast %broadcast_in_dim3A_95 : f32 to vector<1x128xf32>
      %swap3A_97 = arith.constant 0 : index
      %swap3A_98 = arith.constant 0 : index
      %swap3A_99 = vector.load %arg20[%swap3A_97, %swap3A_98] : memref<1x128xf32, #tpu.memory_space<vmem>>, vector<1x128xf32>
      tpu.vector_store %arg20[%swap3A_97, %swap3A_98], %broadcast_in_dim3A_96 {strides = array<i32>} : memref<1x128xf32, #tpu.memory_space<vmem>>, vector<1x128xf32>,
      %broadcast_in_dim3A_100 = arith.constant 0.000000e+00 : f32
      %broadcast_in_dim3A_101 = vector.broadcast %broadcast_in_dim3A_100 : f32 to vector<64x128xf32>
      %swap3A_102 = arith.constant 0 : index
      %swap3A_103 = arith.constant 0 : index
      %swap3A_104 = vector.load %arg21[%swap3A_102, %swap3A_103] : memref<64x128xf32, #tpu.memory_space<vmem>>, vector<64x128xf32>
      tpu.vector_store %arg21[%swap3A_102, %swap3A_103], %broadcast_in_dim3A_101 {strides = array<i32>} : memref<64x128xf32, #tpu.memory_space<vmem>>, vector<64x128xf32>,
      %broadcast_in_dim3A_105 = arith.constant 0.000000e+00 : f32
      %broadcast_in_dim3A_106 = vector.broadcast %broadcast_in_dim3A_105 : f32 to vector<1x64xf32>
      %swap3A_107 = arith.constant 0 : index
      %swap3A_108 = arith.constant 0 : index
      %swap3A_109 = vector.load %arg22[%swap3A_107, %swap3A_108] : memref<1x64xf32, #tpu.memory_space<vmem>>, vector<1x64xf32>
      tpu.vector_store %arg22[%swap3A_107, %swap3A_108], %broadcast_in_dim3A_106 {strides = array<i32>} : memref<1x64xf32, #tpu.memory_space<vmem>>, vector<1x64xf32>,
    } else {
    }
    %get3A = arith.constant 0 : index
    %get3A_2 = arith.constant 0 : index
    %get3A_3 = vector.load %arg1[%get3A, %get3A_2] : memref<2000x128xf32, #tpu.memory_space<vmem>>, vector<2000x128xf32>
    %get3A_4 = arith.constant 0 : index
    %get3A_5 = arith.constant 0 : index
    %get3A_6 = arith.constant 0 : index
    %get3A_7 = vector.load %arg2[%get3A_4, %get3A_5, %get3A_6] : memref<2x2000x128xf32, #tpu.memory_space<vmem>>, vector<1x2000x128xf32>
    %get3A_8 = vector.shape_cast %get3A_7 : vector<1x2000x128xf32> to vector<2000x128xf32>
    %add3A = arith.addf %get3A_3, %get3A_8 : vector<2000x128xf32>
    %get3A_9 = arith.constant 1 : index
    %get3A_10 = arith.constant 0 : index
    %get3A_11 = arith.constant 0 : index
    %get3A_12 = vector.load %arg2[%get3A_9, %get3A_10, %get3A_11] : memref<2x2000x128xf32, #tpu.memory_space<vmem>>, vector<1x2000x128xf32>
    %get3A_13 = vector.shape_cast %get3A_12 : vector<1x2000x128xf32> to vector<2000x128xf32>
    %add3A_14 = arith.addf %add3A, %get3A_13 : vector<2000x128xf32>
    %get3A_15 = arith.constant 0 : index
    %get3A_16 = arith.constant 0 : index
    %get3A_17 = vector.load %arg4[%get3A_15, %get3A_16] : memref<128x128xf32, #tpu.memory_space<vmem>>, vector<128x128xf32>
    %dot_general3A = arith.constant dense<0.000000e+00> : vector<2000x128xf32>
    %dot_general3A_18 = tpu.matmul %add3A_14, %get3A_17, %dot_general3A {dimension_numbers = #tpu.dot_dimension_numbers<[1], [0], [0], [1], [0, 0, 1, 1], [], []>, transpose_lhs_hint = false} : vector<2000x128xf32>, vector<128x128xf32>, vector<2000x128xf32> -> vector<2000x128xf32>
    %get3A_19 = arith.constant 0 : index
    %get3A_20 = arith.constant 0 : index
    %get3A_21 = vector.load %arg5[%get3A_19, %get3A_20] : memref<1x128xf32, #tpu.memory_space<vmem>>, vector<1x128xf32>
    %add3A_22 = vector.broadcast %get3A_21 : vector<1x128xf32> to vector<2000x128xf32>
    %add3A_23 = arith.addf %dot_general3A_18, %add3A_22 : vector<2000x128xf32>
    %max3A = arith.constant 0.000000e+00 : f32
    %max3A_24 = vector.broadcast %max3A : f32 to vector<2000x128xf32>
    %max3A_25 = arith.maximumf %add3A_23, %max3A_24 : vector<2000x128xf32>
    %get3A_26 = arith.constant 0 : index
    %get3A_27 = arith.constant 0 : index
    %get3A_28 = vector.load %arg6[%get3A_26, %get3A_27] : memref<128x128xf32, #tpu.memory_space<vmem>>, vector<128x128xf32>
    %dot_general3A_29 = arith.constant dense<0.000000e+00> : vector<2000x128xf32>
    %dot_general3A_30 = tpu.matmul %max3A_25, %get3A_28, %dot_general3A_29 {dimension_numbers = #tpu.dot_dimension_numbers<[1], [0], [0], [1], [0, 0, 1, 1], [], []>, transpose_lhs_hint = false} : vector<2000x128xf32>, vector<128x128xf32>, vector<2000x128xf32> -> vector<2000x128xf32>
    %get3A_31 = arith.constant 0 : index
    %get3A_32 = arith.constant 0 : index
    %get3A_33 = vector.load %arg7[%get3A_31, %get3A_32] : memref<1x128xf32, #tpu.memory_space<vmem>>, vector<1x128xf32>
    %add3A_34 = vector.broadcast %get3A_33 : vector<1x128xf32> to vector<2000x128xf32>
    %add3A_35 = arith.addf %dot_general3A_30, %add3A_34 : vector<2000x128xf32>
    %max3A_36 = arith.constant 0.000000e+00 : f32
    %max3A_37 = vector.broadcast %max3A_36 : f32 to vector<2000x128xf32>
    %max3A_38 = arith.maximumf %add3A_35, %max3A_37 : vector<2000x128xf32>
    %get3A_39 = arith.constant 0 : index
    %get3A_40 = arith.constant 0 : index
    %get3A_41 = vector.load %arg19[%get3A_39, %get3A_40] : memref<1x128xf32, #tpu.memory_space<vmem>>, vector<1x128xf32>
    %reduce_sum3A = arith.constant dense<0.000000e+00> : vector<128xf32>
    %reduce_sum3A_42 = vector.multi_reduction <add>, %max3A_38, %reduce_sum3A [0] : vector<2000x128xf32> to vector<128xf32>
    %broadcast_in_dim3A = vector.shape_cast %reduce_sum3A_42 : vector<128xf32> to vector<1x128xf32>
    %add3A_43 = arith.addf %get3A_41, %broadcast_in_dim3A : vector<1x128xf32>
    %swap3A = arith.constant 0 : index
    %swap3A_44 = arith.constant 0 : index
    %swap3A_45 = vector.load %arg19[%swap3A, %swap3A_44] : memref<1x128xf32, #tpu.memory_space<vmem>>, vector<1x128xf32>
    tpu.vector_store %arg19[%swap3A, %swap3A_44], %add3A_43 {strides = array<i32>} : memref<1x128xf32, #tpu.memory_space<vmem>>, vector<1x128xf32>,
    %get3A_46 = arith.constant 0 : index
    %get3A_47 = arith.constant 0 : index
    %get3A_48 = vector.load %arg20[%get3A_46, %get3A_47] : memref<1x128xf32, #tpu.memory_space<vmem>>, vector<1x128xf32>
    %mul3A = arith.mulf %max3A_38, %max3A_38 : vector<2000x128xf32>
    %reduce_sum3A_49 = arith.constant dense<0.000000e+00> : vector<128xf32>
    %reduce_sum3A_50 = vector.multi_reduction <add>, %mul3A, %reduce_sum3A_49 [0] : vector<2000x128xf32> to vector<128xf32>
    %broadcast_in_dim3A_51 = vector.shape_cast %reduce_sum3A_50 : vector<128xf32> to vector<1x128xf32>
    %add3A_52 = arith.addf %get3A_48, %broadcast_in_dim3A_51 : vector<1x128xf32>
    %swap3A_53 = arith.constant 0 : index
    %swap3A_54 = arith.constant 0 : index
    %swap3A_55 = vector.load %arg20[%swap3A_53, %swap3A_54] : memref<1x128xf32, #tpu.memory_space<vmem>>, vector<1x128xf32>
    tpu.vector_store %arg20[%swap3A_53, %swap3A_54], %add3A_52 {strides = array<i32>} : memref<1x128xf32, #tpu.memory_space<vmem>>, vector<1x128xf32>,
    %get3A_56 = arith.constant 0 : index
    %get3A_57 = arith.constant 0 : index
    %get3A_58 = arith.constant 0 : index
    %get3A_59 = vector.load %arg3[%get3A_56, %get3A_57, %get3A_58] : memref<1x1x2000xi32, #tpu.memory_space<vmem>>, vector<1x1x2000xi32>
    %get3A_60 = vector.shape_cast %get3A_59 : vector<1x1x2000xi32> to vector<1x2000xi32>
    %reshape3A = vector.shape_cast %get3A_60 : vector<1x2000xi32> to vector<2000x1xi32>
    %iota3A = tpu.iota {dimensions = array<i32: 1>} : vector<1x64xi32>
    %eq3A_61 = vector.broadcast %reshape3A : vector<2000x1xi32> to vector<2000x64xi32>
    %eq3A_62 = vector.broadcast %iota3A : vector<1x64xi32> to vector<2000x64xi32>
    %eq3A_63 = arith.cmpi eq, %eq3A_61, %eq3A_62 : vector<2000x64xi32>
    %convert_element_type3A_64 = arith.extui %eq3A_63 : vector<2000x64xi1> to vector<2000x64xi32>
    %convert_element_type3A_65 = arith.sitofp %convert_element_type3A_64 : vector<2000x64xi32> to vector<2000x64xf32>
    %get3A_66 = arith.constant 0 : index
    %get3A_67 = arith.constant 0 : index
    %get3A_68 = vector.load %arg21[%get3A_66, %get3A_67] : memref<64x128xf32, #tpu.memory_space<vmem>>, vector<64x128xf32>
    %dot_general3A_69 = arith.constant dense<0.000000e+00> : vector<64x128xf32>
    %dot_general3A_70 = tpu.matmul %convert_element_type3A_65, %max3A_38, %dot_general3A_69 {dimension_numbers = #tpu.dot_dimension_numbers<[0], [0], [1], [1], [0, 1, 1, 1], [], []>, transpose_lhs_hint = false} : vector<2000x64xf32>, vector<2000x128xf32>, vector<64x128xf32> -> vector<64x128xf32>
    %add3A_71 = arith.addf %get3A_68, %dot_general3A_70 : vector<64x128xf32>
    %swap3A_72 = arith.constant 0 : index
    %swap3A_73 = arith.constant 0 : index
    %swap3A_74 = vector.load %arg21[%swap3A_72, %swap3A_73] : memref<64x128xf32, #tpu.memory_space<vmem>>, vector<64x128xf32>
    tpu.vector_store %arg21[%swap3A_72, %swap3A_73], %add3A_71 {strides = array<i32>} : memref<64x128xf32, #tpu.memory_space<vmem>>, vector<64x128xf32>,
    %get3A_75 = arith.constant 0 : index
    %get3A_76 = arith.constant 0 : index
    %get3A_77 = vector.load %arg22[%get3A_75, %get3A_76] : memref<1x64xf32, #tpu.memory_space<vmem>>, vector<1x64xf32>
    %reduce_sum3A_78 = arith.constant dense<0.000000e+00> : vector<64xf32>
    %reduce_sum3A_79 = vector.multi_reduction <add>, %convert_element_type3A_65, %reduce_sum3A_78 [0] : vector<2000x64xf32> to vector<64xf32>
    %broadcast_in_dim3A_80 = vector.shape_cast %reduce_sum3A_79 : vector<64xf32> to vector<1x64xf32>
    %add3A_81 = arith.addf %get3A_77, %broadcast_in_dim3A_80 : vector<1x64xf32>
    %swap3A_82 = arith.constant 0 : index
    %swap3A_83 = arith.constant 0 : index
    %swap3A_84 = vector.load %arg22[%swap3A_82, %swap3A_83] : memref<1x64xf32, #tpu.memory_space<vmem>>, vector<1x64xf32>
    tpu.vector_store %arg22[%swap3A_82, %swap3A_83], %add3A_81 {strides = array<i32>} : memref<1x64xf32, #tpu.memory_space<vmem>>, vector<1x64xf32>,
    %eq3A_85 = arith.constant 4 : i32
    %eq3A_86 = arith.cmpi eq, %arg0, %eq3A_85 : i32
    %convert_element_type3A_87 = arith.extui %eq3A_86 : i1 to i32
    %cond3A_88 = arith.constant 0 : i32
    %cond3A_89 = arith.cmpi ne, %convert_element_type3A_87, %cond3A_88 : i32
    scf.if %cond3A_89 {
      %get3A_90 = arith.constant 0 : index
      %get3A_91 = arith.constant 0 : index
      %get3A_92 = vector.load %arg19[%get3A_90, %get3A_91] : memref<1x128xf32, #tpu.memory_space<vmem>>, vector<1x128xf32>
      %div3A = arith.constant 1.000000e+04 : f32
      %div3A_93 = vector.broadcast %div3A : f32 to vector<1x128xf32>
      %div3A_94 = arith.divf %get3A_92, %div3A_93 : vector<1x128xf32>
      %get3A_95 = arith.constant 0 : index
      %get3A_96 = arith.constant 0 : index
      %get3A_97 = vector.load %arg20[%get3A_95, %get3A_96] : memref<1x128xf32, #tpu.memory_space<vmem>>, vector<1x128xf32>
      %div3A_98 = arith.constant 1.000000e+04 : f32
      %div3A_99 = vector.broadcast %div3A_98 : f32 to vector<1x128xf32>
      %div3A_100 = arith.divf %get3A_97, %div3A_99 : vector<1x128xf32>
      %mul3A_101 = arith.mulf %div3A_94, %div3A_94 : vector<1x128xf32>
      %sub3A = arith.subf %div3A_100, %mul3A_101 : vector<1x128xf32>
      %get3A_102 = arith.constant 0 : index
      %get3A_103 = arith.constant 0 : index
      %get3A_104 = vector.load %arg8[%get3A_102, %get3A_103] : memref<1x128xf32, #tpu.memory_space<vmem>>, vector<1x128xf32>
      %add3A_105 = arith.constant 9.99999974E-6 : f32
      %add3A_106 = vector.broadcast %add3A_105 : f32 to vector<1x128xf32>
      %add3A_107 = arith.addf %sub3A, %add3A_106 : vector<1x128xf32>
      %rsqrt3A = math.rsqrt %add3A_107 : vector<1x128xf32>
      %mul3A_108 = arith.mulf %get3A_104, %rsqrt3A : vector<1x128xf32>
      %get3A_109 = arith.constant 0 : index
      %get3A_110 = arith.constant 0 : index
      %get3A_111 = vector.load %arg22[%get3A_109, %get3A_110] : memref<1x64xf32, #tpu.memory_space<vmem>>, vector<1x64xf32>
      %reshape3A_112 = vector.shape_cast %get3A_111 : vector<1x64xf32> to vector<64x1xf32>
      %get3A_113 = arith.constant 0 : index
      %get3A_114 = arith.constant 0 : index
      %get3A_115 = vector.load %arg21[%get3A_113, %get3A_114] : memref<64x128xf32, #tpu.memory_space<vmem>>, vector<64x128xf32>
      %mul3A_116 = vector.broadcast %reshape3A_112 : vector<64x1xf32> to vector<64x128xf32>
      %mul3A_117 = vector.broadcast %div3A_94 : vector<1x128xf32> to vector<64x128xf32>
      %mul3A_118 = arith.mulf %mul3A_116, %mul3A_117 : vector<64x128xf32>
      %sub3A_119 = arith.subf %get3A_115, %mul3A_118 : vector<64x128xf32>
      %mul3A_120 = vector.broadcast %mul3A_108 : vector<1x128xf32> to vector<64x128xf32>
      %mul3A_121 = arith.mulf %mul3A_120, %sub3A_119 : vector<64x128xf32>
      %get3A_122 = arith.constant 0 : index
      %get3A_123 = arith.constant 0 : index
      %get3A_124 = vector.load %arg9[%get3A_122, %get3A_123] : memref<1x128xf32, #tpu.memory_space<vmem>>, vector<1x128xf32>
      %mul3A_125 = vector.broadcast %reshape3A_112 : vector<64x1xf32> to vector<64x128xf32>
      %mul3A_126 = vector.broadcast %get3A_124 : vector<1x128xf32> to vector<64x128xf32>
      %mul3A_127 = arith.mulf %mul3A_125, %mul3A_126 : vector<64x128xf32>
      %add3A_128 = arith.addf %mul3A_121, %mul3A_127 : vector<64x128xf32>
      %max3A_129 = arith.constant 1.000000e+00 : f32
      %max3A_130 = vector.broadcast %max3A_129 : f32 to vector<64x1xf32>
      %max3A_131 = arith.maximumf %reshape3A_112, %max3A_130 : vector<64x1xf32>
      %div3A_132 = vector.broadcast %max3A_131 : vector<64x1xf32> to vector<64x128xf32>
      %div3A_133 = arith.divf %add3A_128, %div3A_132 : vector<64x128xf32>
      %get3A_134 = arith.constant 0 : index
      %get3A_135 = arith.constant 0 : index
      %get3A_136 = vector.load %arg10[%get3A_134, %get3A_135] : memref<256x64xf32, #tpu.memory_space<vmem>>, vector<256x64xf32>
      %get3A_137 = arith.constant 0 : index
      %get3A_138 = arith.constant 0 : index
      %get3A_139 = vector.load %arg12[%get3A_137, %get3A_138] : memref<256x64xf32, #tpu.memory_space<vmem>>, vector<256x64xf32>
      %slice3A = vector.extract_strided_slice %get3A_136 {offsets = [0, 0], sizes = [128, 64], strides = [1, 1]} : vector<256x64xf32> to vector<128x64xf32>
      %dot_general3A_140 = arith.constant dense<0.000000e+00> : vector<64x64xf32>
      %dot_general3A_141 = tpu.matmul %div3A_133, %slice3A, %dot_general3A_140 {dimension_numbers = #tpu.dot_dimension_numbers<[1], [0], [0], [1], [0, 0, 1, 1], [], []>, transpose_lhs_hint = false} : vector<64x128xf32>, vector<128x64xf32>, vector<64x64xf32> -> vector<64x64xf32>
      %get3A_142 = arith.constant 0 : index
      %get3A_143 = arith.constant 0 : index
      %get3A_144 = vector.load %arg11[%get3A_142, %get3A_143] : memref<1x64xf32, #tpu.memory_space<vmem>>, vector<1x64xf32>
      %add3A_145 = vector.broadcast %get3A_144 : vector<1x64xf32> to vector<64x64xf32>
      %add3A_146 = arith.addf %dot_general3A_141, %add3A_145 : vector<64x64xf32>
      %slice3A_147 = vector.extract_strided_slice %get3A_139 {offsets = [0, 0], sizes = [128, 64], strides = [1, 1]} : vector<256x64xf32> to vector<128x64xf32>
      %dot_general3A_148 = arith.constant dense<0.000000e+00> : vector<64x64xf32>
      %dot_general3A_149 = tpu.matmul %div3A_133, %slice3A_147, %dot_general3A_148 {dimension_numbers = #tpu.dot_dimension_numbers<[1], [0], [0], [1], [0, 0, 1, 1], [], []>, transpose_lhs_hint = false} : vector<64x128xf32>, vector<128x64xf32>, vector<64x64xf32> -> vector<64x64xf32>
      %get3A_150 = arith.constant 0 : index
      %get3A_151 = arith.constant 0 : index
      %get3A_152 = vector.load %arg13[%get3A_150, %get3A_151] : memref<1x64xf32, #tpu.memory_space<vmem>>, vector<1x64xf32>
      %add3A_153 = vector.broadcast %get3A_152 : vector<1x64xf32> to vector<64x64xf32>
      %add3A_154 = arith.addf %dot_general3A_149, %add3A_153 : vector<64x64xf32>
      %slice3A_155 = vector.extract_strided_slice %get3A_136 {offsets = [128, 0], sizes = [128, 64], strides = [1, 1]} : vector<256x64xf32> to vector<128x64xf32>
      %dot_general3A_156 = arith.constant dense<0.000000e+00> : vector<64x64xf32>
      %dot_general3A_157 = tpu.matmul %div3A_133, %slice3A_155, %dot_general3A_156 {dimension_numbers = #tpu.dot_dimension_numbers<[1], [0], [0], [1], [0, 0, 1, 1], [], []>, transpose_lhs_hint = false} : vector<64x128xf32>, vector<128x64xf32>, vector<64x64xf32> -> vector<64x64xf32>
      %add3A_158 = arith.addf %add3A_146, %dot_general3A_157 : vector<64x64xf32>
      %slice3A_159 = vector.extract_strided_slice %get3A_139 {offsets = [128, 0], sizes = [128, 64], strides = [1, 1]} : vector<256x64xf32> to vector<128x64xf32>
      %dot_general3A_160 = arith.constant dense<0.000000e+00> : vector<64x64xf32>
      %dot_general3A_161 = tpu.matmul %div3A_133, %slice3A_159, %dot_general3A_160 {dimension_numbers = #tpu.dot_dimension_numbers<[1], [0], [0], [1], [0, 0, 1, 1], [], []>, transpose_lhs_hint = false} : vector<64x128xf32>, vector<128x64xf32>, vector<64x64xf32> -> vector<64x64xf32>
      %add3A_162 = arith.addf %add3A_154, %dot_general3A_161 : vector<64x64xf32>
      %tanh3A = math.tanh %add3A_162 : vector<64x64xf32>
      %neg3A = arith.constant 0.000000e+00 : f32
      %neg3A_163 = vector.broadcast %neg3A : f32 to vector<64x64xf32>
      %neg3A_164 = arith.subf %neg3A_163, %add3A_158 : vector<64x64xf32>
      %exp3A = math.exp %neg3A_164 : vector<64x64xf32>
      %add3A_165 = arith.constant 1.000000e+00 : f32
      %add3A_166 = vector.broadcast %add3A_165 : f32 to vector<64x64xf32>
      %add3A_167 = arith.addf %add3A_166, %exp3A : vector<64x64xf32>
      %div3A_168 = arith.constant 1.000000e+00 : f32
      %div3A_169 = vector.broadcast %div3A_168 : f32 to vector<64x64xf32>
      %div3A_170 = arith.divf %div3A_169, %add3A_167 : vector<64x64xf32>
      %concatenate3A = tpu.concatenate %tanh3A, %div3A_170 in 1 : vector<64x64xf32>, vector<64x64xf32> -> vector<64x128xf32>
      %slice3A_171 = vector.extract_strided_slice %get3A_136 {offsets = [128, 0], sizes = [128, 64], strides = [1, 1]} : vector<256x64xf32> to vector<128x64xf32>
      %dot_general3A_172 = arith.constant dense<0.000000e+00> : vector<64x64xf32>
      %dot_general3A_173 = tpu.matmul %concatenate3A, %slice3A_171, %dot_general3A_172 {dimension_numbers = #tpu.dot_dimension_numbers<[1], [0], [0], [1], [0, 0, 1, 1], [], []>, transpose_lhs_hint = false} : vector<64x128xf32>, vector<128x64xf32>, vector<64x64xf32> -> vector<64x64xf32>
      %add3A_174 = arith.addf %add3A_146, %dot_general3A_173 : vector<64x64xf32>
      %slice3A_175 = vector.extract_strided_slice %get3A_139 {offsets = [128, 0], sizes = [128, 64], strides = [1, 1]} : vector<256x64xf32> to vector<128x64xf32>
      %dot_general3A_176 = arith.constant dense<0.000000e+00> : vector<64x64xf32>
      %dot_general3A_177 = tpu.matmul %concatenate3A, %slice3A_175, %dot_general3A_176 {dimension_numbers = #tpu.dot_dimension_numbers<[1], [0], [0], [1], [0, 0, 1, 1], [], []>, transpose_lhs_hint = false} : vector<64x128xf32>, vector<128x64xf32>, vector<64x64xf32> -> vector<64x64xf32>
      %add3A_178 = arith.addf %add3A_154, %dot_general3A_177 : vector<64x64xf32>
      %tanh3A_179 = math.tanh %add3A_178 : vector<64x64xf32>
      %neg3A_180 = arith.constant 0.000000e+00 : f32
      %neg3A_181 = vector.broadcast %neg3A_180 : f32 to vector<64x64xf32>
      %neg3A_182 = arith.subf %neg3A_181, %add3A_174 : vector<64x64xf32>
      %exp3A_183 = math.exp %neg3A_182 : vector<64x64xf32>
      %add3A_184 = arith.constant 1.000000e+00 : f32
      %add3A_185 = vector.broadcast %add3A_184 : f32 to vector<64x64xf32>
      %add3A_186 = arith.addf %add3A_185, %exp3A_183 : vector<64x64xf32>
      %div3A_187 = arith.constant 1.000000e+00 : f32
      %div3A_188 = vector.broadcast %div3A_187 : f32 to vector<64x64xf32>
      %div3A_189 = arith.divf %div3A_188, %add3A_186 : vector<64x64xf32>
      %concatenate3A_190 = tpu.concatenate %tanh3A_179, %div3A_189 in 1 : vector<64x64xf32>, vector<64x64xf32> -> vector<64x128xf32>
      %slice3A_191 = vector.extract_strided_slice %get3A_136 {offsets = [128, 0], sizes = [128, 64], strides = [1, 1]} : vector<256x64xf32> to vector<128x64xf32>
      %dot_general3A_192 = arith.constant dense<0.000000e+00> : vector<64x64xf32>
      %dot_general3A_193 = tpu.matmul %concatenate3A_190, %slice3A_191, %dot_general3A_192 {dimension_numbers = #tpu.dot_dimension_numbers<[1], [0], [0], [1], [0, 0, 1, 1], [], []>, transpose_lhs_hint = false} : vector<64x128xf32>, vector<128x64xf32>, vector<64x64xf32> -> vector<64x64xf32>
      %add3A_194 = arith.addf %add3A_146, %dot_general3A_193 : vector<64x64xf32>
      %slice3A_195 = vector.extract_strided_slice %get3A_139 {offsets = [128, 0], sizes = [128, 64], strides = [1, 1]} : vector<256x64xf32> to vector<128x64xf32>
      %dot_general3A_196 = arith.constant dense<0.000000e+00> : vector<64x64xf32>
      %dot_general3A_197 = tpu.matmul %concatenate3A_190, %slice3A_195, %dot_general3A_196 {dimension_numbers = #tpu.dot_dimension_numbers<[1], [0], [0], [1], [0, 0, 1, 1], [], []>, transpose_lhs_hint = false} : vector<64x128xf32>, vector<128x64xf32>, vector<64x64xf32> -> vector<64x64xf32>
      %add3A_198 = arith.addf %add3A_154, %dot_general3A_197 : vector<64x64xf32>
      %tanh3A_199 = math.tanh %add3A_198 : vector<64x64xf32>
      %neg3A_200 = arith.constant 0.000000e+00 : f32
      %neg3A_201 = vector.broadcast %neg3A_200 : f32 to vector<64x64xf32>
      %neg3A_202 = arith.subf %neg3A_201, %add3A_194 : vector<64x64xf32>
      %exp3A_203 = math.exp %neg3A_202 : vector<64x64xf32>
      %add3A_204 = arith.constant 1.000000e+00 : f32
      %add3A_205 = vector.broadcast %add3A_204 : f32 to vector<64x64xf32>
      %add3A_206 = arith.addf %add3A_205, %exp3A_203 : vector<64x64xf32>
      %div3A_207 = arith.constant 1.000000e+00 : f32
      %div3A_208 = vector.broadcast %div3A_207 : f32 to vector<64x64xf32>
      %div3A_209 = arith.divf %div3A_208, %add3A_206 : vector<64x64xf32>
      %concatenate3A_210 = tpu.concatenate %tanh3A_199, %div3A_209 in 1 : vector<64x64xf32>, vector<64x64xf32> -> vector<64x128xf32>
      %slice3A_211 = vector.extract_strided_slice %get3A_136 {offsets = [128, 0], sizes = [128, 64], strides = [1, 1]} : vector<256x64xf32> to vector<128x64xf32>
      %dot_general3A_212 = arith.constant dense<0.000000e+00> : vector<64x64xf32>
      %dot_general3A_213 = tpu.matmul %concatenate3A_210, %slice3A_211, %dot_general3A_212 {dimension_numbers = #tpu.dot_dimension_numbers<[1], [0], [0], [1], [0, 0, 1, 1], [], []>, transpose_lhs_hint = false} : vector<64x128xf32>, vector<128x64xf32>, vector<64x64xf32> -> vector<64x64xf32>
      %add3A_214 = arith.addf %add3A_146, %dot_general3A_213 : vector<64x64xf32>
      %slice3A_215 = vector.extract_strided_slice %get3A_139 {offsets = [128, 0], sizes = [128, 64], strides = [1, 1]} : vector<256x64xf32> to vector<128x64xf32>
      %dot_general3A_216 = arith.constant dense<0.000000e+00> : vector<64x64xf32>
      %dot_general3A_217 = tpu.matmul %concatenate3A_210, %slice3A_215, %dot_general3A_216 {dimension_numbers = #tpu.dot_dimension_numbers<[1], [0], [0], [1], [0, 0, 1, 1], [], []>, transpose_lhs_hint = false} : vector<64x128xf32>, vector<128x64xf32>, vector<64x64xf32> -> vector<64x64xf32>
      %add3A_218 = arith.addf %add3A_154, %dot_general3A_217 : vector<64x64xf32>
      %tanh3A_219 = math.tanh %add3A_218 : vector<64x64xf32>
      %neg3A_220 = arith.constant 0.000000e+00 : f32
      %neg3A_221 = vector.broadcast %neg3A_220 : f32 to vector<64x64xf32>
      %neg3A_222 = arith.subf %neg3A_221, %add3A_214 : vector<64x64xf32>
      %exp3A_223 = math.exp %neg3A_222 : vector<64x64xf32>
      %add3A_224 = arith.constant 1.000000e+00 : f32
      %add3A_225 = vector.broadcast %add3A_224 : f32 to vector<64x64xf32>
      %add3A_226 = arith.addf %add3A_225, %exp3A_223 : vector<64x64xf32>
      %div3A_227 = arith.constant 1.000000e+00 : f32
      %div3A_228 = vector.broadcast %div3A_227 : f32 to vector<64x64xf32>
      %div3A_229 = arith.divf %div3A_228, %add3A_226 : vector<64x64xf32>
      %concatenate3A_230 = tpu.concatenate %tanh3A_219, %div3A_229 in 1 : vector<64x64xf32>, vector<64x64xf32> -> vector<64x128xf32>
      %slice3A_231 = vector.extract_strided_slice %get3A_136 {offsets = [128, 0], sizes = [128, 64], strides = [1, 1]} : vector<256x64xf32> to vector<128x64xf32>
      %dot_general3A_232 = arith.constant dense<0.000000e+00> : vector<64x64xf32>
      %dot_general3A_233 = tpu.matmul %concatenate3A_230, %slice3A_231, %dot_general3A_232 {dimension_numbers = #tpu.dot_dimension_numbers<[1], [0], [0], [1], [0, 0, 1, 1], [], []>, transpose_lhs_hint = false} : vector<64x128xf32>, vector<128x64xf32>, vector<64x64xf32> -> vector<64x64xf32>
      %add3A_234 = arith.addf %add3A_146, %dot_general3A_233 : vector<64x64xf32>
      %slice3A_235 = vector.extract_strided_slice %get3A_139 {offsets = [128, 0], sizes = [128, 64], strides = [1, 1]} : vector<256x64xf32> to vector<128x64xf32>
      %dot_general3A_236 = arith.constant dense<0.000000e+00> : vector<64x64xf32>
      %dot_general3A_237 = tpu.matmul %concatenate3A_230, %slice3A_235, %dot_general3A_236 {dimension_numbers = #tpu.dot_dimension_numbers<[1], [0], [0], [1], [0, 0, 1, 1], [], []>, transpose_lhs_hint = false} : vector<64x128xf32>, vector<128x64xf32>, vector<64x64xf32> -> vector<64x64xf32>
      %add3A_238 = arith.addf %add3A_154, %dot_general3A_237 : vector<64x64xf32>
      %tanh3A_239 = math.tanh %add3A_238 : vector<64x64xf32>
      %neg3A_240 = arith.constant 0.000000e+00 : f32
      %neg3A_241 = vector.broadcast %neg3A_240 : f32 to vector<64x64xf32>
      %neg3A_242 = arith.subf %neg3A_241, %add3A_234 : vector<64x64xf32>
      %exp3A_243 = math.exp %neg3A_242 : vector<64x64xf32>
      %add3A_244 = arith.constant 1.000000e+00 : f32
      %add3A_245 = vector.broadcast %add3A_244 : f32 to vector<64x64xf32>
      %add3A_246 = arith.addf %add3A_245, %exp3A_243 : vector<64x64xf32>
      %div3A_247 = arith.constant 1.000000e+00 : f32
      %div3A_248 = vector.broadcast %div3A_247 : f32 to vector<64x64xf32>
      %div3A_249 = arith.divf %div3A_248, %add3A_246 : vector<64x64xf32>
      %concatenate3A_250 = tpu.concatenate %tanh3A_239, %div3A_249 in 1 : vector<64x64xf32>, vector<64x64xf32> -> vector<64x128xf32>
      %slice3A_251 = vector.extract_strided_slice %get3A_136 {offsets = [128, 0], sizes = [128, 64], strides = [1, 1]} : vector<256x64xf32> to vector<128x64xf32>
      %dot_general3A_252 = arith.constant dense<0.000000e+00> : vector<64x64xf32>
      %dot_general3A_253 = tpu.matmul %concatenate3A_250, %slice3A_251, %dot_general3A_252 {dimension_numbers = #tpu.dot_dimension_numbers<[1], [0], [0], [1], [0, 0, 1, 1], [], []>, transpose_lhs_hint = false} : vector<64x128xf32>, vector<128x64xf32>, vector<64x64xf32> -> vector<64x64xf32>
      %add3A_254 = arith.addf %add3A_146, %dot_general3A_253 : vector<64x64xf32>
      %slice3A_255 = vector.extract_strided_slice %get3A_139 {offsets = [128, 0], sizes = [128, 64], strides = [1, 1]} : vector<256x64xf32> to vector<128x64xf32>
      %dot_general3A_256 = arith.constant dense<0.000000e+00> : vector<64x64xf32>
      %dot_general3A_257 = tpu.matmul %concatenate3A_250, %slice3A_255, %dot_general3A_256 {dimension_numbers = #tpu.dot_dimension_numbers<[1], [0], [0], [1], [0, 0, 1, 1], [], []>, transpose_lhs_hint = false} : vector<64x128xf32>, vector<128x64xf32>, vector<64x64xf32> -> vector<64x64xf32>
      %add3A_258 = arith.addf %add3A_154, %dot_general3A_257 : vector<64x64xf32>
      %tanh3A_259 = math.tanh %add3A_258 : vector<64x64xf32>
      %neg3A_260 = arith.constant 0.000000e+00 : f32
      %neg3A_261 = vector.broadcast %neg3A_260 : f32 to vector<64x64xf32>
      %neg3A_262 = arith.subf %neg3A_261, %add3A_254 : vector<64x64xf32>
      %exp3A_263 = math.exp %neg3A_262 : vector<64x64xf32>
      %add3A_264 = arith.constant 1.000000e+00 : f32
      %add3A_265 = vector.broadcast %add3A_264 : f32 to vector<64x64xf32>
      %add3A_266 = arith.addf %add3A_265, %exp3A_263 : vector<64x64xf32>
      %div3A_267 = arith.constant 1.000000e+00 : f32
      %div3A_268 = vector.broadcast %div3A_267 : f32 to vector<64x64xf32>
      %div3A_269 = arith.divf %div3A_268, %add3A_266 : vector<64x64xf32>
      %concatenate3A_270 = tpu.concatenate %tanh3A_259, %div3A_269 in 1 : vector<64x64xf32>, vector<64x64xf32> -> vector<64x128xf32>
      %slice3A_271 = vector.extract_strided_slice %get3A_136 {offsets = [128, 0], sizes = [128, 64], strides = [1, 1]} : vector<256x64xf32> to vector<128x64xf32>
      %dot_general3A_272 = arith.constant dense<0.000000e+00> : vector<64x64xf32>
      %dot_general3A_273 = tpu.matmul %concatenate3A_270, %slice3A_271, %dot_general3A_272 {dimension_numbers = #tpu.dot_dimension_numbers<[1], [0], [0], [1], [0, 0, 1, 1], [], []>, transpose_lhs_hint = false} : vector<64x128xf32>, vector<128x64xf32>, vector<64x64xf32> -> vector<64x64xf32>
      %add3A_274 = arith.addf %add3A_146, %dot_general3A_273 : vector<64x64xf32>
      %slice3A_275 = vector.extract_strided_slice %get3A_139 {offsets = [128, 0], sizes = [128, 64], strides = [1, 1]} : vector<256x64xf32> to vector<128x64xf32>
      %dot_general3A_276 = arith.constant dense<0.000000e+00> : vector<64x64xf32>
      %dot_general3A_277 = tpu.matmul %concatenate3A_270, %slice3A_275, %dot_general3A_276 {dimension_numbers = #tpu.dot_dimension_numbers<[1], [0], [0], [1], [0, 0, 1, 1], [], []>, transpose_lhs_hint = false} : vector<64x128xf32>, vector<128x64xf32>, vector<64x64xf32> -> vector<64x64xf32>
      %add3A_278 = arith.addf %add3A_154, %dot_general3A_277 : vector<64x64xf32>
      %tanh3A_279 = math.tanh %add3A_278 : vector<64x64xf32>
      %neg3A_280 = arith.constant 0.000000e+00 : f32
      %neg3A_281 = vector.broadcast %neg3A_280 : f32 to vector<64x64xf32>
      %neg3A_282 = arith.subf %neg3A_281, %add3A_274 : vector<64x64xf32>
      %exp3A_283 = math.exp %neg3A_282 : vector<64x64xf32>
      %add3A_284 = arith.constant 1.000000e+00 : f32
      %add3A_285 = vector.broadcast %add3A_284 : f32 to vector<64x64xf32>
      %add3A_286 = arith.addf %add3A_285, %exp3A_283 : vector<64x64xf32>
      %div3A_287 = arith.constant 1.000000e+00 : f32
      %div3A_288 = vector.broadcast %div3A_287 : f32 to vector<64x64xf32>
      %div3A_289 = arith.divf %div3A_288, %add3A_286 : vector<64x64xf32>
      %concatenate3A_290 = tpu.concatenate %tanh3A_279, %div3A_289 in 1 : vector<64x64xf32>, vector<64x64xf32> -> vector<64x128xf32>
      %slice3A_291 = vector.extract_strided_slice %get3A_136 {offsets = [128, 0], sizes = [128, 64], strides = [1, 1]} : vector<256x64xf32> to vector<128x64xf32>
      %dot_general3A_292 = arith.constant dense<0.000000e+00> : vector<64x64xf32>
      %dot_general3A_293 = tpu.matmul %concatenate3A_290, %slice3A_291, %dot_general3A_292 {dimension_numbers = #tpu.dot_dimension_numbers<[1], [0], [0], [1], [0, 0, 1, 1], [], []>, transpose_lhs_hint = false} : vector<64x128xf32>, vector<128x64xf32>, vector<64x64xf32> -> vector<64x64xf32>
      %add3A_294 = arith.addf %add3A_146, %dot_general3A_293 : vector<64x64xf32>
      %slice3A_295 = vector.extract_strided_slice %get3A_139 {offsets = [128, 0], sizes = [128, 64], strides = [1, 1]} : vector<256x64xf32> to vector<128x64xf32>
      %dot_general3A_296 = arith.constant dense<0.000000e+00> : vector<64x64xf32>
      %dot_general3A_297 = tpu.matmul %concatenate3A_290, %slice3A_295, %dot_general3A_296 {dimension_numbers = #tpu.dot_dimension_numbers<[1], [0], [0], [1], [0, 0, 1, 1], [], []>, transpose_lhs_hint = false} : vector<64x128xf32>, vector<128x64xf32>, vector<64x64xf32> -> vector<64x64xf32>
      %add3A_298 = arith.addf %add3A_154, %dot_general3A_297 : vector<64x64xf32>
      %tanh3A_299 = math.tanh %add3A_298 : vector<64x64xf32>
      %neg3A_300 = arith.constant 0.000000e+00 : f32
      %neg3A_301 = vector.broadcast %neg3A_300 : f32 to vector<64x64xf32>
      %neg3A_302 = arith.subf %neg3A_301, %add3A_294 : vector<64x64xf32>
      %exp3A_303 = math.exp %neg3A_302 : vector<64x64xf32>
      %add3A_304 = arith.constant 1.000000e+00 : f32
      %add3A_305 = vector.broadcast %add3A_304 : f32 to vector<64x64xf32>
      %add3A_306 = arith.addf %add3A_305, %exp3A_303 : vector<64x64xf32>
      %div3A_307 = arith.constant 1.000000e+00 : f32
      %div3A_308 = vector.broadcast %div3A_307 : f32 to vector<64x64xf32>
      %div3A_309 = arith.divf %div3A_308, %add3A_306 : vector<64x64xf32>
      %concatenate3A_310 = tpu.concatenate %tanh3A_299, %div3A_309 in 1 : vector<64x64xf32>, vector<64x64xf32> -> vector<64x128xf32>
      %slice3A_311 = vector.extract_strided_slice %get3A_136 {offsets = [128, 0], sizes = [128, 64], strides = [1, 1]} : vector<256x64xf32> to vector<128x64xf32>
      %dot_general3A_312 = arith.constant dense<0.000000e+00> : vector<64x64xf32>
      %dot_general3A_313 = tpu.matmul %concatenate3A_310, %slice3A_311, %dot_general3A_312 {dimension_numbers = #tpu.dot_dimension_numbers<[1], [0], [0], [1], [0, 0, 1, 1], [], []>, transpose_lhs_hint = false} : vector<64x128xf32>, vector<128x64xf32>, vector<64x64xf32> -> vector<64x64xf32>
      %add3A_314 = arith.addf %add3A_146, %dot_general3A_313 : vector<64x64xf32>
      %slice3A_315 = vector.extract_strided_slice %get3A_139 {offsets = [128, 0], sizes = [128, 64], strides = [1, 1]} : vector<256x64xf32> to vector<128x64xf32>
      %dot_general3A_316 = arith.constant dense<0.000000e+00> : vector<64x64xf32>
      %dot_general3A_317 = tpu.matmul %concatenate3A_310, %slice3A_315, %dot_general3A_316 {dimension_numbers = #tpu.dot_dimension_numbers<[1], [0], [0], [1], [0, 0, 1, 1], [], []>, transpose_lhs_hint = false} : vector<64x128xf32>, vector<128x64xf32>, vector<64x64xf32> -> vector<64x64xf32>
      %add3A_318 = arith.addf %add3A_154, %dot_general3A_317 : vector<64x64xf32>
      %tanh3A_319 = math.tanh %add3A_318 : vector<64x64xf32>
      %neg3A_320 = arith.constant 0.000000e+00 : f32
      %neg3A_321 = vector.broadcast %neg3A_320 : f32 to vector<64x64xf32>
      %neg3A_322 = arith.subf %neg3A_321, %add3A_314 : vector<64x64xf32>
      %exp3A_323 = math.exp %neg3A_322 : vector<64x64xf32>
      %add3A_324 = arith.constant 1.000000e+00 : f32
      %add3A_325 = vector.broadcast %add3A_324 : f32 to vector<64x64xf32>
      %add3A_326 = arith.addf %add3A_325, %exp3A_323 : vector<64x64xf32>
      %div3A_327 = arith.constant 1.000000e+00 : f32
      %div3A_328 = vector.broadcast %div3A_327 : f32 to vector<64x64xf32>
      %div3A_329 = arith.divf %div3A_328, %add3A_326 : vector<64x64xf32>
      %concatenate3A_330 = tpu.concatenate %tanh3A_319, %div3A_329 in 1 : vector<64x64xf32>, vector<64x64xf32> -> vector<64x128xf32>
      %slice3A_331 = vector.extract_strided_slice %get3A_136 {offsets = [128, 0], sizes = [128, 64], strides = [1, 1]} : vector<256x64xf32> to vector<128x64xf32>
      %dot_general3A_332 = arith.constant dense<0.000000e+00> : vector<64x64xf32>
      %dot_general3A_333 = tpu.matmul %concatenate3A_330, %slice3A_331, %dot_general3A_332 {dimension_numbers = #tpu.dot_dimension_numbers<[1], [0], [0], [1], [0, 0, 1, 1], [], []>, transpose_lhs_hint = false} : vector<64x128xf32>, vector<128x64xf32>, vector<64x64xf32> -> vector<64x64xf32>
      %add3A_334 = arith.addf %add3A_146, %dot_general3A_333 : vector<64x64xf32>
      %slice3A_335 = vector.extract_strided_slice %get3A_139 {offsets = [128, 0], sizes = [128, 64], strides = [1, 1]} : vector<256x64xf32> to vector<128x64xf32>
      %dot_general3A_336 = arith.constant dense<0.000000e+00> : vector<64x64xf32>
      %dot_general3A_337 = tpu.matmul %concatenate3A_330, %slice3A_335, %dot_general3A_336 {dimension_numbers = #tpu.dot_dimension_numbers<[1], [0], [0], [1], [0, 0, 1, 1], [], []>, transpose_lhs_hint = false} : vector<64x128xf32>, vector<128x64xf32>, vector<64x64xf32> -> vector<64x64xf32>
      %add3A_338 = arith.addf %add3A_154, %dot_general3A_337 : vector<64x64xf32>
      %tanh3A_339 = math.tanh %add3A_338 : vector<64x64xf32>
      %neg3A_340 = arith.constant 0.000000e+00 : f32
      %neg3A_341 = vector.broadcast %neg3A_340 : f32 to vector<64x64xf32>
      %neg3A_342 = arith.subf %neg3A_341, %add3A_334 : vector<64x64xf32>
      %exp3A_343 = math.exp %neg3A_342 : vector<64x64xf32>
      %add3A_344 = arith.constant 1.000000e+00 : f32
      %add3A_345 = vector.broadcast %add3A_344 : f32 to vector<64x64xf32>
      %add3A_346 = arith.addf %add3A_345, %exp3A_343 : vector<64x64xf32>
      %div3A_347 = arith.constant 1.000000e+00 : f32
      %div3A_348 = vector.broadcast %div3A_347 : f32 to vector<64x64xf32>
      %div3A_349 = arith.divf %div3A_348, %add3A_346 : vector<64x64xf32>
      %concatenate3A_350 = tpu.concatenate %tanh3A_339, %div3A_349 in 1 : vector<64x64xf32>, vector<64x64xf32> -> vector<64x128xf32>
      %get3A_351 = arith.constant 0 : index
      %get3A_352 = arith.constant 0 : index
      %get3A_353 = vector.load %arg14[%get3A_351, %get3A_352] : memref<128x95xf32, #tpu.memory_space<vmem>>, vector<128x95xf32>
      %dot_general3A_354 = arith.constant dense<0.000000e+00> : vector<64x95xf32>
      %dot_general3A_355 = tpu.matmul %concatenate3A_350, %get3A_353, %dot_general3A_354 {dimension_numbers = #tpu.dot_dimension_numbers<[1], [0], [0], [1], [0, 0, 1, 1], [], []>, transpose_lhs_hint = false} : vector<64x128xf32>, vector<128x95xf32>, vector<64x95xf32> -> vector<64x95xf32>
      %get3A_356 = arith.constant 0 : index
      %get3A_357 = arith.constant 0 : index
      %get3A_358 = vector.load %arg15[%get3A_356, %get3A_357] : memref<1x95xf32, #tpu.memory_space<vmem>>, vector<1x95xf32>
      %add3A_359 = vector.broadcast %get3A_358 : vector<1x95xf32> to vector<64x95xf32>
      %add3A_360 = arith.addf %dot_general3A_355, %add3A_359 : vector<64x95xf32>
      %max3A_361 = arith.constant 0.000000e+00 : f32
      %max3A_362 = vector.broadcast %max3A_361 : f32 to vector<64x95xf32>
      %max3A_363 = arith.maximumf %add3A_360, %max3A_362 : vector<64x95xf32>
      %get3A_364 = arith.constant 0 : index
      %get3A_365 = arith.constant 0 : index
      %get3A_366 = vector.load %arg16[%get3A_364, %get3A_365] : memref<95x10xf32, #tpu.memory_space<vmem>>, vector<95x10xf32>
      %dot_general3A_367 = arith.constant dense<0.000000e+00> : vector<64x10xf32>
      %dot_general3A_368 = tpu.matmul %max3A_363, %get3A_366, %dot_general3A_367 {dimension_numbers = #tpu.dot_dimension_numbers<[1], [0], [0], [1], [0, 0, 1, 1], [], []>, transpose_lhs_hint = false} : vector<64x95xf32>, vector<95x10xf32>, vector<64x10xf32> -> vector<64x10xf32>
      %get3A_369 = arith.constant 0 : index
      %get3A_370 = arith.constant 0 : index
      %get3A_371 = vector.load %arg17[%get3A_369, %get3A_370] : memref<1x10xf32, #tpu.memory_space<vmem>>, vector<1x10xf32>
      %add3A_372 = vector.broadcast %get3A_371 : vector<1x10xf32> to vector<64x10xf32>
      %add3A_373 = arith.addf %dot_general3A_368, %add3A_372 : vector<64x10xf32>
      %swap3A_374 = arith.constant 0 : index
      %swap3A_375 = arith.constant 0 : index
      %swap3A_376 = vector.load %arg18[%swap3A_374, %swap3A_375] : memref<64x10xf32, #tpu.memory_space<vmem>>, vector<64x10xf32>
      tpu.vector_store %arg18[%swap3A_374, %swap3A_375], %add3A_373 {strides = array<i32>} : memref<64x10xf32, #tpu.memory_space<vmem>>, vector<64x10xf32>,
    } else {
    }
    return
  }
  func.func @transform_0(%arg0: i32) -> (i32, i32) {
    %c0_i32 = arith.constant 0 : i32
    %c0_i32_0 = arith.constant 0 : i32
    return %arg0, %c0_i32 : i32, i32
  }
  func.func @transform_1(%arg0: i32) -> (i32, i32, i32) {
    %c0_i32 = arith.constant 0 : i32
    %c0_i32_0 = arith.constant 0 : i32
    %c0_i32_1 = arith.constant 0 : i32
    return %c0_i32, %arg0, %c0_i32_0 : i32, i32, i32
  }
  func.func @transform_2(%arg0: i32) -> (i32, i32, i32) {
    %c0_i32 = arith.constant 0 : i32
    %c0_i32_0 = arith.constant 0 : i32
    %c0_i32_1 = arith.constant 0 : i32
    return %arg0, %c0_i32, %c0_i32_0 : i32, i32, i32
  }
  func.func @transform_3(%arg0: i32) -> (i32, i32) {
    %c0_i32 = arith.constant 0 : i32
    %c0_i32_0 = arith.constant 0 : i32
    %c0_i32_1 = arith.constant 0 : i32
    return %c0_i32, %c0_i32_0 : i32, i32
  }
  func.func @transform_4(%arg0: i32) -> (i32, i32) {
    %c0_i32 = arith.constant 0 : i32
    %c0_i32_0 = arith.constant 0 : i32
    %c0_i32_1 = arith.constant 0 : i32
    return %c0_i32, %c0_i32_0 : i32, i32
  }
  func.func @transform_5(%arg0: i32) -> (i32, i32) {
    %c0_i32 = arith.constant 0 : i32
    %c0_i32_0 = arith.constant 0 : i32
    %c0_i32_1 = arith.constant 0 : i32
    return %c0_i32, %c0_i32_0 : i32, i32
  }
  func.func @transform_6(%arg0: i32) -> (i32, i32) {
    %c0_i32 = arith.constant 0 : i32
    %c0_i32_0 = arith.constant 0 : i32
    %c0_i32_1 = arith.constant 0 : i32
    return %c0_i32, %c0_i32_0 : i32, i32
  }
  func.func @transform_7(%arg0: i32) -> (i32, i32) {
    %c0_i32 = arith.constant 0 : i32
    %c0_i32_0 = arith.constant 0 : i32
    %c0_i32_1 = arith.constant 0 : i32
    return %c0_i32, %c0_i32_0 : i32, i32
  }
  func.func @transform_8(%arg0: i32) -> (i32, i32) {
    %c0_i32 = arith.constant 0 : i32
    %c0_i32_0 = arith.constant 0 : i32
    %c0_i32_1 = arith.constant 0 : i32
    return %c0_i32, %c0_i32_0 : i32, i32
  }
  func.func @transform_9(%arg0: i32) -> (i32, i32) {
    %c0_i32 = arith.constant 0 : i32
    %c0_i32_0 = arith.constant 0 : i32
    %c0_i32_1 = arith.constant 0 : i32
    return %c0_i32, %c0_i32_0 : i32, i32
  }
  func.func @transform_10(%arg0: i32) -> (i32, i32) {
    %c0_i32 = arith.constant 0 : i32
    %c0_i32_0 = arith.constant 0 : i32
    %c0_i32_1 = arith.constant 0 : i32
    return %c0_i32, %c0_i32_0 : i32, i32
  }
  func.func @transform_11(%arg0: i32) -> (i32, i32) {
    %c0_i32 = arith.constant 0 : i32
    %c0_i32_0 = arith.constant 0 : i32
    %c0_i32_1 = arith.constant 0 : i32
    return %c0_i32, %c0_i32_0 : i32, i32
  }
  func.func @transform_12(%arg0: i32) -> (i32, i32) {
    %c0_i32 = arith.constant 0 : i32
    %c0_i32_0 = arith.constant 0 : i32
    %c0_i32_1 = arith.constant 0 : i32
    return %c0_i32, %c0_i32_0 : i32, i32
  }
  func.func @transform_13(%arg0: i32) -> (i32, i32) {
    %c0_i32 = arith.constant 0 : i32
    %c0_i32_0 = arith.constant 0 : i32
    %c0_i32_1 = arith.constant 0 : i32
    return %c0_i32, %c0_i32_0 : i32, i32
  }
  func.func @transform_14(%arg0: i32) -> (i32, i32) {
    %c0_i32 = arith.constant 0 : i32
    %c0_i32_0 = arith.constant 0 : i32
    %c0_i32_1 = arith.constant 0 : i32
    return %c0_i32, %c0_i32_0 : i32, i32
  }
  func.func @transform_15(%arg0: i32) -> (i32, i32) {
    %c0_i32 = arith.constant 0 : i32
    %c0_i32_0 = arith.constant 0 : i32
    %c0_i32_1 = arith.constant 0 : i32
    return %c0_i32, %c0_i32_0 : i32, i32
  }
  func.func @transform_16(%arg0: i32) -> (i32, i32) {
    %c0_i32 = arith.constant 0 : i32
    %c0_i32_0 = arith.constant 0 : i32
    %c0_i32_1 = arith.constant 0 : i32
    return %c0_i32, %c0_i32_0 : i32, i32
  }
  func.func @transform_17(%arg0: i32) -> (i32, i32) {
    %c0_i32 = arith.constant 0 : i32
    %c0_i32_0 = arith.constant 0 : i32
    %c0_i32_1 = arith.constant 0 : i32
    return %c0_i32, %c0_i32_0 : i32, i32
  }
}

</mosaic_0001>

<sc_bundles>
// kernel: kernel.4.cloned.1.call-start
scs
__scs_entry_jumppad:
0x0: {  	(pc) =	sbr.rel $0x88, $3  }
0x1: {  	(tag) =	ssettag $0x0;
	lr =	simm.s32 $0x1  }
0x2: {  	[smem:$0x3F90] =	sst lr;
	_ =	strace $0xD0000000  }
0x3: {  	_ = 	snop  }
0x4: {  	_ = 	snop  }
0x5: {  	_ = 	snop  }
0x6: {  	_ = 	snop  }
0x7: {  	_ = 	snop  }
__scs_overlays_trampoline_lowered:
0x8: {  	[smem:$0x3F9F] =	sst s0  }
0x9: {  	[smem:$0x3FA0] =	sst s1  }
0xa: {  	[smem:$0x3FA1] =	sst s2  }
0xb: {  	[smem:$0x3FA2] =	sst s3  }
0xc: {  	[smem:$0x3FA3] =	sst s4  }
0xd: {  	[smem:$0x3FA4] =	sst s5  }
0xe: {  	[smem:$0x3FA5] =	sst s6  }
0xf: {  	[smem:$0x3FA6] =	sst s7  }
0x10: {  	[smem:$0x3FA7] =	sst s8  }
0x11: {  	[smem:$0x3FA8] =	sst s9;
	s0 =	simm.s32 @!p0 $0x0  }
0x12: {  	s1 =	sld [smem:$0x3F8E];
	s0 =	simm.s32 @p0 $0x1  }
0x13: {  	[smem:$0x3FA9] =	sst s0;
	s0 =	simm.s32 @!p1 $0x0  }
0x14: {  	s2 =	sld [smem:$0x3F8D];
	s0 =	simm.s32 @p1 $0x1  }
0x15: {  	[smem:$0x3FAA] =	sst s0;
	s0 =	simm.s32 @!p2 $0x0  }
0x16: {  	s3 =	sld [smem:$0x3FDB];
	s0 =	simm.s32 @p2 $0x1  }
0x17: {  	s4 =	simm.s32 $0x1BF5;
	[smem:$0x3FAC] =	sst s0  }
0x18: {  	s0 =	sld [smem:$0x3F8F];
	_ =	swait.ge [sflag:s4], $0x0  }
0x19: {  	s7 =	sld [smem:$0x3F90]  }
0x1a: {  	s8 =	sadd.s32 $0xFFFFE003, lr  }
0x1b: {  	s9 =	sadd.s32 $0xFFFFFEF7, lr;
	s5 =	simm.s32 $0xFFFFFFFF;
	p2 =	slt.u32 s8, $0xFFFFF086  }
0x1c: {  	p1 =	slt.u32 s9, $0xF7A;
	s5 =	simm.s32 @!p2 $0x0  }
0x1d: {  	s5 =	simm.s32 @p1 $0x1;
	p0 =	seq.s32 s7, s2  }
0x1e: {  	s7 =	smul.u32 @!p0 $0xF7A, s2;
	p2 =	seq.s32 @!p0 s5, $0x0  }
0x1f: {  	s9 =	smul.u32 $0xF7A, s1;
	s8 =	simm.s32 @!p0 $0x1BF5;
	p2 =	por !p2, p0  }
0x20: {  	[sflag:s8] =	ssyncset.s32 @!p0 $0xFFFFF086;
	s6 =	sadd.s32 @!p0 s3, s7;
	s7 =	simm.s32 @!p0 $0x108  }
0x21: {  	s3 =	sadd.s32 s3, s9;
	s6 =	sadd.s32 @!p0 $0x88, s6;
	s7 =	simm.s32 @p2 $0x1082  }
0x22: {  	[simem:s7], [sflag:s8] =	dma.local @!p0 [hbm:s6], $0xF7A  }
0x23: {  	s9 =	sor.u32 $0xD0000000, s2;
	s6 =	simm.s32 $0x108;
	_ =	swait.ge @!p0 [sflag:s8], $0x0  }
0x24: {  	s3 =	sadd.s32 $0x88, s3;
	s6 =	simm.s32 @!p1 $0x1082;
	[sflag:s4] =	ssyncset.s32 $0xFFFFF086  }
0x25: {  	[simem:s6], [sflag:s4] =	dma.local [hbm:s3], $0xF7A  }
0x26: {  	[smem:$0x3F90] =	sst s1;
	(tag) =	ssettag s2;
	_ =	strace s9  }
0x27: {  	s1 =	sld [smem:$0x3FA0]  }
0x28: {  	s2 =	sld [smem:$0x3FA1]  }
0x29: {  	s4 =	sld [smem:$0x3FA3]  }
0x2a: {  	p0 =	seq.s32 s5, $0x0;
	s5 =	sld [smem:$0x3FA4]  }
0x2b: {  	s6 =	sld [smem:$0x3FA5]  }
0x2c: {  	s7 =	sld [smem:$0x3FA6]  }
0x2d: {  	s3 =	simm.s32 $0x108;
	s8 =	sld [smem:$0x3FA7]  }
0x2e: {  	s3 =	simm.s32 @!p0 $0x1082;
	s9 =	sld [smem:$0x3FA8]  }
0x2f: {  	lr =	sadd.s32 s0, s3;
	s0 =	sld [smem:$0x3F9F]  }
0x30: {  	s3 =	sld [smem:$0x3FA2]  }
0x31: {  	[smem:$0x3FAB] =	sst s10  }
0x32: {  	s10 =	sld [smem:$0x3FA9];
	_ =	sdelay $0x3  }
0x33: {  	p0 =	seq.s32 s10, $0x1;
	s10 =	sld [smem:$0x3FAB];
	_ =	sdelay $0x3  }
0x34: {  	[smem:$0x3FAB] =	sst s10  }
0x35: {  	s10 =	sld [smem:$0x3FAA];
	_ =	sdelay $0x3  }
0x36: {  	p1 =	seq.s32 s10, $0x1;
	s10 =	sld [smem:$0x3FAB];
	_ =	sdelay $0x3  }
0x37: {  	[smem:$0x3FAB] =	sst s10  }
0x38: {  	s10 =	sld [smem:$0x3FAC]  }
0x39: {  	_ = 	snop;
	(pc) =	sbr.ind lr, $3  }
0x3a: {  	_ = 	snop  }
0x3b: {  	_ = 	snop  }
0x3c: {  	p2 =	seq.s32 s10, $0x1;
	s10 =	sld [smem:$0x3FAB]  }
0x3d: {  	_ =	shalt  }
0x3e: {  	_ =	shalt  }
0x3f: {  	_ =	shalt  }
0x40: {  	_ =	shalt  }
0x41: {  	_ =	shalt  }
0x42: {  	_ =	shalt  }
0x43: {  	_ =	shalt  }
0x44: {  	_ =	shalt  }
0x45: {  	_ =	shalt  }
0x46: {  	_ =	shalt  }
0x47: {  	_ =	shalt  }
0x48: {  	_ =	shalt  }
0x49: {  	_ =	shalt  }
0x4a: {  	_ =	shalt  }
0x4b: {  	_ =	shalt  }
0x4c: {  	_ =	shalt  }
0x4d: {  	_ =	shalt  }
0x4e: {  	_ =	shalt  }
0x4f: {  	_ =	shalt  }
0x50: {  	_ =	shalt  }
0x51: {  	_ =	shalt  }
0x52: {  	_ =	shalt  }
0x53: {  	_ =	shalt  }
0x54: {  	_ =	shalt  }
0x55: {  	_ =	shalt  }
0x56: {  	_ =	shalt  }
0x57: {  	_ =	shalt  }
0x58: {  	_ =	shalt  }
0x59: {  	_ =	shalt  }
0x5a: {  	_ =	shalt  }
0x5b: {  	_ =	shalt  }
0x5c: {  	_ =	shalt  }
0x5d: {  	_ =	shalt  }
0x5e: {  	_ =	shalt  }
0x5f: {  	_ =	shalt  }
0x60: {  	_ =	shalt  }
0x61: {  	_ =	shalt  }
0x62: {  	_ =	shalt  }
0x63: {  	_ =	shalt  }
0x64: {  	_ =	shalt  }
0x65: {  	_ =	shalt  }
0x66: {  	_ =	shalt  }
0x67: {  	_ =	shalt  }
0x68: {  	_ =	shalt  }
0x69: {  	_ =	shalt  }
0x6a: {  	_ =	shalt  }
0x6b: {  	_ =	shalt  }
0x6c: {  	_ =	shalt  }
0x6d: {  	_ =	shalt  }
0x6e: {  	_ =	shalt  }
0x6f: {  	_ =	shalt  }
0x70: {  	_ =	shalt  }
0x71: {  	_ =	shalt  }
0x72: {  	_ =	shalt  }
0x73: {  	_ =	shalt  }
0x74: {  	_ =	shalt  }
0x75: {  	_ =	shalt  }
0x76: {  	_ =	shalt  }
0x77: {  	_ =	shalt  }
0x78: {  	_ =	shalt  }
0x79: {  	_ =	shalt  }
0x7a: {  	_ =	shalt  }
0x7b: {  	_ =	shalt  }
0x7c: {  	_ =	shalt  }
0x7d: {  	_ =	shalt  }
0x7e: {  	_ =	shalt  }
0x7f: {  	_ =	shalt  }
0x80: {  	_ =	shalt  }
0x81: {  	_ =	shalt  }
0x82: {  	_ =	shalt  }
0x83: {  	_ =	shalt  }
0x84: {  	_ =	shalt  }
0x85: {  	_ =	shalt  }
0x86: {  	_ =	shalt  }
0x87: {  	_ =	shalt  }
.Lfunc_end0:
.L_simem_size_0:
called_computation_lowered:
.L_overlay_start_0:
0x88: {  	s2 =	sld [smem:$0x3FD9]  }
0x89: {  	s3 =	sld [smem:$0x3FFE];
	_ =	sdelay $0x1  }
0x8a: {  	s1 =	srdreg.scid  }
0x8b: {  	s0 =	sand.u32 $0x1, s1  }
0x8c: {  	s17 =	sshll.u32 s0, $0xA;
	s2 =	sadd.s32 s3, s2  }
0x8d: {  	s2 =	sadd.s32 s2, s17  }
0x8e: {  	[smem:$0x3FB7] =	sst s2  }
0x8f: {  	_ = 	snop  }
0x90: {  	s2 =	sld [smem:$0x3FC9]  }
0x91: {  	s18 =	sld [smem:$0x3FC8];
	(tm) =	ssettm $0x1  }
0x92: {  	s4 =	sld [smem:$0x3FFB];
	_ =	sdelay $0x3  }
0x93: {  	_ =	strace s4  }
0x94: {  	s4 =	sld [smem:$0x3FFC];
	_ =	sdelay $0x3  }
0x95: {  	_ =	strace s4  }
0x96: {  	s4 =	sld [smem:$0x3FFD];
	_ =	sdelay $0x3  }
0x97: {  	_ =	strace s4  }
0x98: {  	_ =	strace $0x8FFFFFFF  }
0x99: {  	s19 =	sld [smem:$0x3FDB];
	_ =	sdelay $0x1  }
0x9a: {  	s5 =	simm.s32 $_scs_section_size  }
0x9b: {  	s6 =	simm.s32 $_size__tile_overlayer_lowered;
	s7 =	simm.s32 $_tile_overlayer_lowered  }
0x9c: {  	s22 =	simm.s32 $0x1BFF;
	s21 =	sshll.u32 s7, $0x1;
	s4 =	sadd.s32 s5, s19  }
0x9d: {  	s8 =	simm.s32 $0x0;
	s20 =	sshll.u32 s6, $0x1;
	s6 =	sadd.s32 s21, s4  }
0x9e: {  	[timem:s8], [sflag:s22] =	dma.local [hbm:s6], s20  }
0x9f: {  	_ =	swait.ge [sflag:s22], s20  }
0xa0: {  	s5 =	ssub.s32 $0x0, s20;
	[sflag:s22] =	ssyncset.done $0x0  }
0xa1: {  	[sflag:s22] =	ssyncadd.s32 s5;
	_ =	sdelay $0x1  }
0xa2: {  	s23 =	simm.s32 $0x1B8B  }
0xa3: {  	_ =	swait.ge [sflag:s23], $0x1  }
0xa4: {  	[sflag:s23] =	ssyncset.done $0x0  }
0xa5: {  	s25 =	simm.s32 $0x1B8E;
	s24 =	sld [smem:$0x3FFE];
	[sflag:s23] =	ssyncadd.s32 $0xFFFFFFFF  }
0xa6: {  	s26 =	simm.s32 $execute0_lowered;
	[smem:$0x3FD2] =	sst s25  }
0xa7: {  	s6 =	sshll.u32 s26, $0x1;
	_ =	strace $0x80000046;
	[dreg:$0x1] =	wrdreg $0xFFFFFFFF  }
0xa8: {  	s28 =	simm.s32 $_size_execute0_lowered;
	s4 =	sadd.s32 s4, s6;
	[dreg:$0x0] =	wrdreg $0x0  }
0xa9: {  	s6 =	sshll.u32 s28, $0x1;
	[dreg:$0x2] =	wrdreg s4  }
0xaa: {  	[dreg:$0x3] =	wrdreg s6  }
0xab: {  	[dreg:$0x4] =	wrdreg $0xC0  }
0xac: {  	_ =	task [dreg:s8], $0x5FFFF  }
0xad: {  	[dreg:$0x1] =	wrdreg $0xFFFFFFFF  }
0xae: {  	[dreg:$0x0] =	wrdreg $0x60  }
0xaf: {  	[dreg:$0x2] =	wrdreg s18  }
0xb0: {  	[dreg:$0x3] =	wrdreg s2  }
0xb1: {  	[dreg:$0x4] =	wrdreg s24  }
0xb2: {  	[dreg:$0x5] =	wrdreg $0xA8000  }
0xb3: {  	[dreg:$0x6] =	wrdreg $0x9  }
0xb4: {  	_ =	task.clear_ibuf [dreg:s8], $0x7FFFF;
	_ =	strace $0x90000046  }
0xb5: {  	s29 =	simm.s32 $0x9;
	_ =	strace $0x80000048  }
0xb6: {  	_ =	swait.ge [sflag:s29], $0x1  }
0xb7: {  	[sflag:s29] =	ssyncadd.s32 $0xFFFFFFFF  }
0xb8: {  	_ =	strace $0x90000048  }
0xb9: {  	_ =	sfence  }
0xba: {  	s30 =	sld [smem:$0x0];
	_ =	sdelay $0x2  }
0xbb: {  	s31 =	sshll.u32 s1, $0xD;
	s1 =	sshrl.u32 s1, $0x2  }
0xbc: {  	s3 =	sand.u32 $0x4000, s31;
	s1 =	sadd.s32 s1, s30  }
0xbd: {  	s0 =	sor.u32 s3, s0;
	s1 =	sshll.u32 s1, $0x11  }
0xbe: {  	s0 =	sor.u32 s1, s0  }
0xbf: {  	s0 =	sadd.s32 $0x8F2B, s0  }
0xc0: {  	[sflag:s0] =	ssyncadd.remote.s32 $0x1  }
0xc1: {  	_ =	sfence.sel $0xFFFF  }
0xc2: {  	[dreg:$0x0] =	wrdreg $0xFFFFFFFF;
	(pc) =	sbr.abs _section_cstart, $3  }
0xc3: {  	[dreg:$0x1] =	wrdreg $0xFFFFFFFF  }
0xc4: {  	_ =	task.clear_ibuf [dreg:s8], $0x2FFFF;
	_ =	strace $0x9FFFFFFF  }
0xc5: {  	(tm) =	ssettm $0x7FFFFFFF  }
tec
execute0_lowered:
.L_overlay_start_1:
0x0: {  	(tag) =	ssettag $0x1  }
0x1: {  	s0 =	rddreg [dreg:$0x0]  }
0x2: {  	s1 =	rddreg [dreg:$0x1]  }
0x3: {  	s3 =	rddreg [dreg:$0x2]  }
0x4: {  	s2 =	rddreg [dreg:$0x3]  }
0x5: {  	s4 =	simm.s32 $0x0;
	s5 =	srdreg.scid;
	s20 =	stileid.u32  }
0x6: {  	s21 =	simm.s32 $0x20;
	s28 =	simm.s32 $0x100;
	s29 =	simm.s32 $0x6800  }
0x7: {  	s30 =	simm.s32 $0x1;
	s31 =	simm.s32 $0x2;
	[smem:$0x7FF] =	sst s4  }
0x8: {  	s5 =	sand.u32 $0x1, s5;
	s7 =	smul.u32 $0x50000, s20;
	s8 =	sadd.s32 $0x2600, s3  }
0x9: {  	s3 =	sadd.s32 $0x2E00, s3;
	s11 =	smul.u32 $0x14000, s20;
	_ =	strace $0x80000047  }
0xa: {  	s6 =	ssub.s32 $0x2, s5;
	[dreg:$0x5] =	wrdreg s8;
	s9 =	sshll.u32 s5, $0x4  }
0xb: {  	s5 =	smul.u32 $0x140000, s5;
	s24 =	sshrl.u32 s6, $0x1;
	s7 =	sshrl.u32 s7, $0x2  }
0xc: {  	s14 =	sor.u32 s20, s9;
	s16 =	sadd.s32 $0x4000, s11;
	s17 =	sadd.s32 $0x8000, s11  }
0xd: {  	s18 =	sadd.s32 $0xC000, s11;
	s19 =	sadd.s32 $0x10000, s11;
	s13 =	ssub.s32 s6, s24  }
0xe: {  	s6 =	sadd.s32 s7, s2;
	s9 =	smul.u32 $0x50, s14;
	s7 =	sadd.s32 s16, s2  }
0xf: {  	s8 =	sadd.s32 s17, s2;
	s10 =	smul.u32 $0x48, s14;
	p0 =	slt.u32 s14, $0x8  }
0x10: {  	s25 =	sadd.s32 s11, s5;
	s26 =	sadd.s32 s5, s16;
	s17 =	sadd.s32 s5, s17  }
0x11: {  	s22 =	sadd.s32 s5, s18;
	s5 =	sadd.s32 s5, s19;
	s21 =	simm.s32 @!p0 $0x28  }
0x12: {  	s23 =	sshrl.u32 s17, $0x3;
	s24 =	sshrl.u32 s22, $0x3;
	s12 =	sadd.s32 $0xFFFFFFC0, s9  }
0x13: {  	s22 =	smax.u32 s13, $0x1;
	s9 =	sadd.s32 s18, s2;
	s12 =	smov.u32 @p0 s10  }
0x14: {  	s10 =	sadd.s32 s19, s2;
	s15 =	sshll.u32 s12, $0x8;
	s12 =	sshll.u32 s12, $0x5  }
0x15: {  	s19 =	sshrl.u32 s26, $0x3;
	s15 =	sadd.s32 $0x2800, s15;
	s12 =	sand.u32 $0x1FFFFF00, s12  }
0x16: {  	s26 =	sshll.u32 s21, $0xA;
	s15 =	sshrl.u32 s15, $0x3;
	s12 =	sadd.s32 s0, s12  }
0x17: {  	p0 =	sgt.u32 s14, $0x3;
	[dreg:$0x6] =	wrdreg s12;
	s15 =	sadd.s32 s0, s15  }
0x18: {  	s12 =	sadd.s32 $0xFFFFFFFF, s21;
	s0 =	sadd.s32 $0x13800, s0;
	[dreg:$0x7] =	wrdreg s15  }
0x19: {  	[dreg:$0x8] =	wrdreg s0;
	s15 =	sshll.u32 s20, $0x8;
	s0 =	sshrl.u32 s25, $0x3  }
0x1a: {  	s20 =	sadd.s32 s3, s24;
	s25 =	sshrl.u32 s5, $0x3;
	s18 =	sor.u32 $0x80, s15  }
0x1b: {  	s24 =	simm.s32 $0x2800;
	s0 =	sadd.s32 s3, s0;
	[dreg:$0x9] =	wrdreg s18  }
0x1c: {  	s21 =	sadd.s32 s3, s25;
	s25 =	simm.s32 $0x3;
	[dreg:$0xa] =	wrdreg s0  }
0x1d: {  	s18 =	sadd.s32 s3, s19;
	s19 =	sadd.s32 s3, s23;
	s23 =	sadd.s32 $0xFFFFF000, s26  }
0x1e: {  	s26 =	simm.s32 $0x80;
	s3 =	simm.s32 $0x2700;
	s0 =	simm.s32 $0x0  }
.LBB2_1:
0x1f: {  	s5 =	rddreg [dreg:$0x5]  }
0x20: {  	[tilespmem:s24], [sflag:$0x3] =	stream.linear.gather [hbm4b:s5+s4], $0x4000, $0x38;
	[tilespmem:$0x1E800] =	vst v63  }
0x21: {  	_ =	swait.ge [sflag:s25], $0x4000  }
0x22: {  	[sflag:s25] =	ssyncset.done $0x0  }
0x23: {  	[sflag:s25] =	ssyncadd.s32 $0xFFFFC000  }
0x24: {  	[spmem:s6] =	stream.linear.scatter [tilespmem:s24], [sflag:$0x3], $0x4000, $0x38;
	[tilespmem:$0x1E800] =	vst v63  }
0x25: {  	_ =	swait.ge [sflag:s25], $0x4000  }
0x26: {  	[sflag:s25] =	ssyncset.done $0x0  }
0x27: {  	[sflag:s25] =	ssyncadd.s32 $0xFFFFC000  }
0x28: {  	[spmem:s7] =	stream.linear.scatter [tilespmem:s24], [sflag:$0x3], $0x4000, $0x38;
	[tilespmem:$0x1E800] =	vst v63  }
0x29: {  	_ =	swait.ge [sflag:s25], $0x4000  }
0x2a: {  	[sflag:s25] =	ssyncset.done $0x0  }
0x2b: {  	[sflag:s25] =	ssyncadd.s32 $0xFFFFC000  }
0x2c: {  	[spmem:s8] =	stream.linear.scatter [tilespmem:s24], [sflag:$0x3], $0x4000, $0x38;
	[tilespmem:$0x1E800] =	vst v63  }
0x2d: {  	_ =	swait.ge [sflag:s25], $0x4000  }
0x2e: {  	[sflag:s25] =	ssyncset.done $0x0  }
0x2f: {  	[sflag:s25] =	ssyncadd.s32 $0xFFFFC000  }
0x30: {  	[spmem:s9] =	stream.linear.scatter [tilespmem:s24], [sflag:$0x3], $0x4000, $0x38;
	[tilespmem:$0x1E800] =	vst v63  }
0x31: {  	_ =	swait.ge [sflag:s25], $0x4000  }
0x32: {  	[sflag:s25] =	ssyncset.done $0x0  }
0x33: {  	[sflag:s25] =	ssyncadd.s32 $0xFFFFC000  }
0x34: {  	[spmem:s10] =	stream.linear.scatter [tilespmem:s24], [sflag:$0x3], $0x4000, $0x38;
	[tilespmem:$0x1E800] =	vst v63  }
0x35: {  	_ =	swait.ge [sflag:s25], $0x4000  }
0x36: {  	[sflag:s25] =	ssyncset.done $0x0  }
0x37: {  	[sflag:s25] =	ssyncadd.s32 $0xFFFFC000  }
0x38: {  	[bflag:$0x0] =	sbarrier.arrive $0xFFFF  }
0x39: {  	s13 =	rddreg [dreg:$0x6]  }
0x3a: {  	[tilespmem:s4], [sflag:$0x3] =	stream.linear.gather [hbm4b:s13+s4], $0x2800, $0x38;
	[tilespmem:$0x1E800] =	vst v63  }
0x3b: {  	_ =	swait.ge [sflag:s25], $0x2800  }
0x3c: {  	[sflag:s25] =	ssyncset.done $0x0  }
0x3d: {  	[sflag:s25] =	ssyncadd.s32 $0xFFFFD800  }
0x3e: {  	[tilespmem:s24], [sflag:$0x1] =	stream.indirect.gather [hbm4b:s1+s26], $0x80, s4, s26, $0xb8;
	[tilespmem:$0x1E800] =	vst v63  }
0x3f: {  	_ = 	snop  }
0x40: {  	[tilespmem:s29], [sflag:$0x2] =	stream.indirect.gather [hbm4b:s1+s26], $0x80, s28, s26, $0xb8;
	[tilespmem:$0x1E800] =	vst v63  }
0x41: {  	_ =	swait.ge [sflag:s30], $0x4000  }
0x42: {  	[sflag:s30] =	ssyncset.done $0x0  }
0x43: {  	s14 =	simm.s32 $0x80;
	[sflag:s30] =	ssyncadd.s32 $0xFFFFC000  }
0x44: {  	[spmem:s2] =	stream.indirect.scatter.add.f32 [tilespmem:s24], [sflag:$0x3], $0x80, s14, s26, $0xb8;
	[tilespmem:$0x1E800] =	vst v63  }
0x45: {  	_ =	swait.ge [sflag:s25], $0x4000  }
0x46: {  	[sflag:s25] =	ssyncset.done $0x0  }
0x47: {  	s16 =	simm.s32 $0x200;
	[sflag:s25] =	ssyncadd.s32 $0xFFFFC000  }
0x48: {  	[tilespmem:s24], [sflag:$0x1] =	stream.indirect.gather [hbm4b:s1+s26], $0x80, s16, s26, $0xb8;
	[tilespmem:$0x1E800] =	vst v63  }
0x49: {  	_ =	swait.ge [sflag:s31], $0x4000  }
0x4a: {  	[sflag:s31] =	ssyncset.done $0x0  }
0x4b: {  	s17 =	simm.s32 $0x180;
	[sflag:s31] =	ssyncadd.s32 $0xFFFFC000  }
0x4c: {  	[spmem:s2] =	stream.indirect.scatter.add.f32 [tilespmem:s29], [sflag:$0x3], $0x80, s17, s26, $0xb8;
	[tilespmem:$0x1E800] =	vst v63  }
0x4d: {  	_ =	swait.ge [sflag:s25], $0x4000  }
0x4e: {  	[sflag:s25] =	ssyncset.done $0x0  }
0x4f: {  	s11 =	simm.s32 $0x300;
	s5 =	simm.s32 $0xFFFF7800;
	[sflag:s25] =	ssyncadd.s32 $0xFFFFC000  }
.LBB2_2:
0x50: {  	[tilespmem:s29], [sflag:$0x2] =	stream.indirect.gather [hbm4b:s1+s26], $0x80, s11, s26, $0xb8;
	[tilespmem:$0x1E800] =	vst v63  }
0x51: {  	s11 =	smov.u32 s5  }
0x52: {  	p1 =	sne.s32 s5, $0xFFFFF800;
	s5 =	sadd.s32 $0x800, s5;
	_ =	swait.ge [sflag:s30], $0x4000  }
0x53: {  	s11 =	sshra.s32 s11, $0x2;
	[sflag:s30] =	ssyncset.done $0x0  }
0x54: {  	s13 =	sadd.s32 $0x2480, s11;
	[sflag:s30] =	ssyncadd.s32 $0xFFFFC000  }
0x55: {  	[spmem:s2] =	stream.indirect.scatter.add.f32 [tilespmem:s24], [sflag:$0x3], $0x80, s13, s26, $0xb8;
	[tilespmem:$0x1E800] =	vst v63  }
0x56: {  	_ =	swait.ge [sflag:s25], $0x4000  }
0x57: {  	[sflag:s25] =	ssyncset.done $0x0  }
0x58: {  	s13 =	sadd.s32 $0x2600, s11;
	[sflag:s25] =	ssyncadd.s32 $0xFFFFC000  }
0x59: {  	[tilespmem:s24], [sflag:$0x1] =	stream.indirect.gather [hbm4b:s1+s26], $0x80, s13, s26, $0xb8;
	[tilespmem:$0x1E800] =	vst v63  }
0x5a: {  	_ =	swait.ge [sflag:s31], $0x4000  }
0x5b: {  	[sflag:s31] =	ssyncset.done $0x0  }
.Ltmp0:
0x5c: {  	s13 =	sadd.s32 $0x2580, s11;
	[sflag:s31] =	ssyncadd.s32 $0xFFFFC000;
	(pc) =	sbr.rel @p1 .LBB2_2-.Ltmp0, $4  }
0x5d: {  	[spmem:s2] =	stream.indirect.scatter.add.f32 [tilespmem:s29], [sflag:$0x3], $0x80, s13, s26, $0xb8;
	[tilespmem:$0x1E800] =	vst v63  }
0x5e: {  	_ =	swait.ge [sflag:s25], $0x4000  }
0x5f: {  	[sflag:s25] =	ssyncset.done $0x0  }
0x60: {  	s11 =	sadd.s32 $0x2700, s11;
	[sflag:s25] =	ssyncadd.s32 $0xFFFFC000  }
0x61: {  	[tilespmem:s29], [sflag:$0x2] =	stream.indirect.gather [hbm4b:s1+s26], $0x80, s11, s26, $0xb8;
	[tilespmem:$0x1E800] =	vst v63  }
0x62: {  	_ =	swait.ge [sflag:s30], $0x4000  }
0x63: {  	[sflag:s30] =	ssyncset.done $0x0  }
0x64: {  	s5 =	simm.s32 $0x2480;
	[sflag:s30] =	ssyncadd.s32 $0xFFFFC000  }
0x65: {  	[spmem:s2] =	stream.indirect.scatter.add.f32 [tilespmem:s24], [sflag:$0x3], $0x80, s5, s26, $0xb8;
	[tilespmem:$0x1E800] =	vst v63  }
0x66: {  	_ =	swait.ge [sflag:s25], $0x4000  }
0x67: {  	[sflag:s25] =	ssyncset.done $0x0  }
0x68: {  	s14 =	simm.s32 $0x2600;
	[sflag:s25] =	ssyncadd.s32 $0xFFFFC000  }
0x69: {  	[tilespmem:s24], [sflag:$0x1] =	stream.indirect.gather [hbm4b:s1+s26], $0x80, s14, s26, $0xb8;
	[tilespmem:$0x1E800] =	vst v63  }
0x6a: {  	_ =	swait.ge [sflag:s31], $0x4000  }
0x6b: {  	[sflag:s31] =	ssyncset.done $0x0  }
0x6c: {  	s16 =	simm.s32 $0x2580;
	[sflag:s31] =	ssyncadd.s32 $0xFFFFC000  }
0x6d: {  	[spmem:s2] =	stream.indirect.scatter.add.f32 [tilespmem:s29], [sflag:$0x3], $0x80, s16, s26, $0xb8;
	[tilespmem:$0x1E800] =	vst v63  }
0x6e: {  	_ =	swait.ge [sflag:s25], $0x4000  }
0x6f: {  	[sflag:s25] =	ssyncset.done $0x0  }
0x70: {  	[sflag:s25] =	ssyncadd.s32 $0xFFFFC000  }
0x71: {  	[tilespmem:s29], [sflag:$0x2] =	stream.indirect.gather [hbm4b:s1+s26], $0x80, s3, s26, $0xb8;
	[tilespmem:$0x1E800] =	vst v63  }
0x72: {  	_ =	swait.ge [sflag:s30], $0x4000  }
0x73: {  	[sflag:s30] =	ssyncset.done $0x0  }
0x74: {  	s17 =	simm.s32 $0x2680;
	[sflag:s30] =	ssyncadd.s32 $0xFFFFC000  }
0x75: {  	[spmem:s2] =	stream.indirect.scatter.add.f32 [tilespmem:s24], [sflag:$0x3], $0x80, s17, s26, $0xb8;
	[tilespmem:$0x1E800] =	vst v63  }
0x76: {  	_ =	swait.ge [sflag:s25], $0x4000  }
0x77: {  	[sflag:s25] =	ssyncset.done $0x0  }
0x78: {  	[sflag:s25] =	ssyncadd.s32 $0xFFFFC000  }
0x79: {  	[tilespmem:s24], [sflag:$0x1] =	stream.indirect.gather [hbm4b:s1+s26], $0x80, s3, s26, $0xb8;
	[tilespmem:$0x1E800] =	vst v63  }
0x7a: {  	_ =	swait.ge [sflag:s31], $0x4000  }
0x7b: {  	[sflag:s31] =	ssyncset.done $0x0  }
0x7c: {  	s11 =	simm.s32 $0x2780;
	[sflag:s31] =	ssyncadd.s32 $0xFFFFC000  }
0x7d: {  	[spmem:s2] =	stream.indirect.scatter.add.f32 [tilespmem:s29], [sflag:$0x3], $0x80, s11, s26, $0xb8;
	[tilespmem:$0x1E800] =	vst v63  }
0x7e: {  	_ =	swait.ge [sflag:s25], $0x4000  }
0x7f: {  	[sflag:s25] =	ssyncset.done $0x0  }
0x80: {  	[sflag:s25] =	ssyncadd.s32 $0xFFFFC000  }
0x81: {  	[tilespmem:s29], [sflag:$0x2] =	stream.indirect.gather [hbm4b:s1+s26], $0x80, s3, s26, $0xb8;
	[tilespmem:$0x1E800] =	vst v63  }
0x82: {  	_ =	swait.ge [sflag:s30], $0x4000  }
0x83: {  	[sflag:s30] =	ssyncset.done $0x0  }
0x84: {  	[sflag:s30] =	ssyncadd.s32 $0xFFFFC000  }
0x85: {  	_ =	swait.ge [sflag:s31], $0x4000  }
0x86: {  	[sflag:s31] =	ssyncset.done $0x0  }
0x87: {  	s13 =	simm.s32 $0x0;
	s14 =	rddreg [dreg:$0x7];
	[sflag:s31] =	ssyncadd.s32 $0xFFFFC000  }
0x88: {  	[tilespmem:s13], [sflag:$0x3] =	stream.linear.gather [hbm4b:s14+s13], $0x2800, $0x38;
	[tilespmem:$0x1E800] =	vst v63  }
0x89: {  	_ =	swait.ge [sflag:s25], $0x2800  }
0x8a: {  	[sflag:s25] =	ssyncset.done $0x0  }
0x8b: {  	[sflag:s25] =	ssyncadd.s32 $0xFFFFD800  }
0x8c: {  	[tilespmem:s24], [sflag:$0x1] =	stream.indirect.gather [hbm4b:s1+s26], $0x80, s13, s26, $0xb8;
	[tilespmem:$0x1E800] =	vst v63  }
0x8d: {  	_ = 	snop  }
0x8e: {  	[tilespmem:s29], [sflag:$0x2] =	stream.indirect.gather [hbm4b:s1+s26], $0x80, s28, s26, $0xb8;
	[tilespmem:$0x1E800] =	vst v63  }
0x8f: {  	_ =	swait.ge [sflag:s30], $0x4000  }
0x90: {  	p1 =	sgt.s32 s12, $0x2;
	s5 =	simm.s32 $0x2;
	[sflag:s30] =	ssyncset.done $0x0  }
0x91: {  	s16 =	simm.s32 $0x80;
	s11 =	smov.u32 s12;
	[sflag:s30] =	ssyncadd.s32 $0xFFFFC000  }
0x92: {  	[spmem:s2] =	stream.indirect.scatter.add.f32 [tilespmem:s24], [sflag:$0x3], $0x80, s16, s26, $0xb8;
	[tilespmem:$0x1E800] =	vst v63  }
0x93: {  	s11 =	smov.u32 @p1 s5;
	_ =	swait.ge [sflag:s25], $0x4000  }
0x94: {  	s5 =	sshll.u32 s11, $0xA;
	[sflag:s25] =	ssyncset.done $0x0  }
0x95: {  	p2 =	sne.s32 s23, $0x800;
	s5 =	sshra.s32 s5, $0x2;
	[sflag:s25] =	ssyncadd.s32 $0xFFFFC000  }
0x96: {  	[tilespmem:s24], [sflag:$0x1] =	stream.indirect.gather [hbm4b:s1+s26], $0x80, s5, s26, $0xb8;
	[tilespmem:$0x1E800] =	vst v63  }
0x97: {  	s17 =	simm.s32 $0x180;
	p1 =	sgt.s32 s12, $0x3;
	_ =	swait.ge [sflag:s31], $0x4000  }
.Ltmp1:
0x98: {  	s11 =	simm.s32 $0x5;
	[sflag:s31] =	ssyncset.done $0x0;
	(pc) =	sbr.rel @!p2 .LBB2_5-.Ltmp1, $4  }
0x99: {  	s14 =	simm.s32 $0x3;
	s5 =	smov.u32 s12;
	[sflag:s31] =	ssyncadd.s32 $0xFFFFC000  }
0x9a: {  	[spmem:s2] =	stream.indirect.scatter.add.f32 [tilespmem:s29], [sflag:$0x3], $0x80, s17, s26, $0xb8;
	[tilespmem:$0x1E800] =	vst v63  }
0x9b: {  	s13 =	simm.s32 $0x800;
	s5 =	smov.u32 @p1 s14;
	_ =	swait.ge [sflag:s25], $0x4000  }
0x9c: {  	s14 =	sshll.u32 s5, $0xA;
	s5 =	simm.s32 $0x7;
	[sflag:s25] =	ssyncset.done $0x0  }
.LBB2_4:
0x9d: {  	s11 =	smov.u32 s5;
	s14 =	sshra.s32 s14, $0x2  }
0x9e: {  	s16 =	smov.u32 s13;
	s13 =	sadd.s32 $0x800, s13;
	[sflag:s25] =	ssyncadd.s32 $0xFFFFC000  }
0x9f: {  	[tilespmem:s29], [sflag:$0x2] =	stream.indirect.gather [hbm4b:s1+s26], $0x80, s14, s26, $0xb8;
	[tilespmem:$0x1E800] =	vst v63  }
0xa0: {  	p1 =	sne.s32 s23, s13;
	_ =	swait.ge [sflag:s30], $0x4000  }
0xa1: {  	s14 =	sshra.s32 s16, $0x2;
	[sflag:s30] =	ssyncset.done $0x0  }
0xa2: {  	s17 =	sadd.s32 $0xFFFFFFFD, s5;
	s16 =	sadd.s32 $0x80, s14;
	[sflag:s30] =	ssyncadd.s32 $0xFFFFC000  }
0xa3: {  	[spmem:s2] =	stream.indirect.scatter.add.f32 [tilespmem:s24], [sflag:$0x3], $0x80, s16, s26, $0xb8;
	[tilespmem:$0x1E800] =	vst v63  }
0xa4: {  	p2 =	slt.s32 s17, s12;
	s16 =	smov.u32 s12;
	_ =	swait.ge [sflag:s25], $0x4000  }
0xa5: {  	s16 =	smov.u32 @p2 s17;
	[sflag:s25] =	ssyncset.done $0x0  }
0xa6: {  	s16 =	sshll.u32 s16, $0xA;
	[sflag:s25] =	ssyncadd.s32 $0xFFFFC000  }
0xa7: {  	s16 =	sshra.s32 s16, $0x2  }
0xa8: {  	[tilespmem:s24], [sflag:$0x1] =	stream.indirect.gather [hbm4b:s1+s26], $0x80, s16, s26, $0xb8;
	[tilespmem:$0x1E800] =	vst v63  }
0xa9: {  	_ =	swait.ge [sflag:s31], $0x4000  }
0xaa: {  	s14 =	sadd.s32 $0x180, s14;
	s16 =	sadd.s32 $0xFFFFFFFE, s5;
	[sflag:s31] =	ssyncset.done $0x0  }
.Ltmp2:
0xab: {  	p2 =	slt.s32 s16, s12;
	[sflag:s31] =	ssyncadd.s32 $0xFFFFC000;
	(pc) =	sbr.rel @p1 .LBB2_4-.Ltmp2, $4  }
0xac: {  	[spmem:s2] =	stream.indirect.scatter.add.f32 [tilespmem:s29], [sflag:$0x3], $0x80, s14, s26, $0xb8;
	[tilespmem:$0x1E800] =	vst v63  }
0xad: {  	s14 =	smov.u32 s12  }
0xae: {  	_ =	swait.ge [sflag:s25], $0x4000;
	s14 =	smov.u32 @p2 s16  }
0xaf: {  	s5 =	sadd.s32 $0x2, s5;
	[sflag:s25] =	ssyncset.done $0x0;
	s14 =	sshll.u32 s14, $0xA  }
.LBB2_5:
0xb0: {  	[sflag:s25] =	ssyncadd.s32 $0xFFFFC000;
	s14 =	sshra.s32 s14, $0x2  }
0xb1: {  	[tilespmem:s29], [sflag:$0x2] =	stream.indirect.gather [hbm4b:s1+s26], $0x80, s14, s26, $0xb8;
	[tilespmem:$0x1E800] =	vst v63  }
0xb2: {  	_ =	swait.ge [sflag:s30], $0x4000  }
0xb3: {  	s13 =	sshra.s32 s13, $0x2;
	[sflag:s30] =	ssyncset.done $0x0  }
0xb4: {  	s16 =	sadd.s32 $0x80, s13;
	s14 =	sadd.s32 $0xFFFFFFFD, s5;
	[sflag:s30] =	ssyncadd.s32 $0xFFFFC000  }
0xb5: {  	[spmem:s2] =	stream.indirect.scatter.add.f32 [tilespmem:s24], [sflag:$0x3], $0x80, s16, s26, $0xb8;
	[tilespmem:$0x1E800] =	vst v63  }
0xb6: {  	p1 =	slt.s32 s14, s12;
	s16 =	smov.u32 s12  }
0xb7: {  	s16 =	smov.u32 @p1 s14;
	_ =	swait.ge [sflag:s25], $0x4000  }
0xb8: {  	[sflag:s25] =	ssyncset.done $0x0;
	s14 =	sshll.u32 s16, $0xA  }
0xb9: {  	[sflag:s25] =	ssyncadd.s32 $0xFFFFC000;
	s14 =	sshra.s32 s14, $0x2  }
0xba: {  	[tilespmem:s24], [sflag:$0x1] =	stream.indirect.gather [hbm4b:s1+s26], $0x80, s14, s26, $0xb8;
	[tilespmem:$0x1E800] =	vst v63  }
0xbb: {  	_ =	swait.ge [sflag:s31], $0x4000  }
0xbc: {  	s17 =	sadd.s32 $0x180, s13;
	[sflag:s31] =	ssyncset.done $0x0  }
0xbd: {  	p1 =	slt.s32 s11, s12;
	s14 =	smov.u32 s12;
	[sflag:s31] =	ssyncadd.s32 $0xFFFFC000  }
0xbe: {  	[spmem:s2] =	stream.indirect.scatter.add.f32 [tilespmem:s29], [sflag:$0x3], $0x80, s17, s26, $0xb8;
	[tilespmem:$0x1E800] =	vst v63  }
0xbf: {  	s14 =	smov.u32 @p1 s11;
	_ =	swait.ge [sflag:s25], $0x4000  }
0xc0: {  	s11 =	sshll.u32 s14, $0xA;
	[sflag:s25] =	ssyncset.done $0x0  }
0xc1: {  	s11 =	sshra.s32 s11, $0x2;
	[sflag:s25] =	ssyncadd.s32 $0xFFFFC000  }
0xc2: {  	[tilespmem:s29], [sflag:$0x2] =	stream.indirect.gather [hbm4b:s1+s26], $0x80, s11, s26, $0xb8;
	[tilespmem:$0x1E800] =	vst v63  }
0xc3: {  	_ =	swait.ge [sflag:s30], $0x4000  }
0xc4: {  	[sflag:s30] =	ssyncset.done $0x0  }
0xc5: {  	s14 =	sadd.s32 $0x280, s13;
	s11 =	sadd.s32 $0xFFFFFFFF, s5;
	[sflag:s30] =	ssyncadd.s32 $0xFFFFC000  }
0xc6: {  	[spmem:s2] =	stream.indirect.scatter.add.f32 [tilespmem:s24], [sflag:$0x3], $0x80, s14, s26, $0xb8;
	[tilespmem:$0x1E800] =	vst v63  }
0xc7: {  	p1 =	slt.s32 s11, s12;
	s14 =	smov.u32 s12  }
0xc8: {  	_ =	swait.ge [sflag:s25], $0x4000;
	s14 =	smov.u32 @p1 s11  }
0xc9: {  	[sflag:s25] =	ssyncset.done $0x0;
	s11 =	sshll.u32 s14, $0x8  }
0xca: {  	[sflag:s25] =	ssyncadd.s32 $0xFFFFC000;
	s11 =	sand.u32 $0x3FFFFF00, s11  }
0xcb: {  	[tilespmem:s24], [sflag:$0x1] =	stream.indirect.gather [hbm4b:s1+s26], $0x80, s11, s26, $0xb8;
	[tilespmem:$0x1E800] =	vst v63  }
0xcc: {  	_ =	swait.ge [sflag:s31], $0x4000  }
0xcd: {  	s16 =	sadd.s32 $0x380, s13;
	[sflag:s31] =	ssyncset.done $0x0  }
0xce: {  	p1 =	slt.s32 s5, s12;
	s11 =	smov.u32 s12;
	[sflag:s31] =	ssyncadd.s32 $0xFFFFC000  }
0xcf: {  	[spmem:s2] =	stream.indirect.scatter.add.f32 [tilespmem:s29], [sflag:$0x3], $0x80, s16, s26, $0xb8;
	[tilespmem:$0x1E800] =	vst v63  }
0xd0: {  	s11 =	smov.u32 @p1 s5;
	_ =	swait.ge [sflag:s25], $0x4000  }
0xd1: {  	s5 =	sshll.u32 s11, $0x8;
	[sflag:s25] =	ssyncset.done $0x0  }
0xd2: {  	s5 =	sand.u32 $0x3FFFFF00, s5;
	[sflag:s25] =	ssyncadd.s32 $0xFFFFC000  }
0xd3: {  	[tilespmem:s29], [sflag:$0x2] =	stream.indirect.gather [hbm4b:s1+s26], $0x80, s5, s26, $0xb8;
	[tilespmem:$0x1E800] =	vst v63  }
0xd4: {  	_ =	swait.ge [sflag:s30], $0x4000  }
0xd5: {  	[sflag:s30] =	ssyncset.done $0x0  }
0xd6: {  	[sflag:s30] =	ssyncadd.s32 $0xFFFFC000  }
0xd7: {  	_ =	swait.ge [sflag:s31], $0x4000  }
0xd8: {  	[sflag:s31] =	ssyncset.done $0x0  }
0xd9: {  	s5 =	simm.s32 @!p0 $0x0;
	s11 =	rddreg [dreg:$0x8];
	[sflag:s31] =	ssyncadd.s32 $0xFFFFC000  }
0xda: {  	[tilespmem:s5], [sflag:$0x3] =	stream.linear.gather @!p0 [hbm4b:s11+s5], $0x400, $0x38;
	[tilespmem:$0x1E800] =	vst v63  }
0xdb: {  	s5 =	simm.s32 @!p0 $0x3  }
0xdc: {  	_ =	swait.ge @!p0 [sflag:s5], $0x400  }
0xdd: {  	s13 =	simm.s32 @!p0 $0x2800;
	[sflag:s5] =	ssyncset.done @!p0 $0x0  }
0xde: {  	s14 =	simm.s32 @!p0 $0x1;
	s11 =	simm.s32 @!p0 $0x80;
	[sflag:s5] =	ssyncadd.s32 @!p0 $0xFFFFFC00  }
0xdf: {  	[tilespmem:s13], [sflag:$0x1] =	stream.indirect.gather @!p0 [hbm4b:s1+s11], $0x80, s15, s11, $0xb8;
	[tilespmem:$0x1E800] =	vst v63  }
0xe0: {  	_ =	swait.ge @!p0 [sflag:s14], $0x4000  }
0xe1: {  	[sflag:s14] =	ssyncset.done @!p0 $0x0  }
0xe2: {  	[sflag:s14] =	ssyncadd.s32 @!p0 $0xFFFFC000;
	s14 =	rddreg [dreg:$0x9]  }
0xe3: {  	[spmem:s2] =	stream.indirect.scatter.add.f32 @!p0 [tilespmem:s13], [sflag:$0x3], $0x80, s14, s11, $0xb8;
	[tilespmem:$0x1E800] =	vst v63  }
0xe4: {  	_ =	swait.ge @!p0 [sflag:s5], $0x4000  }
0xe5: {  	[sflag:s5] =	ssyncset.done @!p0 $0x0  }
0xe6: {  	[sflag:s5] =	ssyncadd.s32 @!p0 $0xFFFFC000  }
0xe7: {  	[bflag:$0x0] =	sbarrier.arrive $0xFFFF  }
0xe8: {  	[tilespmem:s24], [sflag:$0x3] =	stream.linear.gather [spmem:s6], $0x4000, $0x38;
	[tilespmem:$0x1E800] =	vst v63  }
0xe9: {  	_ =	swait.ge [sflag:s25], $0x4000  }
0xea: {  	[sflag:s25] =	ssyncset.done $0x0  }
0xeb: {  	s17 =	rddreg [dreg:$0xa];
	[sflag:s25] =	ssyncadd.s32 $0xFFFFC000  }
0xec: {  	[hbm4b:s17+s4] =	stream.linear.scatter [tilespmem:s24], [sflag:$0x3], $0x4000, $0x38;
	[tilespmem:$0x1E800] =	vst v63  }
0xed: {  	_ =	swait.ge [sflag:s25], $0x4000  }
0xee: {  	[sflag:s25] =	ssyncset.done $0x0  }
0xef: {  	[sflag:s25] =	ssyncadd.s32 $0xFFFFC000  }
0xf0: {  	[tilespmem:s24], [sflag:$0x3] =	stream.linear.gather [spmem:s7], $0x4000, $0x38;
	[tilespmem:$0x1E800] =	vst v63  }
0xf1: {  	_ =	swait.ge [sflag:s25], $0x4000  }
0xf2: {  	[sflag:s25] =	ssyncset.done $0x0  }
0xf3: {  	[sflag:s25] =	ssyncadd.s32 $0xFFFFC000  }
0xf4: {  	[hbm4b:s18+s4] =	stream.linear.scatter [tilespmem:s24], [sflag:$0x3], $0x4000, $0x38;
	[tilespmem:$0x1E800] =	vst v63  }
0xf5: {  	_ =	swait.ge [sflag:s25], $0x4000  }
0xf6: {  	[sflag:s25] =	ssyncset.done $0x0  }
0xf7: {  	[sflag:s25] =	ssyncadd.s32 $0xFFFFC000  }
0xf8: {  	[tilespmem:s24], [sflag:$0x3] =	stream.linear.gather [spmem:s8], $0x4000, $0x38;
	[tilespmem:$0x1E800] =	vst v63  }
0xf9: {  	_ =	swait.ge [sflag:s25], $0x4000  }
0xfa: {  	[sflag:s25] =	ssyncset.done $0x0  }
0xfb: {  	[sflag:s25] =	ssyncadd.s32 $0xFFFFC000  }
0xfc: {  	[hbm4b:s19+s4] =	stream.linear.scatter [tilespmem:s24], [sflag:$0x3], $0x4000, $0x38;
	[tilespmem:$0x1E800] =	vst v63  }
0xfd: {  	_ =	swait.ge [sflag:s25], $0x4000  }
0xfe: {  	[sflag:s25] =	ssyncset.done $0x0  }
0xff: {  	[sflag:s25] =	ssyncadd.s32 $0xFFFFC000  }
0x100: {  	[tilespmem:s24], [sflag:$0x3] =	stream.linear.gather [spmem:s9], $0x4000, $0x38;
	[tilespmem:$0x1E800] =	vst v63  }
0x101: {  	_ =	swait.ge [sflag:s25], $0x4000  }
0x102: {  	[sflag:s25] =	ssyncset.done $0x0  }
0x103: {  	[sflag:s25] =	ssyncadd.s32 $0xFFFFC000  }
0x104: {  	[hbm4b:s20+s4] =	stream.linear.scatter [tilespmem:s24], [sflag:$0x3], $0x4000, $0x38;
	[tilespmem:$0x1E800] =	vst v63  }
0x105: {  	_ =	swait.ge [sflag:s25], $0x4000  }
0x106: {  	[sflag:s25] =	ssyncset.done $0x0  }
0x107: {  	[sflag:s25] =	ssyncadd.s32 $0xFFFFC000  }
0x108: {  	[tilespmem:s24], [sflag:$0x3] =	stream.linear.gather [spmem:s10], $0x4000, $0x38;
	[tilespmem:$0x1E800] =	vst v63  }
0x109: {  	s0 =	sadd.s32 $0x1, s0;
	_ =	swait.ge [sflag:s25], $0x4000  }
0x10a: {  	p1 =	sne.s32 s0, s22;
	[sflag:s25] =	ssyncset.done $0x0  }
.Ltmp3:
0x10b: {  	[sflag:s25] =	ssyncadd.s32 $0xFFFFC000;
	(pc) =	sbr.rel @p1 .LBB2_1-.Ltmp3, $4  }
0x10c: {  	[hbm4b:s21+s4] =	stream.linear.scatter [tilespmem:s24], [sflag:$0x3], $0x4000, $0x38;
	[tilespmem:$0x1E800] =	vst v63  }
0x10d: {  	_ =	swait.ge [sflag:s25], $0x4000  }
0x10e: {  	[sflag:s25] =	ssyncset.done $0x0  }
0x10f: {  	[sflag:s25] =	ssyncadd.s32 $0xFFFFC000  }
0x110: {  	_ =	sfence.sel $0x180000  }
0x111: {  	[bflag:$0x0] =	sbarrier.arrive $0xFFFF  }
0x112: {  	_ =	strace $0x90000047  }
0x113: {  	s0 =	stileid.u32;
	[bflag:$0x2] =	sbarrier.arrive $0xFFFF  }
0x114: {  	p0 =	sne.s32 s0, $0x0;
	s0 =	rddreg [dreg:$0x4]  }
0x115: {  	s0 =	sadd.s32 @!p0 $0x100000, s0  }
0x116: {  	[sflag:s0] =	ssyncadd.tile.s32 @!p0 $0x1;
	_ =	shalt  }
.Lfunc_end2:
_tile_overlayer_lowered:
.L_overlay_start_2:
0x117: {  	(tag) =	ssettag $0x2  }
0x118: {  	s0 =	rddreg [dreg:$0x0];
	s2 =	stileid.u32  }
0x119: {  	s1 =	rddreg [dreg:$0x1];
	p0 =	sne.s32 s2, $0x0  }
0x11a: {  	s3 =	rddreg [dreg:$0x2];
	[bflag:$0x3] =	sbarrier.arrive $0xFFFF;
	s2 =	simm.s32 @!p0 $0x1C03  }
0x11b: {  	[timem:s3], [sflag:s2] =	dma.local @!p0 [hbm:s0], s1  }
0x11c: {  	s0 =	simm.s32 @!p0 $0x3  }
0x11d: {  	_ =	swait.ge @!p0 [sflag:s0], s1  }
0x11e: {  	s1 =	ssub.s32 @!p0 $0x0, s1;
	[sflag:s0] =	ssyncset.done @!p0 $0x0  }
0x11f: {  	[sflag:s0] =	ssyncadd.s32 @!p0 s1  }
0x120: {  	[bflag:$0x3] =	sbarrier.arrive $0xFFFF  }
0x121: {  	_ =	shalt  }

</sc_bundles>
